<compile_context>
chip_gen: v7x
topology: tpu7x:2x2x1
jax: 0.10.2.dev20260603
libtpu: 0.0.44.dev20260713+nightly
codegen_flags: <defaults>
</compile_context>

<pallas_src>
import functools

import jax
import jax.numpy as jnp
from jax import lax
from jax.experimental import pallas as pl
from jax.experimental.pallas import tpu as pltpu
from jax.experimental.pallas import tpu_sc as plsc

N_ROWS = 1000
GRID1 = 17
LATENT = 16
B = 1024
P = GRID1 * GRID1 * GRID1
L = LATENT

NW = 32
PPW = 156
NSLOTS = 3
NCORES = 2


def _body(idx_hbm, table_hbm, out_hbm, idx_v, in_v, out_v, *sems):
    wid = lax.axis_index("s") * NCORES + lax.axis_index("c")
    start = jnp.minimum(wid * 154, P - PPW)
    isems = sems[:NSLOTS]
    osems = sems[NSLOTS:]

    pltpu.sync_copy(idx_hbm, idx_v)

    def in_copy(i, s):
        return pltpu.make_async_copy(table_hbm.at[start + i], in_v.at[s], isems[s])

    def out_copy(i, s):
        return pltpu.make_async_copy(out_v.at[s], out_hbm.at[start + i], osems[s])

    for s in range(NSLOTS):
        in_copy(s, s).start()

    def gather_plane(s):
        src = in_v.at[s]
        dst = out_v.at[s]

        @plsc.parallel_loop(0, B // 16, unroll=4)
        def g_body(g):
            c = idx_v[pl.ds(16 * g, 16)]
            for l in range(L):
                row = jnp.full((16,), l, jnp.int32)
                dst[l, pl.ds(16 * g, 16)] = plsc.load_gather(src, [row, c])

    def outer(o, carry):
        for s in range(NSLOTS):
            i = NSLOTS * o + s

            @pl.when(o >= 1)
            def _():
                out_copy(i - NSLOTS, s).wait()

            in_copy(i, s).wait()
            gather_plane(s)
            out_copy(i, s).start()

            @pl.when(o < PPW // NSLOTS - 1)
            def _():
                in_copy(i + NSLOTS, s).start()

        return carry

    lax.fori_loop(0, PPW // NSLOTS, outer, 0)

    for s in range(NSLOTS):
        out_copy(PPW - NSLOTS + s, s).wait()


def kernel(indices, embeddings):
    table = jnp.transpose(embeddings, (1, 2, 3, 4, 0)).reshape(P, L, N_ROWS)
    idx32 = indices.astype(jnp.int32)

    k = functools.partial(
        pl.kernel,
        mesh=plsc.VectorSubcoreMesh(core_axis_name="c", subcore_axis_name="s"),
        out_type=jax.ShapeDtypeStruct((P, L, B), jnp.float32),
        scratch_types=[
            pltpu.VMEM((B,), jnp.int32),
            pltpu.VMEM((NSLOTS, L, N_ROWS), jnp.float32),
            pltpu.VMEM((NSLOTS, L, B), jnp.float32),
        ]
        + [pltpu.SemaphoreType.DMA] * (2 * NSLOTS),
        compiler_params=pltpu.CompilerParams(needs_layout_passes=False),
    )(_body)

    out = k(idx32, table)
    return jnp.transpose(
        out.reshape(GRID1, GRID1, GRID1, LATENT, B), (4, 0, 1, 2, 3)
    )

# --- scband reference (transcript-rebuilt; emitter-appended) ---
"""Pipeline reference for scband-grid-embedding-65326452572754 (READ-ONLY COPY).

The authoritative reference and input builder live on the scoring server;
editing this copy changes nothing except your own understanding.
"""

import jax, jax.numpy as jnp
import numpy as np

N = 1000
GRID = 16
LATENT = 16
BATCH = 1024


def setup_inputs(seed: int = 0) -> dict:
    key = jax.random.key(seed)
    k1, k2 = jax.random.split(key)
    indices = jax.random.randint(k1, (BATCH,), 0, N, dtype=jnp.int64 if jax.config.jax_enable_x64 else jnp.int32)
    embeddings = jax.random.normal(k2, (N, GRID + 1, GRID + 1, GRID + 1, LATENT), dtype=jnp.float32)
    return {"indices": indices, "embeddings": embeddings}


def reference(indices, embeddings):
    n_models = indices.shape[0]
    out = jnp.take(embeddings, indices, axis=0)
    out = out.reshape(n_models, GRID + 1, GRID + 1, GRID + 1, -1)
    return out

if __name__ == "__main__":
    import jax
    _d = setup_inputs()
    print(jax.jit(kernel)(*tuple(_d.values())))

</pallas_src>

<mosaic_0001>
#map = affine_map<(d0, d1) -> (0)>
#map1 = affine_map<(d0, d1) -> (0, 0, 0)>
module attributes {stable_mosaic.version = 14 : i64} {
  func.func @_body(%arg0: i32, %arg1: i32, %arg2: memref<1024xi32, #tpu.memory_space<hbm>>, %arg3: memref<4913x16x1000xf32, #tpu.memory_space<hbm>>, %arg4: memref<4913x16x1024xf32, #tpu.memory_space<hbm>>, %arg5: memref<1024xi32, #tpu.memory_space<vmem>>, %arg6: memref<3x16x1000xf32, #tpu.memory_space<vmem>>, %arg7: memref<3x16x1024xf32, #tpu.memory_space<vmem>>, %arg8: memref<!tpu.dma_semaphore, #tpu.memory_space<semaphore_mem>>, %arg9: memref<!tpu.dma_semaphore, #tpu.memory_space<semaphore_mem>>, %arg10: memref<!tpu.dma_semaphore, #tpu.memory_space<semaphore_mem>>, %arg11: memref<!tpu.dma_semaphore, #tpu.memory_space<semaphore_mem>>, %arg12: memref<!tpu.dma_semaphore, #tpu.memory_space<semaphore_mem>>, %arg13: memref<!tpu.dma_semaphore, #tpu.memory_space<semaphore_mem>>) attributes {dimension_semantics = [#tpu.dimension_semantics<core_parallel>, #tpu.dimension_semantics<subcore_parallel>], iteration_bounds = array<i64: 2, 16>, scalar_prefetch = 0 : i64, scratch_operands = 9 : i64, tpu.core_type = #tpu.core_type<sc_vector_subcore>, window_params = [{transform_indices = #map}, {transform_indices = #map1}, {transform_indices = #map1}]} {
    %mul3A = arith.constant 2 : i32
    %mul3A_0 = arith.muli %arg1, %mul3A : i32
    %add3A = arith.addi %mul3A_0, %arg0 : i32
    %mul3A_1 = arith.constant 154 : i32
    %mul3A_2 = arith.muli %add3A, %mul3A_1 : i32
    %min3A = arith.constant 4757 : i32
    %min3A_3 = arith.minsi %mul3A_2, %min3A : i32
    "tpu.region"() ({
      %run_scoped3A = tpu.sem_alloc : memref<!tpu.dma_semaphore, #tpu.memory_space<semaphore_mem>>
      tpu.enqueue_dma source(%arg2 : memref<1024xi32, #tpu.memory_space<hbm>>) target(%arg5 : memref<1024xi32, #tpu.memory_space<vmem>>) target_semaphore(%run_scoped3A : memref<!tpu.dma_semaphore, #tpu.memory_space<semaphore_mem>>)
      tpu.wait_dma2 semaphore(%run_scoped3A : memref<!tpu.dma_semaphore, #tpu.memory_space<semaphore_mem>>) src(%arg2 : memref<1024xi32, #tpu.memory_space<hbm>>) dst(%arg5 : memref<1024xi32, #tpu.memory_space<vmem>>)
      tpu.yield
    }) : () -> ()
    %add3A_4 = arith.constant 0 : i32
    %add3A_5 = arith.addi %min3A_3, %add3A_4 : i32
    %dma_start3A = arith.constant 0 : i32
    %dma_start3A_6 = arith.constant 0 : i32
    %dma_start3A_7 = arith.constant 0 : i32
    %dma_start3A_8 = tpu.memref_slice %arg6[%dma_start3A, %dma_start3A_6, %dma_start3A_7] : memref<3x16x1000xf32, #tpu.memory_space<vmem>> -> memref<1x16x1000xf32, #tpu.memory_space<vmem>>
    %dma_start3A_9 = tpu.memref_squeeze %dma_start3A_8 : memref<1x16x1000xf32, #tpu.memory_space<vmem>> -> memref<16x1000xf32, #tpu.memory_space<vmem>>
    %dma_start3A_10 = arith.constant 0 : i32
    %dma_start3A_11 = arith.constant 0 : i32
    %dma_start3A_12 = tpu.memref_slice %arg3[%add3A_5, %dma_start3A_10, %dma_start3A_11] : memref<4913x16x1000xf32, #tpu.memory_space<hbm>> -> memref<1x16x1000xf32, #tpu.memory_space<hbm>>
    %dma_start3A_13 = tpu.memref_squeeze %dma_start3A_12 : memref<1x16x1000xf32, #tpu.memory_space<hbm>> -> memref<16x1000xf32, #tpu.memory_space<hbm>>
    %dma_start3A_14 = arith.constant 0 : i32
    %dma_start3A_15 = arith.constant 0 : i32
    %dma_start3A_16 = tpu.memref_slice %arg6[%dma_start3A, %dma_start3A_14, %dma_start3A_15] : memref<3x16x1000xf32, #tpu.memory_space<vmem>> -> memref<1x16x1000xf32, #tpu.memory_space<vmem>>
    %dma_start3A_17 = tpu.memref_squeeze %dma_start3A_16 : memref<1x16x1000xf32, #tpu.memory_space<vmem>> -> memref<16x1000xf32, #tpu.memory_space<vmem>>
    %dma_start3A_18 = arith.constant 0 : i32
    %dma_start3A_19 = arith.constant 0 : i32
    %dma_start3A_20 = tpu.memref_slice %arg3[%add3A_5, %dma_start3A_18, %dma_start3A_19] : memref<4913x16x1000xf32, #tpu.memory_space<hbm>> -> memref<1x16x1000xf32, #tpu.memory_space<hbm>>
    %dma_start3A_21 = tpu.memref_squeeze %dma_start3A_20 : memref<1x16x1000xf32, #tpu.memory_space<hbm>> -> memref<16x1000xf32, #tpu.memory_space<hbm>>
    tpu.enqueue_dma source(%dma_start3A_21 : memref<16x1000xf32, #tpu.memory_space<hbm>>) target(%dma_start3A_17 : memref<16x1000xf32, #tpu.memory_space<vmem>>) target_semaphore(%arg8 : memref<!tpu.dma_semaphore, #tpu.memory_space<semaphore_mem>>)
    %add3A_22 = arith.constant 1 : i32
    %add3A_23 = arith.addi %min3A_3, %add3A_22 : i32
    %dma_start3A_24 = arith.constant 1 : i32
    %dma_start3A_25 = arith.constant 0 : i32
    %dma_start3A_26 = arith.constant 0 : i32
    %dma_start3A_27 = tpu.memref_slice %arg6[%dma_start3A_24, %dma_start3A_25, %dma_start3A_26] : memref<3x16x1000xf32, #tpu.memory_space<vmem>> -> memref<1x16x1000xf32, #tpu.memory_space<vmem>>
    %dma_start3A_28 = tpu.memref_squeeze %dma_start3A_27 : memref<1x16x1000xf32, #tpu.memory_space<vmem>> -> memref<16x1000xf32, #tpu.memory_space<vmem>>
    %dma_start3A_29 = arith.constant 0 : i32
    %dma_start3A_30 = arith.constant 0 : i32
    %dma_start3A_31 = tpu.memref_slice %arg3[%add3A_23, %dma_start3A_29, %dma_start3A_30] : memref<4913x16x1000xf32, #tpu.memory_space<hbm>> -> memref<1x16x1000xf32, #tpu.memory_space<hbm>>
    %dma_start3A_32 = tpu.memref_squeeze %dma_start3A_31 : memref<1x16x1000xf32, #tpu.memory_space<hbm>> -> memref<16x1000xf32, #tpu.memory_space<hbm>>
    %dma_start3A_33 = arith.constant 0 : i32
    %dma_start3A_34 = arith.constant 0 : i32
    %dma_start3A_35 = tpu.memref_slice %arg6[%dma_start3A_24, %dma_start3A_33, %dma_start3A_34] : memref<3x16x1000xf32, #tpu.memory_space<vmem>> -> memref<1x16x1000xf32, #tpu.memory_space<vmem>>
    %dma_start3A_36 = tpu.memref_squeeze %dma_start3A_35 : memref<1x16x1000xf32, #tpu.memory_space<vmem>> -> memref<16x1000xf32, #tpu.memory_space<vmem>>
    %dma_start3A_37 = arith.constant 0 : i32
    %dma_start3A_38 = arith.constant 0 : i32
    %dma_start3A_39 = tpu.memref_slice %arg3[%add3A_23, %dma_start3A_37, %dma_start3A_38] : memref<4913x16x1000xf32, #tpu.memory_space<hbm>> -> memref<1x16x1000xf32, #tpu.memory_space<hbm>>
    %dma_start3A_40 = tpu.memref_squeeze %dma_start3A_39 : memref<1x16x1000xf32, #tpu.memory_space<hbm>> -> memref<16x1000xf32, #tpu.memory_space<hbm>>
    tpu.enqueue_dma source(%dma_start3A_40 : memref<16x1000xf32, #tpu.memory_space<hbm>>) target(%dma_start3A_36 : memref<16x1000xf32, #tpu.memory_space<vmem>>) target_semaphore(%arg9 : memref<!tpu.dma_semaphore, #tpu.memory_space<semaphore_mem>>)
    %add3A_41 = arith.constant 2 : i32
    %add3A_42 = arith.addi %min3A_3, %add3A_41 : i32
    %dma_start3A_43 = arith.constant 2 : i32
    %dma_start3A_44 = arith.constant 0 : i32
    %dma_start3A_45 = arith.constant 0 : i32
    %dma_start3A_46 = tpu.memref_slice %arg6[%dma_start3A_43, %dma_start3A_44, %dma_start3A_45] : memref<3x16x1000xf32, #tpu.memory_space<vmem>> -> memref<1x16x1000xf32, #tpu.memory_space<vmem>>
    %dma_start3A_47 = tpu.memref_squeeze %dma_start3A_46 : memref<1x16x1000xf32, #tpu.memory_space<vmem>> -> memref<16x1000xf32, #tpu.memory_space<vmem>>
    %dma_start3A_48 = arith.constant 0 : i32
    %dma_start3A_49 = arith.constant 0 : i32
    %dma_start3A_50 = tpu.memref_slice %arg3[%add3A_42, %dma_start3A_48, %dma_start3A_49] : memref<4913x16x1000xf32, #tpu.memory_space<hbm>> -> memref<1x16x1000xf32, #tpu.memory_space<hbm>>
    %dma_start3A_51 = tpu.memref_squeeze %dma_start3A_50 : memref<1x16x1000xf32, #tpu.memory_space<hbm>> -> memref<16x1000xf32, #tpu.memory_space<hbm>>
    %dma_start3A_52 = arith.constant 0 : i32
    %dma_start3A_53 = arith.constant 0 : i32
    %dma_start3A_54 = tpu.memref_slice %arg6[%dma_start3A_43, %dma_start3A_52, %dma_start3A_53] : memref<3x16x1000xf32, #tpu.memory_space<vmem>> -> memref<1x16x1000xf32, #tpu.memory_space<vmem>>
    %dma_start3A_55 = tpu.memref_squeeze %dma_start3A_54 : memref<1x16x1000xf32, #tpu.memory_space<vmem>> -> memref<16x1000xf32, #tpu.memory_space<vmem>>
    %dma_start3A_56 = arith.constant 0 : i32
    %dma_start3A_57 = arith.constant 0 : i32
    %dma_start3A_58 = tpu.memref_slice %arg3[%add3A_42, %dma_start3A_56, %dma_start3A_57] : memref<4913x16x1000xf32, #tpu.memory_space<hbm>> -> memref<1x16x1000xf32, #tpu.memory_space<hbm>>
    %dma_start3A_59 = tpu.memref_squeeze %dma_start3A_58 : memref<1x16x1000xf32, #tpu.memory_space<hbm>> -> memref<16x1000xf32, #tpu.memory_space<hbm>>
    tpu.enqueue_dma source(%dma_start3A_59 : memref<16x1000xf32, #tpu.memory_space<hbm>>) target(%dma_start3A_55 : memref<16x1000xf32, #tpu.memory_space<vmem>>) target_semaphore(%arg10 : memref<!tpu.dma_semaphore, #tpu.memory_space<semaphore_mem>>)
    %scan3A = arith.constant 0 : i32
    %scan3A_60 = arith.constant 0 : i32
    %scan3A_61 = arith.constant 52 : i32
    %scan3A_62 = arith.addi %scan3A_60, %scan3A_61 : i32
    %scan3A_63 = arith.constant 1 : i32
    scf.for %scan3A_121 = %scan3A_60 to %scan3A_62 step %scan3A_63  : i32 {
      %mul3A_122 = arith.constant 3 : i32
      %mul3A_123 = arith.muli %mul3A_122, %scan3A_121 : i32
      %add3A_124 = arith.constant 0 : i32
      %add3A_125 = arith.addi %mul3A_123, %add3A_124 : i32
      %ge3A = arith.constant 1 : i32
      %ge3A_126 = arith.cmpi sge, %scan3A_121, %ge3A : i32
      %convert_element_type3A = arith.extui %ge3A_126 : i1 to i32
      %cond3A = arith.constant 0 : i32
      %cond3A_127 = arith.cmpi ne, %convert_element_type3A, %cond3A : i32
      scf.if %cond3A_127 {
        %sub3A = arith.constant 3 : i32
        %sub3A_282 = arith.subi %add3A_125, %sub3A : i32
        %add3A_283 = arith.addi %min3A_3, %sub3A_282 : i32
        %dma_wait3A_284 = arith.constant 0 : i32
        %dma_wait3A_285 = arith.constant 0 : i32
        %dma_wait3A_286 = arith.constant 0 : i32
        %dma_wait3A_287 = tpu.memref_slice %arg7[%dma_wait3A_284, %dma_wait3A_285, %dma_wait3A_286] : memref<3x16x1024xf32, #tpu.memory_space<vmem>> -> memref<1x16x1024xf32, #tpu.memory_space<vmem>>
        %dma_wait3A_288 = tpu.memref_squeeze %dma_wait3A_287 : memref<1x16x1024xf32, #tpu.memory_space<vmem>> -> memref<16x1024xf32, #tpu.memory_space<vmem>>
        %dma_wait3A_289 = arith.constant 0 : i32
        %dma_wait3A_290 = arith.constant 0 : i32
        %dma_wait3A_291 = tpu.memref_slice %arg4[%add3A_283, %dma_wait3A_289, %dma_wait3A_290] : memref<4913x16x1024xf32, #tpu.memory_space<hbm>> -> memref<1x16x1024xf32, #tpu.memory_space<hbm>>
        %dma_wait3A_292 = tpu.memref_squeeze %dma_wait3A_291 : memref<1x16x1024xf32, #tpu.memory_space<hbm>> -> memref<16x1024xf32, #tpu.memory_space<hbm>>
        %dma_wait3A_293 = arith.constant 0 : i32
        %dma_wait3A_294 = arith.constant 0 : i32
        %dma_wait3A_295 = tpu.memref_slice %arg4[%add3A_283, %dma_wait3A_293, %dma_wait3A_294] : memref<4913x16x1024xf32, #tpu.memory_space<hbm>> -> memref<1x16x1024xf32, #tpu.memory_space<hbm>>
        %dma_wait3A_296 = tpu.memref_squeeze %dma_wait3A_295 : memref<1x16x1024xf32, #tpu.memory_space<hbm>> -> memref<16x1024xf32, #tpu.memory_space<hbm>>
        %dma_wait3A_297 = arith.constant 0 : i32
        %dma_wait3A_298 = arith.constant 0 : i32
        %dma_wait3A_299 = tpu.memref_slice %arg7[%dma_wait3A_284, %dma_wait3A_297, %dma_wait3A_298] : memref<3x16x1024xf32, #tpu.memory_space<vmem>> -> memref<1x16x1024xf32, #tpu.memory_space<vmem>>
        %dma_wait3A_300 = tpu.memref_squeeze %dma_wait3A_299 : memref<1x16x1024xf32, #tpu.memory_space<vmem>> -> memref<16x1024xf32, #tpu.memory_space<vmem>>
        tpu.wait_dma2 semaphore(%arg11 : memref<!tpu.dma_semaphore, #tpu.memory_space<semaphore_mem>>) src(%dma_wait3A_300 : memref<16x1024xf32, #tpu.memory_space<vmem>>) dst(%dma_wait3A_296 : memref<16x1024xf32, #tpu.memory_space<hbm>>)
      } else {
      }
      %add3A_128 = arith.addi %min3A_3, %add3A_125 : i32
      %dma_wait3A_129 = arith.constant 0 : i32
      %dma_wait3A_130 = arith.constant 0 : i32
      %dma_wait3A_131 = arith.constant 0 : i32
      %dma_wait3A_132 = tpu.memref_slice %arg6[%dma_wait3A_129, %dma_wait3A_130, %dma_wait3A_131] : memref<3x16x1000xf32, #tpu.memory_space<vmem>> -> memref<1x16x1000xf32, #tpu.memory_space<vmem>>
      %dma_wait3A_133 = tpu.memref_squeeze %dma_wait3A_132 : memref<1x16x1000xf32, #tpu.memory_space<vmem>> -> memref<16x1000xf32, #tpu.memory_space<vmem>>
      %dma_wait3A_134 = arith.constant 0 : i32
      %dma_wait3A_135 = arith.constant 0 : i32
      %dma_wait3A_136 = tpu.memref_slice %arg3[%add3A_128, %dma_wait3A_134, %dma_wait3A_135] : memref<4913x16x1000xf32, #tpu.memory_space<hbm>> -> memref<1x16x1000xf32, #tpu.memory_space<hbm>>
      %dma_wait3A_137 = tpu.memref_squeeze %dma_wait3A_136 : memref<1x16x1000xf32, #tpu.memory_space<hbm>> -> memref<16x1000xf32, #tpu.memory_space<hbm>>
      %dma_wait3A_138 = arith.constant 0 : i32
      %dma_wait3A_139 = arith.constant 0 : i32
      %dma_wait3A_140 = tpu.memref_slice %arg6[%dma_wait3A_129, %dma_wait3A_138, %dma_wait3A_139] : memref<3x16x1000xf32, #tpu.memory_space<vmem>> -> memref<1x16x1000xf32, #tpu.memory_space<vmem>>
      %dma_wait3A_141 = tpu.memref_squeeze %dma_wait3A_140 : memref<1x16x1000xf32, #tpu.memory_space<vmem>> -> memref<16x1000xf32, #tpu.memory_space<vmem>>
      %dma_wait3A_142 = arith.constant 0 : i32
      %dma_wait3A_143 = arith.constant 0 : i32
      %dma_wait3A_144 = tpu.memref_slice %arg3[%add3A_128, %dma_wait3A_142, %dma_wait3A_143] : memref<4913x16x1000xf32, #tpu.memory_space<hbm>> -> memref<1x16x1000xf32, #tpu.memory_space<hbm>>
      %dma_wait3A_145 = tpu.memref_squeeze %dma_wait3A_144 : memref<1x16x1000xf32, #tpu.memory_space<hbm>> -> memref<16x1000xf32, #tpu.memory_space<hbm>>
      tpu.wait_dma2 semaphore(%arg8 : memref<!tpu.dma_semaphore, #tpu.memory_space<semaphore_mem>>) src(%dma_wait3A_145 : memref<16x1000xf32, #tpu.memory_space<hbm>>) dst(%dma_wait3A_141 : memref<16x1000xf32, #tpu.memory_space<vmem>>)
      %parallel_loop3A = arith.constant 0 : i32
      %parallel_loop3A_146 = arith.constant 64 : i32
      %parallel_loop3A_147 = arith.constant 1 : i32
      %parallel_loop3A_148 = arith.constant 0 : i32
      %parallel_loop3A_149 = arith.constant 0 : i32
      scf.for %parallel_loop3A_282 = %parallel_loop3A to %parallel_loop3A_146 step %parallel_loop3A_147  : i32 {
        %parallel_loop3A_283 = arith.constant 16 : i32
        %parallel_loop3A_284 = arith.muli %parallel_loop3A_283, %parallel_loop3A_282 : i32
        %parallel_loop3A_285 = arith.index_cast %parallel_loop3A_284 : i32 to index
        %parallel_loop3A_286 = tpu.vector_load %arg5[%parallel_loop3A_285] {strides = array<i32>} : memref<1024xi32, #tpu.memory_space<vmem>>, vector<16xi32>,
        %parallel_loop3A_287 = arith.constant 0 : i32
        %parallel_loop3A_288 = vector.broadcast %parallel_loop3A_287 : i32 to vector<16xi32>
        %parallel_loop3A_289 = arith.constant 0 : i32
        %parallel_loop3A_290 = arith.constant 0 : i32
        %parallel_loop3A_291 = tpu.memref_slice %arg6[%parallel_loop3A_148, %parallel_loop3A_289, %parallel_loop3A_290] : memref<3x16x1000xf32, #tpu.memory_space<vmem>> -> memref<1x16x1000xf32, #tpu.memory_space<vmem>>
        %parallel_loop3A_292 = tpu.memref_squeeze %parallel_loop3A_291 : memref<1x16x1000xf32, #tpu.memory_space<vmem>> -> memref<16x1000xf32, #tpu.memory_space<vmem>>
        %parallel_loop3A_293 = tpu.vector_load_idx %parallel_loop3A_292[%parallel_loop3A_288, %parallel_loop3A_286] : memref<16x1000xf32, #tpu.memory_space<vmem>>[vector<16xi32>, vector<16xi32>], vector<16xf32>,
        %parallel_loop3A_294 = arith.constant 16 : i32
        %parallel_loop3A_295 = arith.muli %parallel_loop3A_294, %parallel_loop3A_282 : i32
        %parallel_loop3A_296 = arith.constant 0 : i32
        %parallel_loop3A_297 = arith.constant 0 : i32
        %parallel_loop3A_298 = arith.constant 0 : i32
        %parallel_loop3A_299 = tpu.memref_slice %arg7[%parallel_loop3A_149, %parallel_loop3A_297, %parallel_loop3A_298] : memref<3x16x1024xf32, #tpu.memory_space<vmem>> -> memref<1x16x1024xf32, #tpu.memory_space<vmem>>
        %parallel_loop3A_300 = tpu.memref_squeeze %parallel_loop3A_299 : memref<1x16x1024xf32, #tpu.memory_space<vmem>> -> memref<16x1024xf32, #tpu.memory_space<vmem>>
        %parallel_loop3A_301 = arith.index_cast %parallel_loop3A_296 : i32 to index
        %parallel_loop3A_302 = arith.index_cast %parallel_loop3A_295 : i32 to index
        %parallel_loop3A_303 = tpu.vector_load %parallel_loop3A_300[%parallel_loop3A_301, %parallel_loop3A_302] {strides = array<i32>} : memref<16x1024xf32, #tpu.memory_space<vmem>>, vector<16xf32>,
        tpu.vector_store %parallel_loop3A_300[%parallel_loop3A_301, %parallel_loop3A_302], %parallel_loop3A_293 {strides = array<i32>} : memref<16x1024xf32, #tpu.memory_space<vmem>>, vector<16xf32>,
        %parallel_loop3A_304 = arith.constant 1 : i32
        %parallel_loop3A_305 = vector.broadcast %parallel_loop3A_304 : i32 to vector<16xi32>
        %parallel_loop3A_306 = arith.constant 0 : i32
        %parallel_loop3A_307 = arith.constant 0 : i32
        %parallel_loop3A_308 = tpu.memref_slice %arg6[%parallel_loop3A_148, %parallel_loop3A_306, %parallel_loop3A_307] : memref<3x16x1000xf32, #tpu.memory_space<vmem>> -> memref<1x16x1000xf32, #tpu.memory_space<vmem>>
        %parallel_loop3A_309 = tpu.memref_squeeze %parallel_loop3A_308 : memref<1x16x1000xf32, #tpu.memory_space<vmem>> -> memref<16x1000xf32, #tpu.memory_space<vmem>>
        %parallel_loop3A_310 = tpu.vector_load_idx %parallel_loop3A_309[%parallel_loop3A_305, %parallel_loop3A_286] : memref<16x1000xf32, #tpu.memory_space<vmem>>[vector<16xi32>, vector<16xi32>], vector<16xf32>,
        %parallel_loop3A_311 = arith.constant 16 : i32
        %parallel_loop3A_312 = arith.muli %parallel_loop3A_311, %parallel_loop3A_282 : i32
        %parallel_loop3A_313 = arith.constant 1 : i32
        %parallel_loop3A_314 = arith.constant 0 : i32
        %parallel_loop3A_315 = arith.constant 0 : i32
        %parallel_loop3A_316 = tpu.memref_slice %arg7[%parallel_loop3A_149, %parallel_loop3A_314, %parallel_loop3A_315] : memref<3x16x1024xf32, #tpu.memory_space<vmem>> -> memref<1x16x1024xf32, #tpu.memory_space<vmem>>
        %parallel_loop3A_317 = tpu.memref_squeeze %parallel_loop3A_316 : memref<1x16x1024xf32, #tpu.memory_space<vmem>> -> memref<16x1024xf32, #tpu.memory_space<vmem>>
        %parallel_loop3A_318 = arith.index_cast %parallel_loop3A_313 : i32 to index
        %parallel_loop3A_319 = arith.index_cast %parallel_loop3A_312 : i32 to index
        %parallel_loop3A_320 = tpu.vector_load %parallel_loop3A_317[%parallel_loop3A_318, %parallel_loop3A_319] {strides = array<i32>} : memref<16x1024xf32, #tpu.memory_space<vmem>>, vector<16xf32>,
        tpu.vector_store %parallel_loop3A_317[%parallel_loop3A_318, %parallel_loop3A_319], %parallel_loop3A_310 {strides = array<i32>} : memref<16x1024xf32, #tpu.memory_space<vmem>>, vector<16xf32>,
        %parallel_loop3A_321 = arith.constant 2 : i32
        %parallel_loop3A_322 = vector.broadcast %parallel_loop3A_321 : i32 to vector<16xi32>
        %parallel_loop3A_323 = arith.constant 0 : i32
        %parallel_loop3A_324 = arith.constant 0 : i32
        %parallel_loop3A_325 = tpu.memref_slice %arg6[%parallel_loop3A_148, %parallel_loop3A_323, %parallel_loop3A_324] : memref<3x16x1000xf32, #tpu.memory_space<vmem>> -> memref<1x16x1000xf32, #tpu.memory_space<vmem>>
        %parallel_loop3A_326 = tpu.memref_squeeze %parallel_loop3A_325 : memref<1x16x1000xf32, #tpu.memory_space<vmem>> -> memref<16x1000xf32, #tpu.memory_space<vmem>>
        %parallel_loop3A_327 = tpu.vector_load_idx %parallel_loop3A_326[%parallel_loop3A_322, %parallel_loop3A_286] : memref<16x1000xf32, #tpu.memory_space<vmem>>[vector<16xi32>, vector<16xi32>], vector<16xf32>,
        %parallel_loop3A_328 = arith.constant 16 : i32
        %parallel_loop3A_329 = arith.muli %parallel_loop3A_328, %parallel_loop3A_282 : i32
        %parallel_loop3A_330 = arith.constant 2 : i32
        %parallel_loop3A_331 = arith.constant 0 : i32
        %parallel_loop3A_332 = arith.constant 0 : i32
        %parallel_loop3A_333 = tpu.memref_slice %arg7[%parallel_loop3A_149, %parallel_loop3A_331, %parallel_loop3A_332] : memref<3x16x1024xf32, #tpu.memory_space<vmem>> -> memref<1x16x1024xf32, #tpu.memory_space<vmem>>
        %parallel_loop3A_334 = tpu.memref_squeeze %parallel_loop3A_333 : memref<1x16x1024xf32, #tpu.memory_space<vmem>> -> memref<16x1024xf32, #tpu.memory_space<vmem>>
        %parallel_loop3A_335 = arith.index_cast %parallel_loop3A_330 : i32 to index
        %parallel_loop3A_336 = arith.index_cast %parallel_loop3A_329 : i32 to index
        %parallel_loop3A_337 = tpu.vector_load %parallel_loop3A_334[%parallel_loop3A_335, %parallel_loop3A_336] {strides = array<i32>} : memref<16x1024xf32, #tpu.memory_space<vmem>>, vector<16xf32>,
        tpu.vector_store %parallel_loop3A_334[%parallel_loop3A_335, %parallel_loop3A_336], %parallel_loop3A_327 {strides = array<i32>} : memref<16x1024xf32, #tpu.memory_space<vmem>>, vector<16xf32>,
        %parallel_loop3A_338 = arith.constant 3 : i32
        %parallel_loop3A_339 = vector.broadcast %parallel_loop3A_338 : i32 to vector<16xi32>
        %parallel_loop3A_340 = arith.constant 0 : i32
        %parallel_loop3A_341 = arith.constant 0 : i32
        %parallel_loop3A_342 = tpu.memref_slice %arg6[%parallel_loop3A_148, %parallel_loop3A_340, %parallel_loop3A_341] : memref<3x16x1000xf32, #tpu.memory_space<vmem>> -> memref<1x16x1000xf32, #tpu.memory_space<vmem>>
        %parallel_loop3A_343 = tpu.memref_squeeze %parallel_loop3A_342 : memref<1x16x1000xf32, #tpu.memory_space<vmem>> -> memref<16x1000xf32, #tpu.memory_space<vmem>>
        %parallel_loop3A_344 = tpu.vector_load_idx %parallel_loop3A_343[%parallel_loop3A_339, %parallel_loop3A_286] : memref<16x1000xf32, #tpu.memory_space<vmem>>[vector<16xi32>, vector<16xi32>], vector<16xf32>,
        %parallel_loop3A_345 = arith.constant 16 : i32
        %parallel_loop3A_346 = arith.muli %parallel_loop3A_345, %parallel_loop3A_282 : i32
        %parallel_loop3A_347 = arith.constant 3 : i32
        %parallel_loop3A_348 = arith.constant 0 : i32
        %parallel_loop3A_349 = arith.constant 0 : i32
        %parallel_loop3A_350 = tpu.memref_slice %arg7[%parallel_loop3A_149, %parallel_loop3A_348, %parallel_loop3A_349] : memref<3x16x1024xf32, #tpu.memory_space<vmem>> -> memref<1x16x1024xf32, #tpu.memory_space<vmem>>
        %parallel_loop3A_351 = tpu.memref_squeeze %parallel_loop3A_350 : memref<1x16x1024xf32, #tpu.memory_space<vmem>> -> memref<16x1024xf32, #tpu.memory_space<vmem>>
        %parallel_loop3A_352 = arith.index_cast %parallel_loop3A_347 : i32 to index
        %parallel_loop3A_353 = arith.index_cast %parallel_loop3A_346 : i32 to index
        %parallel_loop3A_354 = tpu.vector_load %parallel_loop3A_351[%parallel_loop3A_352, %parallel_loop3A_353] {strides = array<i32>} : memref<16x1024xf32, #tpu.memory_space<vmem>>, vector<16xf32>,
        tpu.vector_store %parallel_loop3A_351[%parallel_loop3A_352, %parallel_loop3A_353], %parallel_loop3A_344 {strides = array<i32>} : memref<16x1024xf32, #tpu.memory_space<vmem>>, vector<16xf32>,
        %parallel_loop3A_355 = arith.constant 4 : i32
        %parallel_loop3A_356 = vector.broadcast %parallel_loop3A_355 : i32 to vector<16xi32>
        %parallel_loop3A_357 = arith.constant 0 : i32
        %parallel_loop3A_358 = arith.constant 0 : i32
        %parallel_loop3A_359 = tpu.memref_slice %arg6[%parallel_loop3A_148, %parallel_loop3A_357, %parallel_loop3A_358] : memref<3x16x1000xf32, #tpu.memory_space<vmem>> -> memref<1x16x1000xf32, #tpu.memory_space<vmem>>
        %parallel_loop3A_360 = tpu.memref_squeeze %parallel_loop3A_359 : memref<1x16x1000xf32, #tpu.memory_space<vmem>> -> memref<16x1000xf32, #tpu.memory_space<vmem>>
        %parallel_loop3A_361 = tpu.vector_load_idx %parallel_loop3A_360[%parallel_loop3A_356, %parallel_loop3A_286] : memref<16x1000xf32, #tpu.memory_space<vmem>>[vector<16xi32>, vector<16xi32>], vector<16xf32>,
        %parallel_loop3A_362 = arith.constant 16 : i32
        %parallel_loop3A_363 = arith.muli %parallel_loop3A_362, %parallel_loop3A_282 : i32
        %parallel_loop3A_364 = arith.constant 4 : i32
        %parallel_loop3A_365 = arith.constant 0 : i32
        %parallel_loop3A_366 = arith.constant 0 : i32
        %parallel_loop3A_367 = tpu.memref_slice %arg7[%parallel_loop3A_149, %parallel_loop3A_365, %parallel_loop3A_366] : memref<3x16x1024xf32, #tpu.memory_space<vmem>> -> memref<1x16x1024xf32, #tpu.memory_space<vmem>>
        %parallel_loop3A_368 = tpu.memref_squeeze %parallel_loop3A_367 : memref<1x16x1024xf32, #tpu.memory_space<vmem>> -> memref<16x1024xf32, #tpu.memory_space<vmem>>
        %parallel_loop3A_369 = arith.index_cast %parallel_loop3A_364 : i32 to index
        %parallel_loop3A_370 = arith.index_cast %parallel_loop3A_363 : i32 to index
        %parallel_loop3A_371 = tpu.vector_load %parallel_loop3A_368[%parallel_loop3A_369, %parallel_loop3A_370] {strides = array<i32>} : memref<16x1024xf32, #tpu.memory_space<vmem>>, vector<16xf32>,
        tpu.vector_store %parallel_loop3A_368[%parallel_loop3A_369, %parallel_loop3A_370], %parallel_loop3A_361 {strides = array<i32>} : memref<16x1024xf32, #tpu.memory_space<vmem>>, vector<16xf32>,
        %parallel_loop3A_372 = arith.constant 5 : i32
        %parallel_loop3A_373 = vector.broadcast %parallel_loop3A_372 : i32 to vector<16xi32>
        %parallel_loop3A_374 = arith.constant 0 : i32
        %parallel_loop3A_375 = arith.constant 0 : i32
        %parallel_loop3A_376 = tpu.memref_slice %arg6[%parallel_loop3A_148, %parallel_loop3A_374, %parallel_loop3A_375] : memref<3x16x1000xf32, #tpu.memory_space<vmem>> -> memref<1x16x1000xf32, #tpu.memory_space<vmem>>
        %parallel_loop3A_377 = tpu.memref_squeeze %parallel_loop3A_376 : memref<1x16x1000xf32, #tpu.memory_space<vmem>> -> memref<16x1000xf32, #tpu.memory_space<vmem>>
        %parallel_loop3A_378 = tpu.vector_load_idx %parallel_loop3A_377[%parallel_loop3A_373, %parallel_loop3A_286] : memref<16x1000xf32, #tpu.memory_space<vmem>>[vector<16xi32>, vector<16xi32>], vector<16xf32>,
        %parallel_loop3A_379 = arith.constant 16 : i32
        %parallel_loop3A_380 = arith.muli %parallel_loop3A_379, %parallel_loop3A_282 : i32
        %parallel_loop3A_381 = arith.constant 5 : i32
        %parallel_loop3A_382 = arith.constant 0 : i32
        %parallel_loop3A_383 = arith.constant 0 : i32
        %parallel_loop3A_384 = tpu.memref_slice %arg7[%parallel_loop3A_149, %parallel_loop3A_382, %parallel_loop3A_383] : memref<3x16x1024xf32, #tpu.memory_space<vmem>> -> memref<1x16x1024xf32, #tpu.memory_space<vmem>>
        %parallel_loop3A_385 = tpu.memref_squeeze %parallel_loop3A_384 : memref<1x16x1024xf32, #tpu.memory_space<vmem>> -> memref<16x1024xf32, #tpu.memory_space<vmem>>
        %parallel_loop3A_386 = arith.index_cast %parallel_loop3A_381 : i32 to index
        %parallel_loop3A_387 = arith.index_cast %parallel_loop3A_380 : i32 to index
        %parallel_loop3A_388 = tpu.vector_load %parallel_loop3A_385[%parallel_loop3A_386, %parallel_loop3A_387] {strides = array<i32>} : memref<16x1024xf32, #tpu.memory_space<vmem>>, vector<16xf32>,
        tpu.vector_store %parallel_loop3A_385[%parallel_loop3A_386, %parallel_loop3A_387], %parallel_loop3A_378 {strides = array<i32>} : memref<16x1024xf32, #tpu.memory_space<vmem>>, vector<16xf32>,
        %parallel_loop3A_389 = arith.constant 6 : i32
        %parallel_loop3A_390 = vector.broadcast %parallel_loop3A_389 : i32 to vector<16xi32>
        %parallel_loop3A_391 = arith.constant 0 : i32
        %parallel_loop3A_392 = arith.constant 0 : i32
        %parallel_loop3A_393 = tpu.memref_slice %arg6[%parallel_loop3A_148, %parallel_loop3A_391, %parallel_loop3A_392] : memref<3x16x1000xf32, #tpu.memory_space<vmem>> -> memref<1x16x1000xf32, #tpu.memory_space<vmem>>
        %parallel_loop3A_394 = tpu.memref_squeeze %parallel_loop3A_393 : memref<1x16x1000xf32, #tpu.memory_space<vmem>> -> memref<16x1000xf32, #tpu.memory_space<vmem>>
        %parallel_loop3A_395 = tpu.vector_load_idx %parallel_loop3A_394[%parallel_loop3A_390, %parallel_loop3A_286] : memref<16x1000xf32, #tpu.memory_space<vmem>>[vector<16xi32>, vector<16xi32>], vector<16xf32>,
        %parallel_loop3A_396 = arith.constant 16 : i32
        %parallel_loop3A_397 = arith.muli %parallel_loop3A_396, %parallel_loop3A_282 : i32
        %parallel_loop3A_398 = arith.constant 6 : i32
        %parallel_loop3A_399 = arith.constant 0 : i32
        %parallel_loop3A_400 = arith.constant 0 : i32
        %parallel_loop3A_401 = tpu.memref_slice %arg7[%parallel_loop3A_149, %parallel_loop3A_399, %parallel_loop3A_400] : memref<3x16x1024xf32, #tpu.memory_space<vmem>> -> memref<1x16x1024xf32, #tpu.memory_space<vmem>>
        %parallel_loop3A_402 = tpu.memref_squeeze %parallel_loop3A_401 : memref<1x16x1024xf32, #tpu.memory_space<vmem>> -> memref<16x1024xf32, #tpu.memory_space<vmem>>
        %parallel_loop3A_403 = arith.index_cast %parallel_loop3A_398 : i32 to index
        %parallel_loop3A_404 = arith.index_cast %parallel_loop3A_397 : i32 to index
        %parallel_loop3A_405 = tpu.vector_load %parallel_loop3A_402[%parallel_loop3A_403, %parallel_loop3A_404] {strides = array<i32>} : memref<16x1024xf32, #tpu.memory_space<vmem>>, vector<16xf32>,
        tpu.vector_store %parallel_loop3A_402[%parallel_loop3A_403, %parallel_loop3A_404], %parallel_loop3A_395 {strides = array<i32>} : memref<16x1024xf32, #tpu.memory_space<vmem>>, vector<16xf32>,
        %parallel_loop3A_406 = arith.constant 7 : i32
        %parallel_loop3A_407 = vector.broadcast %parallel_loop3A_406 : i32 to vector<16xi32>
        %parallel_loop3A_408 = arith.constant 0 : i32
        %parallel_loop3A_409 = arith.constant 0 : i32
        %parallel_loop3A_410 = tpu.memref_slice %arg6[%parallel_loop3A_148, %parallel_loop3A_408, %parallel_loop3A_409] : memref<3x16x1000xf32, #tpu.memory_space<vmem>> -> memref<1x16x1000xf32, #tpu.memory_space<vmem>>
        %parallel_loop3A_411 = tpu.memref_squeeze %parallel_loop3A_410 : memref<1x16x1000xf32, #tpu.memory_space<vmem>> -> memref<16x1000xf32, #tpu.memory_space<vmem>>
        %parallel_loop3A_412 = tpu.vector_load_idx %parallel_loop3A_411[%parallel_loop3A_407, %parallel_loop3A_286] : memref<16x1000xf32, #tpu.memory_space<vmem>>[vector<16xi32>, vector<16xi32>], vector<16xf32>,
        %parallel_loop3A_413 = arith.constant 16 : i32
        %parallel_loop3A_414 = arith.muli %parallel_loop3A_413, %parallel_loop3A_282 : i32
        %parallel_loop3A_415 = arith.constant 7 : i32
        %parallel_loop3A_416 = arith.constant 0 : i32
        %parallel_loop3A_417 = arith.constant 0 : i32
        %parallel_loop3A_418 = tpu.memref_slice %arg7[%parallel_loop3A_149, %parallel_loop3A_416, %parallel_loop3A_417] : memref<3x16x1024xf32, #tpu.memory_space<vmem>> -> memref<1x16x1024xf32, #tpu.memory_space<vmem>>
        %parallel_loop3A_419 = tpu.memref_squeeze %parallel_loop3A_418 : memref<1x16x1024xf32, #tpu.memory_space<vmem>> -> memref<16x1024xf32, #tpu.memory_space<vmem>>
        %parallel_loop3A_420 = arith.index_cast %parallel_loop3A_415 : i32 to index
        %parallel_loop3A_421 = arith.index_cast %parallel_loop3A_414 : i32 to index
        %parallel_loop3A_422 = tpu.vector_load %parallel_loop3A_419[%parallel_loop3A_420, %parallel_loop3A_421] {strides = array<i32>} : memref<16x1024xf32, #tpu.memory_space<vmem>>, vector<16xf32>,
        tpu.vector_store %parallel_loop3A_419[%parallel_loop3A_420, %parallel_loop3A_421], %parallel_loop3A_412 {strides = array<i32>} : memref<16x1024xf32, #tpu.memory_space<vmem>>, vector<16xf32>,
        %parallel_loop3A_423 = arith.constant 8 : i32
        %parallel_loop3A_424 = vector.broadcast %parallel_loop3A_423 : i32 to vector<16xi32>
        %parallel_loop3A_425 = arith.constant 0 : i32
        %parallel_loop3A_426 = arith.constant 0 : i32
        %parallel_loop3A_427 = tpu.memref_slice %arg6[%parallel_loop3A_148, %parallel_loop3A_425, %parallel_loop3A_426] : memref<3x16x1000xf32, #tpu.memory_space<vmem>> -> memref<1x16x1000xf32, #tpu.memory_space<vmem>>
        %parallel_loop3A_428 = tpu.memref_squeeze %parallel_loop3A_427 : memref<1x16x1000xf32, #tpu.memory_space<vmem>> -> memref<16x1000xf32, #tpu.memory_space<vmem>>
        %parallel_loop3A_429 = tpu.vector_load_idx %parallel_loop3A_428[%parallel_loop3A_424, %parallel_loop3A_286] : memref<16x1000xf32, #tpu.memory_space<vmem>>[vector<16xi32>, vector<16xi32>], vector<16xf32>,
        %parallel_loop3A_430 = arith.constant 16 : i32
        %parallel_loop3A_431 = arith.muli %parallel_loop3A_430, %parallel_loop3A_282 : i32
        %parallel_loop3A_432 = arith.constant 8 : i32
        %parallel_loop3A_433 = arith.constant 0 : i32
        %parallel_loop3A_434 = arith.constant 0 : i32
        %parallel_loop3A_435 = tpu.memref_slice %arg7[%parallel_loop3A_149, %parallel_loop3A_433, %parallel_loop3A_434] : memref<3x16x1024xf32, #tpu.memory_space<vmem>> -> memref<1x16x1024xf32, #tpu.memory_space<vmem>>
        %parallel_loop3A_436 = tpu.memref_squeeze %parallel_loop3A_435 : memref<1x16x1024xf32, #tpu.memory_space<vmem>> -> memref<16x1024xf32, #tpu.memory_space<vmem>>
        %parallel_loop3A_437 = arith.index_cast %parallel_loop3A_432 : i32 to index
        %parallel_loop3A_438 = arith.index_cast %parallel_loop3A_431 : i32 to index
        %parallel_loop3A_439 = tpu.vector_load %parallel_loop3A_436[%parallel_loop3A_437, %parallel_loop3A_438] {strides = array<i32>} : memref<16x1024xf32, #tpu.memory_space<vmem>>, vector<16xf32>,
        tpu.vector_store %parallel_loop3A_436[%parallel_loop3A_437, %parallel_loop3A_438], %parallel_loop3A_429 {strides = array<i32>} : memref<16x1024xf32, #tpu.memory_space<vmem>>, vector<16xf32>,
        %parallel_loop3A_440 = arith.constant 9 : i32
        %parallel_loop3A_441 = vector.broadcast %parallel_loop3A_440 : i32 to vector<16xi32>
        %parallel_loop3A_442 = arith.constant 0 : i32
        %parallel_loop3A_443 = arith.constant 0 : i32
        %parallel_loop3A_444 = tpu.memref_slice %arg6[%parallel_loop3A_148, %parallel_loop3A_442, %parallel_loop3A_443] : memref<3x16x1000xf32, #tpu.memory_space<vmem>> -> memref<1x16x1000xf32, #tpu.memory_space<vmem>>
        %parallel_loop3A_445 = tpu.memref_squeeze %parallel_loop3A_444 : memref<1x16x1000xf32, #tpu.memory_space<vmem>> -> memref<16x1000xf32, #tpu.memory_space<vmem>>
        %parallel_loop3A_446 = tpu.vector_load_idx %parallel_loop3A_445[%parallel_loop3A_441, %parallel_loop3A_286] : memref<16x1000xf32, #tpu.memory_space<vmem>>[vector<16xi32>, vector<16xi32>], vector<16xf32>,
        %parallel_loop3A_447 = arith.constant 16 : i32
        %parallel_loop3A_448 = arith.muli %parallel_loop3A_447, %parallel_loop3A_282 : i32
        %parallel_loop3A_449 = arith.constant 9 : i32
        %parallel_loop3A_450 = arith.constant 0 : i32
        %parallel_loop3A_451 = arith.constant 0 : i32
        %parallel_loop3A_452 = tpu.memref_slice %arg7[%parallel_loop3A_149, %parallel_loop3A_450, %parallel_loop3A_451] : memref<3x16x1024xf32, #tpu.memory_space<vmem>> -> memref<1x16x1024xf32, #tpu.memory_space<vmem>>
        %parallel_loop3A_453 = tpu.memref_squeeze %parallel_loop3A_452 : memref<1x16x1024xf32, #tpu.memory_space<vmem>> -> memref<16x1024xf32, #tpu.memory_space<vmem>>
        %parallel_loop3A_454 = arith.index_cast %parallel_loop3A_449 : i32 to index
        %parallel_loop3A_455 = arith.index_cast %parallel_loop3A_448 : i32 to index
        %parallel_loop3A_456 = tpu.vector_load %parallel_loop3A_453[%parallel_loop3A_454, %parallel_loop3A_455] {strides = array<i32>} : memref<16x1024xf32, #tpu.memory_space<vmem>>, vector<16xf32>,
        tpu.vector_store %parallel_loop3A_453[%parallel_loop3A_454, %parallel_loop3A_455], %parallel_loop3A_446 {strides = array<i32>} : memref<16x1024xf32, #tpu.memory_space<vmem>>, vector<16xf32>,
        %parallel_loop3A_457 = arith.constant 10 : i32
        %parallel_loop3A_458 = vector.broadcast %parallel_loop3A_457 : i32 to vector<16xi32>
        %parallel_loop3A_459 = arith.constant 0 : i32
        %parallel_loop3A_460 = arith.constant 0 : i32
        %parallel_loop3A_461 = tpu.memref_slice %arg6[%parallel_loop3A_148, %parallel_loop3A_459, %parallel_loop3A_460] : memref<3x16x1000xf32, #tpu.memory_space<vmem>> -> memref<1x16x1000xf32, #tpu.memory_space<vmem>>
        %parallel_loop3A_462 = tpu.memref_squeeze %parallel_loop3A_461 : memref<1x16x1000xf32, #tpu.memory_space<vmem>> -> memref<16x1000xf32, #tpu.memory_space<vmem>>
        %parallel_loop3A_463 = tpu.vector_load_idx %parallel_loop3A_462[%parallel_loop3A_458, %parallel_loop3A_286] : memref<16x1000xf32, #tpu.memory_space<vmem>>[vector<16xi32>, vector<16xi32>], vector<16xf32>,
        %parallel_loop3A_464 = arith.constant 16 : i32
        %parallel_loop3A_465 = arith.muli %parallel_loop3A_464, %parallel_loop3A_282 : i32
        %parallel_loop3A_466 = arith.constant 10 : i32
        %parallel_loop3A_467 = arith.constant 0 : i32
        %parallel_loop3A_468 = arith.constant 0 : i32
        %parallel_loop3A_469 = tpu.memref_slice %arg7[%parallel_loop3A_149, %parallel_loop3A_467, %parallel_loop3A_468] : memref<3x16x1024xf32, #tpu.memory_space<vmem>> -> memref<1x16x1024xf32, #tpu.memory_space<vmem>>
        %parallel_loop3A_470 = tpu.memref_squeeze %parallel_loop3A_469 : memref<1x16x1024xf32, #tpu.memory_space<vmem>> -> memref<16x1024xf32, #tpu.memory_space<vmem>>
        %parallel_loop3A_471 = arith.index_cast %parallel_loop3A_466 : i32 to index
        %parallel_loop3A_472 = arith.index_cast %parallel_loop3A_465 : i32 to index
        %parallel_loop3A_473 = tpu.vector_load %parallel_loop3A_470[%parallel_loop3A_471, %parallel_loop3A_472] {strides = array<i32>} : memref<16x1024xf32, #tpu.memory_space<vmem>>, vector<16xf32>,
        tpu.vector_store %parallel_loop3A_470[%parallel_loop3A_471, %parallel_loop3A_472], %parallel_loop3A_463 {strides = array<i32>} : memref<16x1024xf32, #tpu.memory_space<vmem>>, vector<16xf32>,
        %parallel_loop3A_474 = arith.constant 11 : i32
        %parallel_loop3A_475 = vector.broadcast %parallel_loop3A_474 : i32 to vector<16xi32>
        %parallel_loop3A_476 = arith.constant 0 : i32
        %parallel_loop3A_477 = arith.constant 0 : i32
        %parallel_loop3A_478 = tpu.memref_slice %arg6[%parallel_loop3A_148, %parallel_loop3A_476, %parallel_loop3A_477] : memref<3x16x1000xf32, #tpu.memory_space<vmem>> -> memref<1x16x1000xf32, #tpu.memory_space<vmem>>
        %parallel_loop3A_479 = tpu.memref_squeeze %parallel_loop3A_478 : memref<1x16x1000xf32, #tpu.memory_space<vmem>> -> memref<16x1000xf32, #tpu.memory_space<vmem>>
        %parallel_loop3A_480 = tpu.vector_load_idx %parallel_loop3A_479[%parallel_loop3A_475, %parallel_loop3A_286] : memref<16x1000xf32, #tpu.memory_space<vmem>>[vector<16xi32>, vector<16xi32>], vector<16xf32>,
        %parallel_loop3A_481 = arith.constant 16 : i32
        %parallel_loop3A_482 = arith.muli %parallel_loop3A_481, %parallel_loop3A_282 : i32
        %parallel_loop3A_483 = arith.constant 11 : i32
        %parallel_loop3A_484 = arith.constant 0 : i32
        %parallel_loop3A_485 = arith.constant 0 : i32
        %parallel_loop3A_486 = tpu.memref_slice %arg7[%parallel_loop3A_149, %parallel_loop3A_484, %parallel_loop3A_485] : memref<3x16x1024xf32, #tpu.memory_space<vmem>> -> memref<1x16x1024xf32, #tpu.memory_space<vmem>>
        %parallel_loop3A_487 = tpu.memref_squeeze %parallel_loop3A_486 : memref<1x16x1024xf32, #tpu.memory_space<vmem>> -> memref<16x1024xf32, #tpu.memory_space<vmem>>
        %parallel_loop3A_488 = arith.index_cast %parallel_loop3A_483 : i32 to index
        %parallel_loop3A_489 = arith.index_cast %parallel_loop3A_482 : i32 to index
        %parallel_loop3A_490 = tpu.vector_load %parallel_loop3A_487[%parallel_loop3A_488, %parallel_loop3A_489] {strides = array<i32>} : memref<16x1024xf32, #tpu.memory_space<vmem>>, vector<16xf32>,
        tpu.vector_store %parallel_loop3A_487[%parallel_loop3A_488, %parallel_loop3A_489], %parallel_loop3A_480 {strides = array<i32>} : memref<16x1024xf32, #tpu.memory_space<vmem>>, vector<16xf32>,
        %parallel_loop3A_491 = arith.constant 12 : i32
        %parallel_loop3A_492 = vector.broadcast %parallel_loop3A_491 : i32 to vector<16xi32>
        %parallel_loop3A_493 = arith.constant 0 : i32
        %parallel_loop3A_494 = arith.constant 0 : i32
        %parallel_loop3A_495 = tpu.memref_slice %arg6[%parallel_loop3A_148, %parallel_loop3A_493, %parallel_loop3A_494] : memref<3x16x1000xf32, #tpu.memory_space<vmem>> -> memref<1x16x1000xf32, #tpu.memory_space<vmem>>
        %parallel_loop3A_496 = tpu.memref_squeeze %parallel_loop3A_495 : memref<1x16x1000xf32, #tpu.memory_space<vmem>> -> memref<16x1000xf32, #tpu.memory_space<vmem>>
        %parallel_loop3A_497 = tpu.vector_load_idx %parallel_loop3A_496[%parallel_loop3A_492, %parallel_loop3A_286] : memref<16x1000xf32, #tpu.memory_space<vmem>>[vector<16xi32>, vector<16xi32>], vector<16xf32>,
        %parallel_loop3A_498 = arith.constant 16 : i32
        %parallel_loop3A_499 = arith.muli %parallel_loop3A_498, %parallel_loop3A_282 : i32
        %parallel_loop3A_500 = arith.constant 12 : i32
        %parallel_loop3A_501 = arith.constant 0 : i32
        %parallel_loop3A_502 = arith.constant 0 : i32
        %parallel_loop3A_503 = tpu.memref_slice %arg7[%parallel_loop3A_149, %parallel_loop3A_501, %parallel_loop3A_502] : memref<3x16x1024xf32, #tpu.memory_space<vmem>> -> memref<1x16x1024xf32, #tpu.memory_space<vmem>>
        %parallel_loop3A_504 = tpu.memref_squeeze %parallel_loop3A_503 : memref<1x16x1024xf32, #tpu.memory_space<vmem>> -> memref<16x1024xf32, #tpu.memory_space<vmem>>
        %parallel_loop3A_505 = arith.index_cast %parallel_loop3A_500 : i32 to index
        %parallel_loop3A_506 = arith.index_cast %parallel_loop3A_499 : i32 to index
        %parallel_loop3A_507 = tpu.vector_load %parallel_loop3A_504[%parallel_loop3A_505, %parallel_loop3A_506] {strides = array<i32>} : memref<16x1024xf32, #tpu.memory_space<vmem>>, vector<16xf32>,
        tpu.vector_store %parallel_loop3A_504[%parallel_loop3A_505, %parallel_loop3A_506], %parallel_loop3A_497 {strides = array<i32>} : memref<16x1024xf32, #tpu.memory_space<vmem>>, vector<16xf32>,
        %parallel_loop3A_508 = arith.constant 13 : i32
        %parallel_loop3A_509 = vector.broadcast %parallel_loop3A_508 : i32 to vector<16xi32>
        %parallel_loop3A_510 = arith.constant 0 : i32
        %parallel_loop3A_511 = arith.constant 0 : i32
        %parallel_loop3A_512 = tpu.memref_slice %arg6[%parallel_loop3A_148, %parallel_loop3A_510, %parallel_loop3A_511] : memref<3x16x1000xf32, #tpu.memory_space<vmem>> -> memref<1x16x1000xf32, #tpu.memory_space<vmem>>
        %parallel_loop3A_513 = tpu.memref_squeeze %parallel_loop3A_512 : memref<1x16x1000xf32, #tpu.memory_space<vmem>> -> memref<16x1000xf32, #tpu.memory_space<vmem>>
        %parallel_loop3A_514 = tpu.vector_load_idx %parallel_loop3A_513[%parallel_loop3A_509, %parallel_loop3A_286] : memref<16x1000xf32, #tpu.memory_space<vmem>>[vector<16xi32>, vector<16xi32>], vector<16xf32>,
        %parallel_loop3A_515 = arith.constant 16 : i32
        %parallel_loop3A_516 = arith.muli %parallel_loop3A_515, %parallel_loop3A_282 : i32
        %parallel_loop3A_517 = arith.constant 13 : i32
        %parallel_loop3A_518 = arith.constant 0 : i32
        %parallel_loop3A_519 = arith.constant 0 : i32
        %parallel_loop3A_520 = tpu.memref_slice %arg7[%parallel_loop3A_149, %parallel_loop3A_518, %parallel_loop3A_519] : memref<3x16x1024xf32, #tpu.memory_space<vmem>> -> memref<1x16x1024xf32, #tpu.memory_space<vmem>>
        %parallel_loop3A_521 = tpu.memref_squeeze %parallel_loop3A_520 : memref<1x16x1024xf32, #tpu.memory_space<vmem>> -> memref<16x1024xf32, #tpu.memory_space<vmem>>
        %parallel_loop3A_522 = arith.index_cast %parallel_loop3A_517 : i32 to index
        %parallel_loop3A_523 = arith.index_cast %parallel_loop3A_516 : i32 to index
        %parallel_loop3A_524 = tpu.vector_load %parallel_loop3A_521[%parallel_loop3A_522, %parallel_loop3A_523] {strides = array<i32>} : memref<16x1024xf32, #tpu.memory_space<vmem>>, vector<16xf32>,
        tpu.vector_store %parallel_loop3A_521[%parallel_loop3A_522, %parallel_loop3A_523], %parallel_loop3A_514 {strides = array<i32>} : memref<16x1024xf32, #tpu.memory_space<vmem>>, vector<16xf32>,
        %parallel_loop3A_525 = arith.constant 14 : i32
        %parallel_loop3A_526 = vector.broadcast %parallel_loop3A_525 : i32 to vector<16xi32>
        %parallel_loop3A_527 = arith.constant 0 : i32
        %parallel_loop3A_528 = arith.constant 0 : i32
        %parallel_loop3A_529 = tpu.memref_slice %arg6[%parallel_loop3A_148, %parallel_loop3A_527, %parallel_loop3A_528] : memref<3x16x1000xf32, #tpu.memory_space<vmem>> -> memref<1x16x1000xf32, #tpu.memory_space<vmem>>
        %parallel_loop3A_530 = tpu.memref_squeeze %parallel_loop3A_529 : memref<1x16x1000xf32, #tpu.memory_space<vmem>> -> memref<16x1000xf32, #tpu.memory_space<vmem>>
        %parallel_loop3A_531 = tpu.vector_load_idx %parallel_loop3A_530[%parallel_loop3A_526, %parallel_loop3A_286] : memref<16x1000xf32, #tpu.memory_space<vmem>>[vector<16xi32>, vector<16xi32>], vector<16xf32>,
        %parallel_loop3A_532 = arith.constant 16 : i32
        %parallel_loop3A_533 = arith.muli %parallel_loop3A_532, %parallel_loop3A_282 : i32
        %parallel_loop3A_534 = arith.constant 14 : i32
        %parallel_loop3A_535 = arith.constant 0 : i32
        %parallel_loop3A_536 = arith.constant 0 : i32
        %parallel_loop3A_537 = tpu.memref_slice %arg7[%parallel_loop3A_149, %parallel_loop3A_535, %parallel_loop3A_536] : memref<3x16x1024xf32, #tpu.memory_space<vmem>> -> memref<1x16x1024xf32, #tpu.memory_space<vmem>>
        %parallel_loop3A_538 = tpu.memref_squeeze %parallel_loop3A_537 : memref<1x16x1024xf32, #tpu.memory_space<vmem>> -> memref<16x1024xf32, #tpu.memory_space<vmem>>
        %parallel_loop3A_539 = arith.index_cast %parallel_loop3A_534 : i32 to index
        %parallel_loop3A_540 = arith.index_cast %parallel_loop3A_533 : i32 to index
        %parallel_loop3A_541 = tpu.vector_load %parallel_loop3A_538[%parallel_loop3A_539, %parallel_loop3A_540] {strides = array<i32>} : memref<16x1024xf32, #tpu.memory_space<vmem>>, vector<16xf32>,
        tpu.vector_store %parallel_loop3A_538[%parallel_loop3A_539, %parallel_loop3A_540], %parallel_loop3A_531 {strides = array<i32>} : memref<16x1024xf32, #tpu.memory_space<vmem>>, vector<16xf32>,
        %parallel_loop3A_542 = arith.constant 15 : i32
        %parallel_loop3A_543 = vector.broadcast %parallel_loop3A_542 : i32 to vector<16xi32>
        %parallel_loop3A_544 = arith.constant 0 : i32
        %parallel_loop3A_545 = arith.constant 0 : i32
        %parallel_loop3A_546 = tpu.memref_slice %arg6[%parallel_loop3A_148, %parallel_loop3A_544, %parallel_loop3A_545] : memref<3x16x1000xf32, #tpu.memory_space<vmem>> -> memref<1x16x1000xf32, #tpu.memory_space<vmem>>
        %parallel_loop3A_547 = tpu.memref_squeeze %parallel_loop3A_546 : memref<1x16x1000xf32, #tpu.memory_space<vmem>> -> memref<16x1000xf32, #tpu.memory_space<vmem>>
        %parallel_loop3A_548 = tpu.vector_load_idx %parallel_loop3A_547[%parallel_loop3A_543, %parallel_loop3A_286] : memref<16x1000xf32, #tpu.memory_space<vmem>>[vector<16xi32>, vector<16xi32>], vector<16xf32>,
        %parallel_loop3A_549 = arith.constant 16 : i32
        %parallel_loop3A_550 = arith.muli %parallel_loop3A_549, %parallel_loop3A_282 : i32
        %parallel_loop3A_551 = arith.constant 15 : i32
        %parallel_loop3A_552 = arith.constant 0 : i32
        %parallel_loop3A_553 = arith.constant 0 : i32
        %parallel_loop3A_554 = tpu.memref_slice %arg7[%parallel_loop3A_149, %parallel_loop3A_552, %parallel_loop3A_553] : memref<3x16x1024xf32, #tpu.memory_space<vmem>> -> memref<1x16x1024xf32, #tpu.memory_space<vmem>>
        %parallel_loop3A_555 = tpu.memref_squeeze %parallel_loop3A_554 : memref<1x16x1024xf32, #tpu.memory_space<vmem>> -> memref<16x1024xf32, #tpu.memory_space<vmem>>
        %parallel_loop3A_556 = arith.index_cast %parallel_loop3A_551 : i32 to index
        %parallel_loop3A_557 = arith.index_cast %parallel_loop3A_550 : i32 to index
        %parallel_loop3A_558 = tpu.vector_load %parallel_loop3A_555[%parallel_loop3A_556, %parallel_loop3A_557] {strides = array<i32>} : memref<16x1024xf32, #tpu.memory_space<vmem>>, vector<16xf32>,
        tpu.vector_store %parallel_loop3A_555[%parallel_loop3A_556, %parallel_loop3A_557], %parallel_loop3A_548 {strides = array<i32>} : memref<16x1024xf32, #tpu.memory_space<vmem>>, vector<16xf32>,
      } {sc.loop_unroll_factor = 4 : i64, sc.parallel_access}
      %add3A_150 = arith.addi %min3A_3, %add3A_125 : i32
      %dma_start3A_151 = arith.constant 0 : i32
      %dma_start3A_152 = arith.constant 0 : i32
      %dma_start3A_153 = arith.constant 0 : i32
      %dma_start3A_154 = tpu.memref_slice %arg7[%dma_start3A_151, %dma_start3A_152, %dma_start3A_153] : memref<3x16x1024xf32, #tpu.memory_space<vmem>> -> memref<1x16x1024xf32, #tpu.memory_space<vmem>>
      %dma_start3A_155 = tpu.memref_squeeze %dma_start3A_154 : memref<1x16x1024xf32, #tpu.memory_space<vmem>> -> memref<16x1024xf32, #tpu.memory_space<vmem>>
      %dma_start3A_156 = arith.constant 0 : i32
      %dma_start3A_157 = arith.constant 0 : i32
      %dma_start3A_158 = tpu.memref_slice %arg4[%add3A_150, %dma_start3A_156, %dma_start3A_157] : memref<4913x16x1024xf32, #tpu.memory_space<hbm>> -> memref<1x16x1024xf32, #tpu.memory_space<hbm>>
      %dma_start3A_159 = tpu.memref_squeeze %dma_start3A_158 : memref<1x16x1024xf32, #tpu.memory_space<hbm>> -> memref<16x1024xf32, #tpu.memory_space<hbm>>
      %dma_start3A_160 = arith.constant 0 : i32
      %dma_start3A_161 = arith.constant 0 : i32
      %dma_start3A_162 = tpu.memref_slice %arg4[%add3A_150, %dma_start3A_160, %dma_start3A_161] : memref<4913x16x1024xf32, #tpu.memory_space<hbm>> -> memref<1x16x1024xf32, #tpu.memory_space<hbm>>
      %dma_start3A_163 = tpu.memref_squeeze %dma_start3A_162 : memref<1x16x1024xf32, #tpu.memory_space<hbm>> -> memref<16x1024xf32, #tpu.memory_space<hbm>>
      %dma_start3A_164 = arith.constant 0 : i32
      %dma_start3A_165 = arith.constant 0 : i32
      %dma_start3A_166 = tpu.memref_slice %arg7[%dma_start3A_151, %dma_start3A_164, %dma_start3A_165] : memref<3x16x1024xf32, #tpu.memory_space<vmem>> -> memref<1x16x1024xf32, #tpu.memory_space<vmem>>
      %dma_start3A_167 = tpu.memref_squeeze %dma_start3A_166 : memref<1x16x1024xf32, #tpu.memory_space<vmem>> -> memref<16x1024xf32, #tpu.memory_space<vmem>>
      tpu.enqueue_dma source(%dma_start3A_167 : memref<16x1024xf32, #tpu.memory_space<vmem>>) target(%dma_start3A_163 : memref<16x1024xf32, #tpu.memory_space<hbm>>) target_semaphore(%arg11 : memref<!tpu.dma_semaphore, #tpu.memory_space<semaphore_mem>>)
      %lt3A = arith.constant 51 : i32
      %lt3A_168 = arith.cmpi slt, %scan3A_121, %lt3A : i32
      %convert_element_type3A_169 = arith.extui %lt3A_168 : i1 to i32
      %cond3A_170 = arith.constant 0 : i32
      %cond3A_171 = arith.cmpi ne, %convert_element_type3A_169, %cond3A_170 : i32
      scf.if %cond3A_171 {
        %add3A_282 = arith.constant 3 : i32
        %add3A_283 = arith.addi %add3A_125, %add3A_282 : i32
        %add3A_284 = arith.addi %min3A_3, %add3A_283 : i32
        %dma_start3A_285 = arith.constant 0 : i32
        %dma_start3A_286 = arith.constant 0 : i32
        %dma_start3A_287 = arith.constant 0 : i32
        %dma_start3A_288 = tpu.memref_slice %arg6[%dma_start3A_285, %dma_start3A_286, %dma_start3A_287] : memref<3x16x1000xf32, #tpu.memory_space<vmem>> -> memref<1x16x1000xf32, #tpu.memory_space<vmem>>
        %dma_start3A_289 = tpu.memref_squeeze %dma_start3A_288 : memref<1x16x1000xf32, #tpu.memory_space<vmem>> -> memref<16x1000xf32, #tpu.memory_space<vmem>>
        %dma_start3A_290 = arith.constant 0 : i32
        %dma_start3A_291 = arith.constant 0 : i32
        %dma_start3A_292 = tpu.memref_slice %arg3[%add3A_284, %dma_start3A_290, %dma_start3A_291] : memref<4913x16x1000xf32, #tpu.memory_space<hbm>> -> memref<1x16x1000xf32, #tpu.memory_space<hbm>>
        %dma_start3A_293 = tpu.memref_squeeze %dma_start3A_292 : memref<1x16x1000xf32, #tpu.memory_space<hbm>> -> memref<16x1000xf32, #tpu.memory_space<hbm>>
        %dma_start3A_294 = arith.constant 0 : i32
        %dma_start3A_295 = arith.constant 0 : i32
        %dma_start3A_296 = tpu.memref_slice %arg6[%dma_start3A_285, %dma_start3A_294, %dma_start3A_295] : memref<3x16x1000xf32, #tpu.memory_space<vmem>> -> memref<1x16x1000xf32, #tpu.memory_space<vmem>>
        %dma_start3A_297 = tpu.memref_squeeze %dma_start3A_296 : memref<1x16x1000xf32, #tpu.memory_space<vmem>> -> memref<16x1000xf32, #tpu.memory_space<vmem>>
        %dma_start3A_298 = arith.constant 0 : i32
        %dma_start3A_299 = arith.constant 0 : i32
        %dma_start3A_300 = tpu.memref_slice %arg3[%add3A_284, %dma_start3A_298, %dma_start3A_299] : memref<4913x16x1000xf32, #tpu.memory_space<hbm>> -> memref<1x16x1000xf32, #tpu.memory_space<hbm>>
        %dma_start3A_301 = tpu.memref_squeeze %dma_start3A_300 : memref<1x16x1000xf32, #tpu.memory_space<hbm>> -> memref<16x1000xf32, #tpu.memory_space<hbm>>
        tpu.enqueue_dma source(%dma_start3A_301 : memref<16x1000xf32, #tpu.memory_space<hbm>>) target(%dma_start3A_297 : memref<16x1000xf32, #tpu.memory_space<vmem>>) target_semaphore(%arg8 : memref<!tpu.dma_semaphore, #tpu.memory_space<semaphore_mem>>)
      } else {
      }
      %mul3A_172 = arith.constant 3 : i32
      %mul3A_173 = arith.muli %mul3A_172, %scan3A_121 : i32
      %add3A_174 = arith.constant 1 : i32
      %add3A_175 = arith.addi %mul3A_173, %add3A_174 : i32
      %ge3A_176 = arith.constant 1 : i32
      %ge3A_177 = arith.cmpi sge, %scan3A_121, %ge3A_176 : i32
      %convert_element_type3A_178 = arith.extui %ge3A_177 : i1 to i32
      %cond3A_179 = arith.constant 0 : i32
      %cond3A_180 = arith.cmpi ne, %convert_element_type3A_178, %cond3A_179 : i32
      scf.if %cond3A_180 {
        %sub3A = arith.constant 3 : i32
        %sub3A_282 = arith.subi %add3A_175, %sub3A : i32
        %add3A_283 = arith.addi %min3A_3, %sub3A_282 : i32
        %dma_wait3A_284 = arith.constant 1 : i32
        %dma_wait3A_285 = arith.constant 0 : i32
        %dma_wait3A_286 = arith.constant 0 : i32
        %dma_wait3A_287 = tpu.memref_slice %arg7[%dma_wait3A_284, %dma_wait3A_285, %dma_wait3A_286] : memref<3x16x1024xf32, #tpu.memory_space<vmem>> -> memref<1x16x1024xf32, #tpu.memory_space<vmem>>
        %dma_wait3A_288 = tpu.memref_squeeze %dma_wait3A_287 : memref<1x16x1024xf32, #tpu.memory_space<vmem>> -> memref<16x1024xf32, #tpu.memory_space<vmem>>
        %dma_wait3A_289 = arith.constant 0 : i32
        %dma_wait3A_290 = arith.constant 0 : i32
        %dma_wait3A_291 = tpu.memref_slice %arg4[%add3A_283, %dma_wait3A_289, %dma_wait3A_290] : memref<4913x16x1024xf32, #tpu.memory_space<hbm>> -> memref<1x16x1024xf32, #tpu.memory_space<hbm>>
        %dma_wait3A_292 = tpu.memref_squeeze %dma_wait3A_291 : memref<1x16x1024xf32, #tpu.memory_space<hbm>> -> memref<16x1024xf32, #tpu.memory_space<hbm>>
        %dma_wait3A_293 = arith.constant 0 : i32
        %dma_wait3A_294 = arith.constant 0 : i32
        %dma_wait3A_295 = tpu.memref_slice %arg4[%add3A_283, %dma_wait3A_293, %dma_wait3A_294] : memref<4913x16x1024xf32, #tpu.memory_space<hbm>> -> memref<1x16x1024xf32, #tpu.memory_space<hbm>>
        %dma_wait3A_296 = tpu.memref_squeeze %dma_wait3A_295 : memref<1x16x1024xf32, #tpu.memory_space<hbm>> -> memref<16x1024xf32, #tpu.memory_space<hbm>>
        %dma_wait3A_297 = arith.constant 0 : i32
        %dma_wait3A_298 = arith.constant 0 : i32
        %dma_wait3A_299 = tpu.memref_slice %arg7[%dma_wait3A_284, %dma_wait3A_297, %dma_wait3A_298] : memref<3x16x1024xf32, #tpu.memory_space<vmem>> -> memref<1x16x1024xf32, #tpu.memory_space<vmem>>
        %dma_wait3A_300 = tpu.memref_squeeze %dma_wait3A_299 : memref<1x16x1024xf32, #tpu.memory_space<vmem>> -> memref<16x1024xf32, #tpu.memory_space<vmem>>
        tpu.wait_dma2 semaphore(%arg12 : memref<!tpu.dma_semaphore, #tpu.memory_space<semaphore_mem>>) src(%dma_wait3A_300 : memref<16x1024xf32, #tpu.memory_space<vmem>>) dst(%dma_wait3A_296 : memref<16x1024xf32, #tpu.memory_space<hbm>>)
      } else {
      }
      %add3A_181 = arith.addi %min3A_3, %add3A_175 : i32
      %dma_wait3A_182 = arith.constant 1 : i32
      %dma_wait3A_183 = arith.constant 0 : i32
      %dma_wait3A_184 = arith.constant 0 : i32
      %dma_wait3A_185 = tpu.memref_slice %arg6[%dma_wait3A_182, %dma_wait3A_183, %dma_wait3A_184] : memref<3x16x1000xf32, #tpu.memory_space<vmem>> -> memref<1x16x1000xf32, #tpu.memory_space<vmem>>
      %dma_wait3A_186 = tpu.memref_squeeze %dma_wait3A_185 : memref<1x16x1000xf32, #tpu.memory_space<vmem>> -> memref<16x1000xf32, #tpu.memory_space<vmem>>
      %dma_wait3A_187 = arith.constant 0 : i32
      %dma_wait3A_188 = arith.constant 0 : i32
      %dma_wait3A_189 = tpu.memref_slice %arg3[%add3A_181, %dma_wait3A_187, %dma_wait3A_188] : memref<4913x16x1000xf32, #tpu.memory_space<hbm>> -> memref<1x16x1000xf32, #tpu.memory_space<hbm>>
      %dma_wait3A_190 = tpu.memref_squeeze %dma_wait3A_189 : memref<1x16x1000xf32, #tpu.memory_space<hbm>> -> memref<16x1000xf32, #tpu.memory_space<hbm>>
      %dma_wait3A_191 = arith.constant 0 : i32
      %dma_wait3A_192 = arith.constant 0 : i32
      %dma_wait3A_193 = tpu.memref_slice %arg6[%dma_wait3A_182, %dma_wait3A_191, %dma_wait3A_192] : memref<3x16x1000xf32, #tpu.memory_space<vmem>> -> memref<1x16x1000xf32, #tpu.memory_space<vmem>>
      %dma_wait3A_194 = tpu.memref_squeeze %dma_wait3A_193 : memref<1x16x1000xf32, #tpu.memory_space<vmem>> -> memref<16x1000xf32, #tpu.memory_space<vmem>>
      %dma_wait3A_195 = arith.constant 0 : i32
      %dma_wait3A_196 = arith.constant 0 : i32
      %dma_wait3A_197 = tpu.memref_slice %arg3[%add3A_181, %dma_wait3A_195, %dma_wait3A_196] : memref<4913x16x1000xf32, #tpu.memory_space<hbm>> -> memref<1x16x1000xf32, #tpu.memory_space<hbm>>
      %dma_wait3A_198 = tpu.memref_squeeze %dma_wait3A_197 : memref<1x16x1000xf32, #tpu.memory_space<hbm>> -> memref<16x1000xf32, #tpu.memory_space<hbm>>
      tpu.wait_dma2 semaphore(%arg9 : memref<!tpu.dma_semaphore, #tpu.memory_space<semaphore_mem>>) src(%dma_wait3A_198 : memref<16x1000xf32, #tpu.memory_space<hbm>>) dst(%dma_wait3A_194 : memref<16x1000xf32, #tpu.memory_space<vmem>>)
      %parallel_loop3A_199 = arith.constant 0 : i32
      %parallel_loop3A_200 = arith.constant 64 : i32
      %parallel_loop3A_201 = arith.constant 1 : i32
      %parallel_loop3A_202 = arith.constant 1 : i32
      %parallel_loop3A_203 = arith.constant 1 : i32
      scf.for %parallel_loop3A_282 = %parallel_loop3A_199 to %parallel_loop3A_200 step %parallel_loop3A_201  : i32 {
        %parallel_loop3A_283 = arith.constant 16 : i32
        %parallel_loop3A_284 = arith.muli %parallel_loop3A_283, %parallel_loop3A_282 : i32
        %parallel_loop3A_285 = arith.index_cast %parallel_loop3A_284 : i32 to index
        %parallel_loop3A_286 = tpu.vector_load %arg5[%parallel_loop3A_285] {strides = array<i32>} : memref<1024xi32, #tpu.memory_space<vmem>>, vector<16xi32>,
        %parallel_loop3A_287 = arith.constant 0 : i32
        %parallel_loop3A_288 = vector.broadcast %parallel_loop3A_287 : i32 to vector<16xi32>
        %parallel_loop3A_289 = arith.constant 0 : i32
        %parallel_loop3A_290 = arith.constant 0 : i32
        %parallel_loop3A_291 = tpu.memref_slice %arg6[%parallel_loop3A_202, %parallel_loop3A_289, %parallel_loop3A_290] : memref<3x16x1000xf32, #tpu.memory_space<vmem>> -> memref<1x16x1000xf32, #tpu.memory_space<vmem>>
        %parallel_loop3A_292 = tpu.memref_squeeze %parallel_loop3A_291 : memref<1x16x1000xf32, #tpu.memory_space<vmem>> -> memref<16x1000xf32, #tpu.memory_space<vmem>>
        %parallel_loop3A_293 = tpu.vector_load_idx %parallel_loop3A_292[%parallel_loop3A_288, %parallel_loop3A_286] : memref<16x1000xf32, #tpu.memory_space<vmem>>[vector<16xi32>, vector<16xi32>], vector<16xf32>,
        %parallel_loop3A_294 = arith.constant 16 : i32
        %parallel_loop3A_295 = arith.muli %parallel_loop3A_294, %parallel_loop3A_282 : i32
        %parallel_loop3A_296 = arith.constant 0 : i32
        %parallel_loop3A_297 = arith.constant 0 : i32
        %parallel_loop3A_298 = arith.constant 0 : i32
        %parallel_loop3A_299 = tpu.memref_slice %arg7[%parallel_loop3A_203, %parallel_loop3A_297, %parallel_loop3A_298] : memref<3x16x1024xf32, #tpu.memory_space<vmem>> -> memref<1x16x1024xf32, #tpu.memory_space<vmem>>
        %parallel_loop3A_300 = tpu.memref_squeeze %parallel_loop3A_299 : memref<1x16x1024xf32, #tpu.memory_space<vmem>> -> memref<16x1024xf32, #tpu.memory_space<vmem>>
        %parallel_loop3A_301 = arith.index_cast %parallel_loop3A_296 : i32 to index
        %parallel_loop3A_302 = arith.index_cast %parallel_loop3A_295 : i32 to index
        %parallel_loop3A_303 = tpu.vector_load %parallel_loop3A_300[%parallel_loop3A_301, %parallel_loop3A_302] {strides = array<i32>} : memref<16x1024xf32, #tpu.memory_space<vmem>>, vector<16xf32>,
        tpu.vector_store %parallel_loop3A_300[%parallel_loop3A_301, %parallel_loop3A_302], %parallel_loop3A_293 {strides = array<i32>} : memref<16x1024xf32, #tpu.memory_space<vmem>>, vector<16xf32>,
        %parallel_loop3A_304 = arith.constant 1 : i32
        %parallel_loop3A_305 = vector.broadcast %parallel_loop3A_304 : i32 to vector<16xi32>
        %parallel_loop3A_306 = arith.constant 0 : i32
        %parallel_loop3A_307 = arith.constant 0 : i32
        %parallel_loop3A_308 = tpu.memref_slice %arg6[%parallel_loop3A_202, %parallel_loop3A_306, %parallel_loop3A_307] : memref<3x16x1000xf32, #tpu.memory_space<vmem>> -> memref<1x16x1000xf32, #tpu.memory_space<vmem>>
        %parallel_loop3A_309 = tpu.memref_squeeze %parallel_loop3A_308 : memref<1x16x1000xf32, #tpu.memory_space<vmem>> -> memref<16x1000xf32, #tpu.memory_space<vmem>>
        %parallel_loop3A_310 = tpu.vector_load_idx %parallel_loop3A_309[%parallel_loop3A_305, %parallel_loop3A_286] : memref<16x1000xf32, #tpu.memory_space<vmem>>[vector<16xi32>, vector<16xi32>], vector<16xf32>,
        %parallel_loop3A_311 = arith.constant 16 : i32
        %parallel_loop3A_312 = arith.muli %parallel_loop3A_311, %parallel_loop3A_282 : i32
        %parallel_loop3A_313 = arith.constant 1 : i32
        %parallel_loop3A_314 = arith.constant 0 : i32
        %parallel_loop3A_315 = arith.constant 0 : i32
        %parallel_loop3A_316 = tpu.memref_slice %arg7[%parallel_loop3A_203, %parallel_loop3A_314, %parallel_loop3A_315] : memref<3x16x1024xf32, #tpu.memory_space<vmem>> -> memref<1x16x1024xf32, #tpu.memory_space<vmem>>
        %parallel_loop3A_317 = tpu.memref_squeeze %parallel_loop3A_316 : memref<1x16x1024xf32, #tpu.memory_space<vmem>> -> memref<16x1024xf32, #tpu.memory_space<vmem>>
        %parallel_loop3A_318 = arith.index_cast %parallel_loop3A_313 : i32 to index
        %parallel_loop3A_319 = arith.index_cast %parallel_loop3A_312 : i32 to index
        %parallel_loop3A_320 = tpu.vector_load %parallel_loop3A_317[%parallel_loop3A_318, %parallel_loop3A_319] {strides = array<i32>} : memref<16x1024xf32, #tpu.memory_space<vmem>>, vector<16xf32>,
        tpu.vector_store %parallel_loop3A_317[%parallel_loop3A_318, %parallel_loop3A_319], %parallel_loop3A_310 {strides = array<i32>} : memref<16x1024xf32, #tpu.memory_space<vmem>>, vector<16xf32>,
        %parallel_loop3A_321 = arith.constant 2 : i32
        %parallel_loop3A_322 = vector.broadcast %parallel_loop3A_321 : i32 to vector<16xi32>
        %parallel_loop3A_323 = arith.constant 0 : i32
        %parallel_loop3A_324 = arith.constant 0 : i32
        %parallel_loop3A_325 = tpu.memref_slice %arg6[%parallel_loop3A_202, %parallel_loop3A_323, %parallel_loop3A_324] : memref<3x16x1000xf32, #tpu.memory_space<vmem>> -> memref<1x16x1000xf32, #tpu.memory_space<vmem>>
        %parallel_loop3A_326 = tpu.memref_squeeze %parallel_loop3A_325 : memref<1x16x1000xf32, #tpu.memory_space<vmem>> -> memref<16x1000xf32, #tpu.memory_space<vmem>>
        %parallel_loop3A_327 = tpu.vector_load_idx %parallel_loop3A_326[%parallel_loop3A_322, %parallel_loop3A_286] : memref<16x1000xf32, #tpu.memory_space<vmem>>[vector<16xi32>, vector<16xi32>], vector<16xf32>,
        %parallel_loop3A_328 = arith.constant 16 : i32
        %parallel_loop3A_329 = arith.muli %parallel_loop3A_328, %parallel_loop3A_282 : i32
        %parallel_loop3A_330 = arith.constant 2 : i32
        %parallel_loop3A_331 = arith.constant 0 : i32
        %parallel_loop3A_332 = arith.constant 0 : i32
        %parallel_loop3A_333 = tpu.memref_slice %arg7[%parallel_loop3A_203, %parallel_loop3A_331, %parallel_loop3A_332] : memref<3x16x1024xf32, #tpu.memory_space<vmem>> -> memref<1x16x1024xf32, #tpu.memory_space<vmem>>
        %parallel_loop3A_334 = tpu.memref_squeeze %parallel_loop3A_333 : memref<1x16x1024xf32, #tpu.memory_space<vmem>> -> memref<16x1024xf32, #tpu.memory_space<vmem>>
        %parallel_loop3A_335 = arith.index_cast %parallel_loop3A_330 : i32 to index
        %parallel_loop3A_336 = arith.index_cast %parallel_loop3A_329 : i32 to index
        %parallel_loop3A_337 = tpu.vector_load %parallel_loop3A_334[%parallel_loop3A_335, %parallel_loop3A_336] {strides = array<i32>} : memref<16x1024xf32, #tpu.memory_space<vmem>>, vector<16xf32>,
        tpu.vector_store %parallel_loop3A_334[%parallel_loop3A_335, %parallel_loop3A_336], %parallel_loop3A_327 {strides = array<i32>} : memref<16x1024xf32, #tpu.memory_space<vmem>>, vector<16xf32>,
        %parallel_loop3A_338 = arith.constant 3 : i32
        %parallel_loop3A_339 = vector.broadcast %parallel_loop3A_338 : i32 to vector<16xi32>
        %parallel_loop3A_340 = arith.constant 0 : i32
        %parallel_loop3A_341 = arith.constant 0 : i32
        %parallel_loop3A_342 = tpu.memref_slice %arg6[%parallel_loop3A_202, %parallel_loop3A_340, %parallel_loop3A_341] : memref<3x16x1000xf32, #tpu.memory_space<vmem>> -> memref<1x16x1000xf32, #tpu.memory_space<vmem>>
        %parallel_loop3A_343 = tpu.memref_squeeze %parallel_loop3A_342 : memref<1x16x1000xf32, #tpu.memory_space<vmem>> -> memref<16x1000xf32, #tpu.memory_space<vmem>>
        %parallel_loop3A_344 = tpu.vector_load_idx %parallel_loop3A_343[%parallel_loop3A_339, %parallel_loop3A_286] : memref<16x1000xf32, #tpu.memory_space<vmem>>[vector<16xi32>, vector<16xi32>], vector<16xf32>,
        %parallel_loop3A_345 = arith.constant 16 : i32
        %parallel_loop3A_346 = arith.muli %parallel_loop3A_345, %parallel_loop3A_282 : i32
        %parallel_loop3A_347 = arith.constant 3 : i32
        %parallel_loop3A_348 = arith.constant 0 : i32
        %parallel_loop3A_349 = arith.constant 0 : i32
        %parallel_loop3A_350 = tpu.memref_slice %arg7[%parallel_loop3A_203, %parallel_loop3A_348, %parallel_loop3A_349] : memref<3x16x1024xf32, #tpu.memory_space<vmem>> -> memref<1x16x1024xf32, #tpu.memory_space<vmem>>
        %parallel_loop3A_351 = tpu.memref_squeeze %parallel_loop3A_350 : memref<1x16x1024xf32, #tpu.memory_space<vmem>> -> memref<16x1024xf32, #tpu.memory_space<vmem>>
        %parallel_loop3A_352 = arith.index_cast %parallel_loop3A_347 : i32 to index
        %parallel_loop3A_353 = arith.index_cast %parallel_loop3A_346 : i32 to index
        %parallel_loop3A_354 = tpu.vector_load %parallel_loop3A_351[%parallel_loop3A_352, %parallel_loop3A_353] {strides = array<i32>} : memref<16x1024xf32, #tpu.memory_space<vmem>>, vector<16xf32>,
        tpu.vector_store %parallel_loop3A_351[%parallel_loop3A_352, %parallel_loop3A_353], %parallel_loop3A_344 {strides = array<i32>} : memref<16x1024xf32, #tpu.memory_space<vmem>>, vector<16xf32>,
        %parallel_loop3A_355 = arith.constant 4 : i32
        %parallel_loop3A_356 = vector.broadcast %parallel_loop3A_355 : i32 to vector<16xi32>
        %parallel_loop3A_357 = arith.constant 0 : i32
        %parallel_loop3A_358 = arith.constant 0 : i32
        %parallel_loop3A_359 = tpu.memref_slice %arg6[%parallel_loop3A_202, %parallel_loop3A_357, %parallel_loop3A_358] : memref<3x16x1000xf32, #tpu.memory_space<vmem>> -> memref<1x16x1000xf32, #tpu.memory_space<vmem>>
        %parallel_loop3A_360 = tpu.memref_squeeze %parallel_loop3A_359 : memref<1x16x1000xf32, #tpu.memory_space<vmem>> -> memref<16x1000xf32, #tpu.memory_space<vmem>>
        %parallel_loop3A_361 = tpu.vector_load_idx %parallel_loop3A_360[%parallel_loop3A_356, %parallel_loop3A_286] : memref<16x1000xf32, #tpu.memory_space<vmem>>[vector<16xi32>, vector<16xi32>], vector<16xf32>,
        %parallel_loop3A_362 = arith.constant 16 : i32
        %parallel_loop3A_363 = arith.muli %parallel_loop3A_362, %parallel_loop3A_282 : i32
        %parallel_loop3A_364 = arith.constant 4 : i32
        %parallel_loop3A_365 = arith.constant 0 : i32
        %parallel_loop3A_366 = arith.constant 0 : i32
        %parallel_loop3A_367 = tpu.memref_slice %arg7[%parallel_loop3A_203, %parallel_loop3A_365, %parallel_loop3A_366] : memref<3x16x1024xf32, #tpu.memory_space<vmem>> -> memref<1x16x1024xf32, #tpu.memory_space<vmem>>
        %parallel_loop3A_368 = tpu.memref_squeeze %parallel_loop3A_367 : memref<1x16x1024xf32, #tpu.memory_space<vmem>> -> memref<16x1024xf32, #tpu.memory_space<vmem>>
        %parallel_loop3A_369 = arith.index_cast %parallel_loop3A_364 : i32 to index
        %parallel_loop3A_370 = arith.index_cast %parallel_loop3A_363 : i32 to index
        %parallel_loop3A_371 = tpu.vector_load %parallel_loop3A_368[%parallel_loop3A_369, %parallel_loop3A_370] {strides = array<i32>} : memref<16x1024xf32, #tpu.memory_space<vmem>>, vector<16xf32>,
        tpu.vector_store %parallel_loop3A_368[%parallel_loop3A_369, %parallel_loop3A_370], %parallel_loop3A_361 {strides = array<i32>} : memref<16x1024xf32, #tpu.memory_space<vmem>>, vector<16xf32>,
        %parallel_loop3A_372 = arith.constant 5 : i32
        %parallel_loop3A_373 = vector.broadcast %parallel_loop3A_372 : i32 to vector<16xi32>
        %parallel_loop3A_374 = arith.constant 0 : i32
        %parallel_loop3A_375 = arith.constant 0 : i32
        %parallel_loop3A_376 = tpu.memref_slice %arg6[%parallel_loop3A_202, %parallel_loop3A_374, %parallel_loop3A_375] : memref<3x16x1000xf32, #tpu.memory_space<vmem>> -> memref<1x16x1000xf32, #tpu.memory_space<vmem>>
        %parallel_loop3A_377 = tpu.memref_squeeze %parallel_loop3A_376 : memref<1x16x1000xf32, #tpu.memory_space<vmem>> -> memref<16x1000xf32, #tpu.memory_space<vmem>>
        %parallel_loop3A_378 = tpu.vector_load_idx %parallel_loop3A_377[%parallel_loop3A_373, %parallel_loop3A_286] : memref<16x1000xf32, #tpu.memory_space<vmem>>[vector<16xi32>, vector<16xi32>], vector<16xf32>,
        %parallel_loop3A_379 = arith.constant 16 : i32
        %parallel_loop3A_380 = arith.muli %parallel_loop3A_379, %parallel_loop3A_282 : i32
        %parallel_loop3A_381 = arith.constant 5 : i32
        %parallel_loop3A_382 = arith.constant 0 : i32
        %parallel_loop3A_383 = arith.constant 0 : i32
        %parallel_loop3A_384 = tpu.memref_slice %arg7[%parallel_loop3A_203, %parallel_loop3A_382, %parallel_loop3A_383] : memref<3x16x1024xf32, #tpu.memory_space<vmem>> -> memref<1x16x1024xf32, #tpu.memory_space<vmem>>
        %parallel_loop3A_385 = tpu.memref_squeeze %parallel_loop3A_384 : memref<1x16x1024xf32, #tpu.memory_space<vmem>> -> memref<16x1024xf32, #tpu.memory_space<vmem>>
        %parallel_loop3A_386 = arith.index_cast %parallel_loop3A_381 : i32 to index
        %parallel_loop3A_387 = arith.index_cast %parallel_loop3A_380 : i32 to index
        %parallel_loop3A_388 = tpu.vector_load %parallel_loop3A_385[%parallel_loop3A_386, %parallel_loop3A_387] {strides = array<i32>} : memref<16x1024xf32, #tpu.memory_space<vmem>>, vector<16xf32>,
        tpu.vector_store %parallel_loop3A_385[%parallel_loop3A_386, %parallel_loop3A_387], %parallel_loop3A_378 {strides = array<i32>} : memref<16x1024xf32, #tpu.memory_space<vmem>>, vector<16xf32>,
        %parallel_loop3A_389 = arith.constant 6 : i32
        %parallel_loop3A_390 = vector.broadcast %parallel_loop3A_389 : i32 to vector<16xi32>
        %parallel_loop3A_391 = arith.constant 0 : i32
        %parallel_loop3A_392 = arith.constant 0 : i32
        %parallel_loop3A_393 = tpu.memref_slice %arg6[%parallel_loop3A_202, %parallel_loop3A_391, %parallel_loop3A_392] : memref<3x16x1000xf32, #tpu.memory_space<vmem>> -> memref<1x16x1000xf32, #tpu.memory_space<vmem>>
        %parallel_loop3A_394 = tpu.memref_squeeze %parallel_loop3A_393 : memref<1x16x1000xf32, #tpu.memory_space<vmem>> -> memref<16x1000xf32, #tpu.memory_space<vmem>>
        %parallel_loop3A_395 = tpu.vector_load_idx %parallel_loop3A_394[%parallel_loop3A_390, %parallel_loop3A_286] : memref<16x1000xf32, #tpu.memory_space<vmem>>[vector<16xi32>, vector<16xi32>], vector<16xf32>,
        %parallel_loop3A_396 = arith.constant 16 : i32
        %parallel_loop3A_397 = arith.muli %parallel_loop3A_396, %parallel_loop3A_282 : i32
        %parallel_loop3A_398 = arith.constant 6 : i32
        %parallel_loop3A_399 = arith.constant 0 : i32
        %parallel_loop3A_400 = arith.constant 0 : i32
        %parallel_loop3A_401 = tpu.memref_slice %arg7[%parallel_loop3A_203, %parallel_loop3A_399, %parallel_loop3A_400] : memref<3x16x1024xf32, #tpu.memory_space<vmem>> -> memref<1x16x1024xf32, #tpu.memory_space<vmem>>
        %parallel_loop3A_402 = tpu.memref_squeeze %parallel_loop3A_401 : memref<1x16x1024xf32, #tpu.memory_space<vmem>> -> memref<16x1024xf32, #tpu.memory_space<vmem>>
        %parallel_loop3A_403 = arith.index_cast %parallel_loop3A_398 : i32 to index
        %parallel_loop3A_404 = arith.index_cast %parallel_loop3A_397 : i32 to index
        %parallel_loop3A_405 = tpu.vector_load %parallel_loop3A_402[%parallel_loop3A_403, %parallel_loop3A_404] {strides = array<i32>} : memref<16x1024xf32, #tpu.memory_space<vmem>>, vector<16xf32>,
        tpu.vector_store %parallel_loop3A_402[%parallel_loop3A_403, %parallel_loop3A_404], %parallel_loop3A_395 {strides = array<i32>} : memref<16x1024xf32, #tpu.memory_space<vmem>>, vector<16xf32>,
        %parallel_loop3A_406 = arith.constant 7 : i32
        %parallel_loop3A_407 = vector.broadcast %parallel_loop3A_406 : i32 to vector<16xi32>
        %parallel_loop3A_408 = arith.constant 0 : i32
        %parallel_loop3A_409 = arith.constant 0 : i32
        %parallel_loop3A_410 = tpu.memref_slice %arg6[%parallel_loop3A_202, %parallel_loop3A_408, %parallel_loop3A_409] : memref<3x16x1000xf32, #tpu.memory_space<vmem>> -> memref<1x16x1000xf32, #tpu.memory_space<vmem>>
        %parallel_loop3A_411 = tpu.memref_squeeze %parallel_loop3A_410 : memref<1x16x1000xf32, #tpu.memory_space<vmem>> -> memref<16x1000xf32, #tpu.memory_space<vmem>>
        %parallel_loop3A_412 = tpu.vector_load_idx %parallel_loop3A_411[%parallel_loop3A_407, %parallel_loop3A_286] : memref<16x1000xf32, #tpu.memory_space<vmem>>[vector<16xi32>, vector<16xi32>], vector<16xf32>,
        %parallel_loop3A_413 = arith.constant 16 : i32
        %parallel_loop3A_414 = arith.muli %parallel_loop3A_413, %parallel_loop3A_282 : i32
        %parallel_loop3A_415 = arith.constant 7 : i32
        %parallel_loop3A_416 = arith.constant 0 : i32
        %parallel_loop3A_417 = arith.constant 0 : i32
        %parallel_loop3A_418 = tpu.memref_slice %arg7[%parallel_loop3A_203, %parallel_loop3A_416, %parallel_loop3A_417] : memref<3x16x1024xf32, #tpu.memory_space<vmem>> -> memref<1x16x1024xf32, #tpu.memory_space<vmem>>
        %parallel_loop3A_419 = tpu.memref_squeeze %parallel_loop3A_418 : memref<1x16x1024xf32, #tpu.memory_space<vmem>> -> memref<16x1024xf32, #tpu.memory_space<vmem>>
        %parallel_loop3A_420 = arith.index_cast %parallel_loop3A_415 : i32 to index
        %parallel_loop3A_421 = arith.index_cast %parallel_loop3A_414 : i32 to index
        %parallel_loop3A_422 = tpu.vector_load %parallel_loop3A_419[%parallel_loop3A_420, %parallel_loop3A_421] {strides = array<i32>} : memref<16x1024xf32, #tpu.memory_space<vmem>>, vector<16xf32>,
        tpu.vector_store %parallel_loop3A_419[%parallel_loop3A_420, %parallel_loop3A_421], %parallel_loop3A_412 {strides = array<i32>} : memref<16x1024xf32, #tpu.memory_space<vmem>>, vector<16xf32>,
        %parallel_loop3A_423 = arith.constant 8 : i32
        %parallel_loop3A_424 = vector.broadcast %parallel_loop3A_423 : i32 to vector<16xi32>
        %parallel_loop3A_425 = arith.constant 0 : i32
        %parallel_loop3A_426 = arith.constant 0 : i32
        %parallel_loop3A_427 = tpu.memref_slice %arg6[%parallel_loop3A_202, %parallel_loop3A_425, %parallel_loop3A_426] : memref<3x16x1000xf32, #tpu.memory_space<vmem>> -> memref<1x16x1000xf32, #tpu.memory_space<vmem>>
        %parallel_loop3A_428 = tpu.memref_squeeze %parallel_loop3A_427 : memref<1x16x1000xf32, #tpu.memory_space<vmem>> -> memref<16x1000xf32, #tpu.memory_space<vmem>>
        %parallel_loop3A_429 = tpu.vector_load_idx %parallel_loop3A_428[%parallel_loop3A_424, %parallel_loop3A_286] : memref<16x1000xf32, #tpu.memory_space<vmem>>[vector<16xi32>, vector<16xi32>], vector<16xf32>,
        %parallel_loop3A_430 = arith.constant 16 : i32
        %parallel_loop3A_431 = arith.muli %parallel_loop3A_430, %parallel_loop3A_282 : i32
        %parallel_loop3A_432 = arith.constant 8 : i32
        %parallel_loop3A_433 = arith.constant 0 : i32
        %parallel_loop3A_434 = arith.constant 0 : i32
        %parallel_loop3A_435 = tpu.memref_slice %arg7[%parallel_loop3A_203, %parallel_loop3A_433, %parallel_loop3A_434] : memref<3x16x1024xf32, #tpu.memory_space<vmem>> -> memref<1x16x1024xf32, #tpu.memory_space<vmem>>
        %parallel_loop3A_436 = tpu.memref_squeeze %parallel_loop3A_435 : memref<1x16x1024xf32, #tpu.memory_space<vmem>> -> memref<16x1024xf32, #tpu.memory_space<vmem>>
        %parallel_loop3A_437 = arith.index_cast %parallel_loop3A_432 : i32 to index
        %parallel_loop3A_438 = arith.index_cast %parallel_loop3A_431 : i32 to index
        %parallel_loop3A_439 = tpu.vector_load %parallel_loop3A_436[%parallel_loop3A_437, %parallel_loop3A_438] {strides = array<i32>} : memref<16x1024xf32, #tpu.memory_space<vmem>>, vector<16xf32>,
        tpu.vector_store %parallel_loop3A_436[%parallel_loop3A_437, %parallel_loop3A_438], %parallel_loop3A_429 {strides = array<i32>} : memref<16x1024xf32, #tpu.memory_space<vmem>>, vector<16xf32>,
        %parallel_loop3A_440 = arith.constant 9 : i32
        %parallel_loop3A_441 = vector.broadcast %parallel_loop3A_440 : i32 to vector<16xi32>
        %parallel_loop3A_442 = arith.constant 0 : i32
        %parallel_loop3A_443 = arith.constant 0 : i32
        %parallel_loop3A_444 = tpu.memref_slice %arg6[%parallel_loop3A_202, %parallel_loop3A_442, %parallel_loop3A_443] : memref<3x16x1000xf32, #tpu.memory_space<vmem>> -> memref<1x16x1000xf32, #tpu.memory_space<vmem>>
        %parallel_loop3A_445 = tpu.memref_squeeze %parallel_loop3A_444 : memref<1x16x1000xf32, #tpu.memory_space<vmem>> -> memref<16x1000xf32, #tpu.memory_space<vmem>>
        %parallel_loop3A_446 = tpu.vector_load_idx %parallel_loop3A_445[%parallel_loop3A_441, %parallel_loop3A_286] : memref<16x1000xf32, #tpu.memory_space<vmem>>[vector<16xi32>, vector<16xi32>], vector<16xf32>,
        %parallel_loop3A_447 = arith.constant 16 : i32
        %parallel_loop3A_448 = arith.muli %parallel_loop3A_447, %parallel_loop3A_282 : i32
        %parallel_loop3A_449 = arith.constant 9 : i32
        %parallel_loop3A_450 = arith.constant 0 : i32
        %parallel_loop3A_451 = arith.constant 0 : i32
        %parallel_loop3A_452 = tpu.memref_slice %arg7[%parallel_loop3A_203, %parallel_loop3A_450, %parallel_loop3A_451] : memref<3x16x1024xf32, #tpu.memory_space<vmem>> -> memref<1x16x1024xf32, #tpu.memory_space<vmem>>
        %parallel_loop3A_453 = tpu.memref_squeeze %parallel_loop3A_452 : memref<1x16x1024xf32, #tpu.memory_space<vmem>> -> memref<16x1024xf32, #tpu.memory_space<vmem>>
        %parallel_loop3A_454 = arith.index_cast %parallel_loop3A_449 : i32 to index
        %parallel_loop3A_455 = arith.index_cast %parallel_loop3A_448 : i32 to index
        %parallel_loop3A_456 = tpu.vector_load %parallel_loop3A_453[%parallel_loop3A_454, %parallel_loop3A_455] {strides = array<i32>} : memref<16x1024xf32, #tpu.memory_space<vmem>>, vector<16xf32>,
        tpu.vector_store %parallel_loop3A_453[%parallel_loop3A_454, %parallel_loop3A_455], %parallel_loop3A_446 {strides = array<i32>} : memref<16x1024xf32, #tpu.memory_space<vmem>>, vector<16xf32>,
        %parallel_loop3A_457 = arith.constant 10 : i32
        %parallel_loop3A_458 = vector.broadcast %parallel_loop3A_457 : i32 to vector<16xi32>
        %parallel_loop3A_459 = arith.constant 0 : i32
        %parallel_loop3A_460 = arith.constant 0 : i32
        %parallel_loop3A_461 = tpu.memref_slice %arg6[%parallel_loop3A_202, %parallel_loop3A_459, %parallel_loop3A_460] : memref<3x16x1000xf32, #tpu.memory_space<vmem>> -> memref<1x16x1000xf32, #tpu.memory_space<vmem>>
        %parallel_loop3A_462 = tpu.memref_squeeze %parallel_loop3A_461 : memref<1x16x1000xf32, #tpu.memory_space<vmem>> -> memref<16x1000xf32, #tpu.memory_space<vmem>>
        %parallel_loop3A_463 = tpu.vector_load_idx %parallel_loop3A_462[%parallel_loop3A_458, %parallel_loop3A_286] : memref<16x1000xf32, #tpu.memory_space<vmem>>[vector<16xi32>, vector<16xi32>], vector<16xf32>,
        %parallel_loop3A_464 = arith.constant 16 : i32
        %parallel_loop3A_465 = arith.muli %parallel_loop3A_464, %parallel_loop3A_282 : i32
        %parallel_loop3A_466 = arith.constant 10 : i32
        %parallel_loop3A_467 = arith.constant 0 : i32
        %parallel_loop3A_468 = arith.constant 0 : i32
        %parallel_loop3A_469 = tpu.memref_slice %arg7[%parallel_loop3A_203, %parallel_loop3A_467, %parallel_loop3A_468] : memref<3x16x1024xf32, #tpu.memory_space<vmem>> -> memref<1x16x1024xf32, #tpu.memory_space<vmem>>
        %parallel_loop3A_470 = tpu.memref_squeeze %parallel_loop3A_469 : memref<1x16x1024xf32, #tpu.memory_space<vmem>> -> memref<16x1024xf32, #tpu.memory_space<vmem>>
        %parallel_loop3A_471 = arith.index_cast %parallel_loop3A_466 : i32 to index
        %parallel_loop3A_472 = arith.index_cast %parallel_loop3A_465 : i32 to index
        %parallel_loop3A_473 = tpu.vector_load %parallel_loop3A_470[%parallel_loop3A_471, %parallel_loop3A_472] {strides = array<i32>} : memref<16x1024xf32, #tpu.memory_space<vmem>>, vector<16xf32>,
        tpu.vector_store %parallel_loop3A_470[%parallel_loop3A_471, %parallel_loop3A_472], %parallel_loop3A_463 {strides = array<i32>} : memref<16x1024xf32, #tpu.memory_space<vmem>>, vector<16xf32>,
        %parallel_loop3A_474 = arith.constant 11 : i32
        %parallel_loop3A_475 = vector.broadcast %parallel_loop3A_474 : i32 to vector<16xi32>
        %parallel_loop3A_476 = arith.constant 0 : i32
        %parallel_loop3A_477 = arith.constant 0 : i32
        %parallel_loop3A_478 = tpu.memref_slice %arg6[%parallel_loop3A_202, %parallel_loop3A_476, %parallel_loop3A_477] : memref<3x16x1000xf32, #tpu.memory_space<vmem>> -> memref<1x16x1000xf32, #tpu.memory_space<vmem>>
        %parallel_loop3A_479 = tpu.memref_squeeze %parallel_loop3A_478 : memref<1x16x1000xf32, #tpu.memory_space<vmem>> -> memref<16x1000xf32, #tpu.memory_space<vmem>>
        %parallel_loop3A_480 = tpu.vector_load_idx %parallel_loop3A_479[%parallel_loop3A_475, %parallel_loop3A_286] : memref<16x1000xf32, #tpu.memory_space<vmem>>[vector<16xi32>, vector<16xi32>], vector<16xf32>,
        %parallel_loop3A_481 = arith.constant 16 : i32
        %parallel_loop3A_482 = arith.muli %parallel_loop3A_481, %parallel_loop3A_282 : i32
        %parallel_loop3A_483 = arith.constant 11 : i32
        %parallel_loop3A_484 = arith.constant 0 : i32
        %parallel_loop3A_485 = arith.constant 0 : i32
        %parallel_loop3A_486 = tpu.memref_slice %arg7[%parallel_loop3A_203, %parallel_loop3A_484, %parallel_loop3A_485] : memref<3x16x1024xf32, #tpu.memory_space<vmem>> -> memref<1x16x1024xf32, #tpu.memory_space<vmem>>
        %parallel_loop3A_487 = tpu.memref_squeeze %parallel_loop3A_486 : memref<1x16x1024xf32, #tpu.memory_space<vmem>> -> memref<16x1024xf32, #tpu.memory_space<vmem>>
        %parallel_loop3A_488 = arith.index_cast %parallel_loop3A_483 : i32 to index
        %parallel_loop3A_489 = arith.index_cast %parallel_loop3A_482 : i32 to index
        %parallel_loop3A_490 = tpu.vector_load %parallel_loop3A_487[%parallel_loop3A_488, %parallel_loop3A_489] {strides = array<i32>} : memref<16x1024xf32, #tpu.memory_space<vmem>>, vector<16xf32>,
        tpu.vector_store %parallel_loop3A_487[%parallel_loop3A_488, %parallel_loop3A_489], %parallel_loop3A_480 {strides = array<i32>} : memref<16x1024xf32, #tpu.memory_space<vmem>>, vector<16xf32>,
        %parallel_loop3A_491 = arith.constant 12 : i32
        %parallel_loop3A_492 = vector.broadcast %parallel_loop3A_491 : i32 to vector<16xi32>
        %parallel_loop3A_493 = arith.constant 0 : i32
        %parallel_loop3A_494 = arith.constant 0 : i32
        %parallel_loop3A_495 = tpu.memref_slice %arg6[%parallel_loop3A_202, %parallel_loop3A_493, %parallel_loop3A_494] : memref<3x16x1000xf32, #tpu.memory_space<vmem>> -> memref<1x16x1000xf32, #tpu.memory_space<vmem>>
        %parallel_loop3A_496 = tpu.memref_squeeze %parallel_loop3A_495 : memref<1x16x1000xf32, #tpu.memory_space<vmem>> -> memref<16x1000xf32, #tpu.memory_space<vmem>>
        %parallel_loop3A_497 = tpu.vector_load_idx %parallel_loop3A_496[%parallel_loop3A_492, %parallel_loop3A_286] : memref<16x1000xf32, #tpu.memory_space<vmem>>[vector<16xi32>, vector<16xi32>], vector<16xf32>,
        %parallel_loop3A_498 = arith.constant 16 : i32
        %parallel_loop3A_499 = arith.muli %parallel_loop3A_498, %parallel_loop3A_282 : i32
        %parallel_loop3A_500 = arith.constant 12 : i32
        %parallel_loop3A_501 = arith.constant 0 : i32
        %parallel_loop3A_502 = arith.constant 0 : i32
        %parallel_loop3A_503 = tpu.memref_slice %arg7[%parallel_loop3A_203, %parallel_loop3A_501, %parallel_loop3A_502] : memref<3x16x1024xf32, #tpu.memory_space<vmem>> -> memref<1x16x1024xf32, #tpu.memory_space<vmem>>
        %parallel_loop3A_504 = tpu.memref_squeeze %parallel_loop3A_503 : memref<1x16x1024xf32, #tpu.memory_space<vmem>> -> memref<16x1024xf32, #tpu.memory_space<vmem>>
        %parallel_loop3A_505 = arith.index_cast %parallel_loop3A_500 : i32 to index
        %parallel_loop3A_506 = arith.index_cast %parallel_loop3A_499 : i32 to index
        %parallel_loop3A_507 = tpu.vector_load %parallel_loop3A_504[%parallel_loop3A_505, %parallel_loop3A_506] {strides = array<i32>} : memref<16x1024xf32, #tpu.memory_space<vmem>>, vector<16xf32>,
        tpu.vector_store %parallel_loop3A_504[%parallel_loop3A_505, %parallel_loop3A_506], %parallel_loop3A_497 {strides = array<i32>} : memref<16x1024xf32, #tpu.memory_space<vmem>>, vector<16xf32>,
        %parallel_loop3A_508 = arith.constant 13 : i32
        %parallel_loop3A_509 = vector.broadcast %parallel_loop3A_508 : i32 to vector<16xi32>
        %parallel_loop3A_510 = arith.constant 0 : i32
        %parallel_loop3A_511 = arith.constant 0 : i32
        %parallel_loop3A_512 = tpu.memref_slice %arg6[%parallel_loop3A_202, %parallel_loop3A_510, %parallel_loop3A_511] : memref<3x16x1000xf32, #tpu.memory_space<vmem>> -> memref<1x16x1000xf32, #tpu.memory_space<vmem>>
        %parallel_loop3A_513 = tpu.memref_squeeze %parallel_loop3A_512 : memref<1x16x1000xf32, #tpu.memory_space<vmem>> -> memref<16x1000xf32, #tpu.memory_space<vmem>>
        %parallel_loop3A_514 = tpu.vector_load_idx %parallel_loop3A_513[%parallel_loop3A_509, %parallel_loop3A_286] : memref<16x1000xf32, #tpu.memory_space<vmem>>[vector<16xi32>, vector<16xi32>], vector<16xf32>,
        %parallel_loop3A_515 = arith.constant 16 : i32
        %parallel_loop3A_516 = arith.muli %parallel_loop3A_515, %parallel_loop3A_282 : i32
        %parallel_loop3A_517 = arith.constant 13 : i32
        %parallel_loop3A_518 = arith.constant 0 : i32
        %parallel_loop3A_519 = arith.constant 0 : i32
        %parallel_loop3A_520 = tpu.memref_slice %arg7[%parallel_loop3A_203, %parallel_loop3A_518, %parallel_loop3A_519] : memref<3x16x1024xf32, #tpu.memory_space<vmem>> -> memref<1x16x1024xf32, #tpu.memory_space<vmem>>
        %parallel_loop3A_521 = tpu.memref_squeeze %parallel_loop3A_520 : memref<1x16x1024xf32, #tpu.memory_space<vmem>> -> memref<16x1024xf32, #tpu.memory_space<vmem>>
        %parallel_loop3A_522 = arith.index_cast %parallel_loop3A_517 : i32 to index
        %parallel_loop3A_523 = arith.index_cast %parallel_loop3A_516 : i32 to index
        %parallel_loop3A_524 = tpu.vector_load %parallel_loop3A_521[%parallel_loop3A_522, %parallel_loop3A_523] {strides = array<i32>} : memref<16x1024xf32, #tpu.memory_space<vmem>>, vector<16xf32>,
        tpu.vector_store %parallel_loop3A_521[%parallel_loop3A_522, %parallel_loop3A_523], %parallel_loop3A_514 {strides = array<i32>} : memref<16x1024xf32, #tpu.memory_space<vmem>>, vector<16xf32>,
        %parallel_loop3A_525 = arith.constant 14 : i32
        %parallel_loop3A_526 = vector.broadcast %parallel_loop3A_525 : i32 to vector<16xi32>
        %parallel_loop3A_527 = arith.constant 0 : i32
        %parallel_loop3A_528 = arith.constant 0 : i32
        %parallel_loop3A_529 = tpu.memref_slice %arg6[%parallel_loop3A_202, %parallel_loop3A_527, %parallel_loop3A_528] : memref<3x16x1000xf32, #tpu.memory_space<vmem>> -> memref<1x16x1000xf32, #tpu.memory_space<vmem>>
        %parallel_loop3A_530 = tpu.memref_squeeze %parallel_loop3A_529 : memref<1x16x1000xf32, #tpu.memory_space<vmem>> -> memref<16x1000xf32, #tpu.memory_space<vmem>>
        %parallel_loop3A_531 = tpu.vector_load_idx %parallel_loop3A_530[%parallel_loop3A_526, %parallel_loop3A_286] : memref<16x1000xf32, #tpu.memory_space<vmem>>[vector<16xi32>, vector<16xi32>], vector<16xf32>,
        %parallel_loop3A_532 = arith.constant 16 : i32
        %parallel_loop3A_533 = arith.muli %parallel_loop3A_532, %parallel_loop3A_282 : i32
        %parallel_loop3A_534 = arith.constant 14 : i32
        %parallel_loop3A_535 = arith.constant 0 : i32
        %parallel_loop3A_536 = arith.constant 0 : i32
        %parallel_loop3A_537 = tpu.memref_slice %arg7[%parallel_loop3A_203, %parallel_loop3A_535, %parallel_loop3A_536] : memref<3x16x1024xf32, #tpu.memory_space<vmem>> -> memref<1x16x1024xf32, #tpu.memory_space<vmem>>
        %parallel_loop3A_538 = tpu.memref_squeeze %parallel_loop3A_537 : memref<1x16x1024xf32, #tpu.memory_space<vmem>> -> memref<16x1024xf32, #tpu.memory_space<vmem>>
        %parallel_loop3A_539 = arith.index_cast %parallel_loop3A_534 : i32 to index
        %parallel_loop3A_540 = arith.index_cast %parallel_loop3A_533 : i32 to index
        %parallel_loop3A_541 = tpu.vector_load %parallel_loop3A_538[%parallel_loop3A_539, %parallel_loop3A_540] {strides = array<i32>} : memref<16x1024xf32, #tpu.memory_space<vmem>>, vector<16xf32>,
        tpu.vector_store %parallel_loop3A_538[%parallel_loop3A_539, %parallel_loop3A_540], %parallel_loop3A_531 {strides = array<i32>} : memref<16x1024xf32, #tpu.memory_space<vmem>>, vector<16xf32>,
        %parallel_loop3A_542 = arith.constant 15 : i32
        %parallel_loop3A_543 = vector.broadcast %parallel_loop3A_542 : i32 to vector<16xi32>
        %parallel_loop3A_544 = arith.constant 0 : i32
        %parallel_loop3A_545 = arith.constant 0 : i32
        %parallel_loop3A_546 = tpu.memref_slice %arg6[%parallel_loop3A_202, %parallel_loop3A_544, %parallel_loop3A_545] : memref<3x16x1000xf32, #tpu.memory_space<vmem>> -> memref<1x16x1000xf32, #tpu.memory_space<vmem>>
        %parallel_loop3A_547 = tpu.memref_squeeze %parallel_loop3A_546 : memref<1x16x1000xf32, #tpu.memory_space<vmem>> -> memref<16x1000xf32, #tpu.memory_space<vmem>>
        %parallel_loop3A_548 = tpu.vector_load_idx %parallel_loop3A_547[%parallel_loop3A_543, %parallel_loop3A_286] : memref<16x1000xf32, #tpu.memory_space<vmem>>[vector<16xi32>, vector<16xi32>], vector<16xf32>,
        %parallel_loop3A_549 = arith.constant 16 : i32
        %parallel_loop3A_550 = arith.muli %parallel_loop3A_549, %parallel_loop3A_282 : i32
        %parallel_loop3A_551 = arith.constant 15 : i32
        %parallel_loop3A_552 = arith.constant 0 : i32
        %parallel_loop3A_553 = arith.constant 0 : i32
        %parallel_loop3A_554 = tpu.memref_slice %arg7[%parallel_loop3A_203, %parallel_loop3A_552, %parallel_loop3A_553] : memref<3x16x1024xf32, #tpu.memory_space<vmem>> -> memref<1x16x1024xf32, #tpu.memory_space<vmem>>
        %parallel_loop3A_555 = tpu.memref_squeeze %parallel_loop3A_554 : memref<1x16x1024xf32, #tpu.memory_space<vmem>> -> memref<16x1024xf32, #tpu.memory_space<vmem>>
        %parallel_loop3A_556 = arith.index_cast %parallel_loop3A_551 : i32 to index
        %parallel_loop3A_557 = arith.index_cast %parallel_loop3A_550 : i32 to index
        %parallel_loop3A_558 = tpu.vector_load %parallel_loop3A_555[%parallel_loop3A_556, %parallel_loop3A_557] {strides = array<i32>} : memref<16x1024xf32, #tpu.memory_space<vmem>>, vector<16xf32>,
        tpu.vector_store %parallel_loop3A_555[%parallel_loop3A_556, %parallel_loop3A_557], %parallel_loop3A_548 {strides = array<i32>} : memref<16x1024xf32, #tpu.memory_space<vmem>>, vector<16xf32>,
      } {sc.loop_unroll_factor = 4 : i64, sc.parallel_access}
      %add3A_204 = arith.addi %min3A_3, %add3A_175 : i32
      %dma_start3A_205 = arith.constant 1 : i32
      %dma_start3A_206 = arith.constant 0 : i32
      %dma_start3A_207 = arith.constant 0 : i32
      %dma_start3A_208 = tpu.memref_slice %arg7[%dma_start3A_205, %dma_start3A_206, %dma_start3A_207] : memref<3x16x1024xf32, #tpu.memory_space<vmem>> -> memref<1x16x1024xf32, #tpu.memory_space<vmem>>
      %dma_start3A_209 = tpu.memref_squeeze %dma_start3A_208 : memref<1x16x1024xf32, #tpu.memory_space<vmem>> -> memref<16x1024xf32, #tpu.memory_space<vmem>>
      %dma_start3A_210 = arith.constant 0 : i32
      %dma_start3A_211 = arith.constant 0 : i32
      %dma_start3A_212 = tpu.memref_slice %arg4[%add3A_204, %dma_start3A_210, %dma_start3A_211] : memref<4913x16x1024xf32, #tpu.memory_space<hbm>> -> memref<1x16x1024xf32, #tpu.memory_space<hbm>>
      %dma_start3A_213 = tpu.memref_squeeze %dma_start3A_212 : memref<1x16x1024xf32, #tpu.memory_space<hbm>> -> memref<16x1024xf32, #tpu.memory_space<hbm>>
      %dma_start3A_214 = arith.constant 0 : i32
      %dma_start3A_215 = arith.constant 0 : i32
      %dma_start3A_216 = tpu.memref_slice %arg4[%add3A_204, %dma_start3A_214, %dma_start3A_215] : memref<4913x16x1024xf32, #tpu.memory_space<hbm>> -> memref<1x16x1024xf32, #tpu.memory_space<hbm>>
      %dma_start3A_217 = tpu.memref_squeeze %dma_start3A_216 : memref<1x16x1024xf32, #tpu.memory_space<hbm>> -> memref<16x1024xf32, #tpu.memory_space<hbm>>
      %dma_start3A_218 = arith.constant 0 : i32
      %dma_start3A_219 = arith.constant 0 : i32
      %dma_start3A_220 = tpu.memref_slice %arg7[%dma_start3A_205, %dma_start3A_218, %dma_start3A_219] : memref<3x16x1024xf32, #tpu.memory_space<vmem>> -> memref<1x16x1024xf32, #tpu.memory_space<vmem>>
      %dma_start3A_221 = tpu.memref_squeeze %dma_start3A_220 : memref<1x16x1024xf32, #tpu.memory_space<vmem>> -> memref<16x1024xf32, #tpu.memory_space<vmem>>
      tpu.enqueue_dma source(%dma_start3A_221 : memref<16x1024xf32, #tpu.memory_space<vmem>>) target(%dma_start3A_217 : memref<16x1024xf32, #tpu.memory_space<hbm>>) target_semaphore(%arg12 : memref<!tpu.dma_semaphore, #tpu.memory_space<semaphore_mem>>)
      %lt3A_222 = arith.constant 51 : i32
      %lt3A_223 = arith.cmpi slt, %scan3A_121, %lt3A_222 : i32
      %convert_element_type3A_224 = arith.extui %lt3A_223 : i1 to i32
      %cond3A_225 = arith.constant 0 : i32
      %cond3A_226 = arith.cmpi ne, %convert_element_type3A_224, %cond3A_225 : i32
      scf.if %cond3A_226 {
        %add3A_282 = arith.constant 3 : i32
        %add3A_283 = arith.addi %add3A_175, %add3A_282 : i32
        %add3A_284 = arith.addi %min3A_3, %add3A_283 : i32
        %dma_start3A_285 = arith.constant 1 : i32
        %dma_start3A_286 = arith.constant 0 : i32
        %dma_start3A_287 = arith.constant 0 : i32
        %dma_start3A_288 = tpu.memref_slice %arg6[%dma_start3A_285, %dma_start3A_286, %dma_start3A_287] : memref<3x16x1000xf32, #tpu.memory_space<vmem>> -> memref<1x16x1000xf32, #tpu.memory_space<vmem>>
        %dma_start3A_289 = tpu.memref_squeeze %dma_start3A_288 : memref<1x16x1000xf32, #tpu.memory_space<vmem>> -> memref<16x1000xf32, #tpu.memory_space<vmem>>
        %dma_start3A_290 = arith.constant 0 : i32
        %dma_start3A_291 = arith.constant 0 : i32
        %dma_start3A_292 = tpu.memref_slice %arg3[%add3A_284, %dma_start3A_290, %dma_start3A_291] : memref<4913x16x1000xf32, #tpu.memory_space<hbm>> -> memref<1x16x1000xf32, #tpu.memory_space<hbm>>
        %dma_start3A_293 = tpu.memref_squeeze %dma_start3A_292 : memref<1x16x1000xf32, #tpu.memory_space<hbm>> -> memref<16x1000xf32, #tpu.memory_space<hbm>>
        %dma_start3A_294 = arith.constant 0 : i32
        %dma_start3A_295 = arith.constant 0 : i32
        %dma_start3A_296 = tpu.memref_slice %arg6[%dma_start3A_285, %dma_start3A_294, %dma_start3A_295] : memref<3x16x1000xf32, #tpu.memory_space<vmem>> -> memref<1x16x1000xf32, #tpu.memory_space<vmem>>
        %dma_start3A_297 = tpu.memref_squeeze %dma_start3A_296 : memref<1x16x1000xf32, #tpu.memory_space<vmem>> -> memref<16x1000xf32, #tpu.memory_space<vmem>>
        %dma_start3A_298 = arith.constant 0 : i32
        %dma_start3A_299 = arith.constant 0 : i32
        %dma_start3A_300 = tpu.memref_slice %arg3[%add3A_284, %dma_start3A_298, %dma_start3A_299] : memref<4913x16x1000xf32, #tpu.memory_space<hbm>> -> memref<1x16x1000xf32, #tpu.memory_space<hbm>>
        %dma_start3A_301 = tpu.memref_squeeze %dma_start3A_300 : memref<1x16x1000xf32, #tpu.memory_space<hbm>> -> memref<16x1000xf32, #tpu.memory_space<hbm>>
        tpu.enqueue_dma source(%dma_start3A_301 : memref<16x1000xf32, #tpu.memory_space<hbm>>) target(%dma_start3A_297 : memref<16x1000xf32, #tpu.memory_space<vmem>>) target_semaphore(%arg9 : memref<!tpu.dma_semaphore, #tpu.memory_space<semaphore_mem>>)
      } else {
      }
      %mul3A_227 = arith.constant 3 : i32
      %mul3A_228 = arith.muli %mul3A_227, %scan3A_121 : i32
      %add3A_229 = arith.constant 2 : i32
      %add3A_230 = arith.addi %mul3A_228, %add3A_229 : i32
      %ge3A_231 = arith.constant 1 : i32
      %ge3A_232 = arith.cmpi sge, %scan3A_121, %ge3A_231 : i32
      %convert_element_type3A_233 = arith.extui %ge3A_232 : i1 to i32
      %cond3A_234 = arith.constant 0 : i32
      %cond3A_235 = arith.cmpi ne, %convert_element_type3A_233, %cond3A_234 : i32
      scf.if %cond3A_235 {
        %sub3A = arith.constant 3 : i32
        %sub3A_282 = arith.subi %add3A_230, %sub3A : i32
        %add3A_283 = arith.addi %min3A_3, %sub3A_282 : i32
        %dma_wait3A_284 = arith.constant 2 : i32
        %dma_wait3A_285 = arith.constant 0 : i32
        %dma_wait3A_286 = arith.constant 0 : i32
        %dma_wait3A_287 = tpu.memref_slice %arg7[%dma_wait3A_284, %dma_wait3A_285, %dma_wait3A_286] : memref<3x16x1024xf32, #tpu.memory_space<vmem>> -> memref<1x16x1024xf32, #tpu.memory_space<vmem>>
        %dma_wait3A_288 = tpu.memref_squeeze %dma_wait3A_287 : memref<1x16x1024xf32, #tpu.memory_space<vmem>> -> memref<16x1024xf32, #tpu.memory_space<vmem>>
        %dma_wait3A_289 = arith.constant 0 : i32
        %dma_wait3A_290 = arith.constant 0 : i32
        %dma_wait3A_291 = tpu.memref_slice %arg4[%add3A_283, %dma_wait3A_289, %dma_wait3A_290] : memref<4913x16x1024xf32, #tpu.memory_space<hbm>> -> memref<1x16x1024xf32, #tpu.memory_space<hbm>>
        %dma_wait3A_292 = tpu.memref_squeeze %dma_wait3A_291 : memref<1x16x1024xf32, #tpu.memory_space<hbm>> -> memref<16x1024xf32, #tpu.memory_space<hbm>>
        %dma_wait3A_293 = arith.constant 0 : i32
        %dma_wait3A_294 = arith.constant 0 : i32
        %dma_wait3A_295 = tpu.memref_slice %arg4[%add3A_283, %dma_wait3A_293, %dma_wait3A_294] : memref<4913x16x1024xf32, #tpu.memory_space<hbm>> -> memref<1x16x1024xf32, #tpu.memory_space<hbm>>
        %dma_wait3A_296 = tpu.memref_squeeze %dma_wait3A_295 : memref<1x16x1024xf32, #tpu.memory_space<hbm>> -> memref<16x1024xf32, #tpu.memory_space<hbm>>
        %dma_wait3A_297 = arith.constant 0 : i32
        %dma_wait3A_298 = arith.constant 0 : i32
        %dma_wait3A_299 = tpu.memref_slice %arg7[%dma_wait3A_284, %dma_wait3A_297, %dma_wait3A_298] : memref<3x16x1024xf32, #tpu.memory_space<vmem>> -> memref<1x16x1024xf32, #tpu.memory_space<vmem>>
        %dma_wait3A_300 = tpu.memref_squeeze %dma_wait3A_299 : memref<1x16x1024xf32, #tpu.memory_space<vmem>> -> memref<16x1024xf32, #tpu.memory_space<vmem>>
        tpu.wait_dma2 semaphore(%arg13 : memref<!tpu.dma_semaphore, #tpu.memory_space<semaphore_mem>>) src(%dma_wait3A_300 : memref<16x1024xf32, #tpu.memory_space<vmem>>) dst(%dma_wait3A_296 : memref<16x1024xf32, #tpu.memory_space<hbm>>)
      } else {
      }
      %add3A_236 = arith.addi %min3A_3, %add3A_230 : i32
      %dma_wait3A_237 = arith.constant 2 : i32
      %dma_wait3A_238 = arith.constant 0 : i32
      %dma_wait3A_239 = arith.constant 0 : i32
      %dma_wait3A_240 = tpu.memref_slice %arg6[%dma_wait3A_237, %dma_wait3A_238, %dma_wait3A_239] : memref<3x16x1000xf32, #tpu.memory_space<vmem>> -> memref<1x16x1000xf32, #tpu.memory_space<vmem>>
      %dma_wait3A_241 = tpu.memref_squeeze %dma_wait3A_240 : memref<1x16x1000xf32, #tpu.memory_space<vmem>> -> memref<16x1000xf32, #tpu.memory_space<vmem>>
      %dma_wait3A_242 = arith.constant 0 : i32
      %dma_wait3A_243 = arith.constant 0 : i32
      %dma_wait3A_244 = tpu.memref_slice %arg3[%add3A_236, %dma_wait3A_242, %dma_wait3A_243] : memref<4913x16x1000xf32, #tpu.memory_space<hbm>> -> memref<1x16x1000xf32, #tpu.memory_space<hbm>>
      %dma_wait3A_245 = tpu.memref_squeeze %dma_wait3A_244 : memref<1x16x1000xf32, #tpu.memory_space<hbm>> -> memref<16x1000xf32, #tpu.memory_space<hbm>>
      %dma_wait3A_246 = arith.constant 0 : i32
      %dma_wait3A_247 = arith.constant 0 : i32
      %dma_wait3A_248 = tpu.memref_slice %arg6[%dma_wait3A_237, %dma_wait3A_246, %dma_wait3A_247] : memref<3x16x1000xf32, #tpu.memory_space<vmem>> -> memref<1x16x1000xf32, #tpu.memory_space<vmem>>
      %dma_wait3A_249 = tpu.memref_squeeze %dma_wait3A_248 : memref<1x16x1000xf32, #tpu.memory_space<vmem>> -> memref<16x1000xf32, #tpu.memory_space<vmem>>
      %dma_wait3A_250 = arith.constant 0 : i32
      %dma_wait3A_251 = arith.constant 0 : i32
      %dma_wait3A_252 = tpu.memref_slice %arg3[%add3A_236, %dma_wait3A_250, %dma_wait3A_251] : memref<4913x16x1000xf32, #tpu.memory_space<hbm>> -> memref<1x16x1000xf32, #tpu.memory_space<hbm>>
      %dma_wait3A_253 = tpu.memref_squeeze %dma_wait3A_252 : memref<1x16x1000xf32, #tpu.memory_space<hbm>> -> memref<16x1000xf32, #tpu.memory_space<hbm>>
      tpu.wait_dma2 semaphore(%arg10 : memref<!tpu.dma_semaphore, #tpu.memory_space<semaphore_mem>>) src(%dma_wait3A_253 : memref<16x1000xf32, #tpu.memory_space<hbm>>) dst(%dma_wait3A_249 : memref<16x1000xf32, #tpu.memory_space<vmem>>)
      %parallel_loop3A_254 = arith.constant 0 : i32
      %parallel_loop3A_255 = arith.constant 64 : i32
      %parallel_loop3A_256 = arith.constant 1 : i32
      %parallel_loop3A_257 = arith.constant 2 : i32
      %parallel_loop3A_258 = arith.constant 2 : i32
      scf.for %parallel_loop3A_282 = %parallel_loop3A_254 to %parallel_loop3A_255 step %parallel_loop3A_256  : i32 {
        %parallel_loop3A_283 = arith.constant 16 : i32
        %parallel_loop3A_284 = arith.muli %parallel_loop3A_283, %parallel_loop3A_282 : i32
        %parallel_loop3A_285 = arith.index_cast %parallel_loop3A_284 : i32 to index
        %parallel_loop3A_286 = tpu.vector_load %arg5[%parallel_loop3A_285] {strides = array<i32>} : memref<1024xi32, #tpu.memory_space<vmem>>, vector<16xi32>,
        %parallel_loop3A_287 = arith.constant 0 : i32
        %parallel_loop3A_288 = vector.broadcast %parallel_loop3A_287 : i32 to vector<16xi32>
        %parallel_loop3A_289 = arith.constant 0 : i32
        %parallel_loop3A_290 = arith.constant 0 : i32
        %parallel_loop3A_291 = tpu.memref_slice %arg6[%parallel_loop3A_257, %parallel_loop3A_289, %parallel_loop3A_290] : memref<3x16x1000xf32, #tpu.memory_space<vmem>> -> memref<1x16x1000xf32, #tpu.memory_space<vmem>>
        %parallel_loop3A_292 = tpu.memref_squeeze %parallel_loop3A_291 : memref<1x16x1000xf32, #tpu.memory_space<vmem>> -> memref<16x1000xf32, #tpu.memory_space<vmem>>
        %parallel_loop3A_293 = tpu.vector_load_idx %parallel_loop3A_292[%parallel_loop3A_288, %parallel_loop3A_286] : memref<16x1000xf32, #tpu.memory_space<vmem>>[vector<16xi32>, vector<16xi32>], vector<16xf32>,
        %parallel_loop3A_294 = arith.constant 16 : i32
        %parallel_loop3A_295 = arith.muli %parallel_loop3A_294, %parallel_loop3A_282 : i32
        %parallel_loop3A_296 = arith.constant 0 : i32
        %parallel_loop3A_297 = arith.constant 0 : i32
        %parallel_loop3A_298 = arith.constant 0 : i32
        %parallel_loop3A_299 = tpu.memref_slice %arg7[%parallel_loop3A_258, %parallel_loop3A_297, %parallel_loop3A_298] : memref<3x16x1024xf32, #tpu.memory_space<vmem>> -> memref<1x16x1024xf32, #tpu.memory_space<vmem>>
        %parallel_loop3A_300 = tpu.memref_squeeze %parallel_loop3A_299 : memref<1x16x1024xf32, #tpu.memory_space<vmem>> -> memref<16x1024xf32, #tpu.memory_space<vmem>>
        %parallel_loop3A_301 = arith.index_cast %parallel_loop3A_296 : i32 to index
        %parallel_loop3A_302 = arith.index_cast %parallel_loop3A_295 : i32 to index
        %parallel_loop3A_303 = tpu.vector_load %parallel_loop3A_300[%parallel_loop3A_301, %parallel_loop3A_302] {strides = array<i32>} : memref<16x1024xf32, #tpu.memory_space<vmem>>, vector<16xf32>,
        tpu.vector_store %parallel_loop3A_300[%parallel_loop3A_301, %parallel_loop3A_302], %parallel_loop3A_293 {strides = array<i32>} : memref<16x1024xf32, #tpu.memory_space<vmem>>, vector<16xf32>,
        %parallel_loop3A_304 = arith.constant 1 : i32
        %parallel_loop3A_305 = vector.broadcast %parallel_loop3A_304 : i32 to vector<16xi32>
        %parallel_loop3A_306 = arith.constant 0 : i32
        %parallel_loop3A_307 = arith.constant 0 : i32
        %parallel_loop3A_308 = tpu.memref_slice %arg6[%parallel_loop3A_257, %parallel_loop3A_306, %parallel_loop3A_307] : memref<3x16x1000xf32, #tpu.memory_space<vmem>> -> memref<1x16x1000xf32, #tpu.memory_space<vmem>>
        %parallel_loop3A_309 = tpu.memref_squeeze %parallel_loop3A_308 : memref<1x16x1000xf32, #tpu.memory_space<vmem>> -> memref<16x1000xf32, #tpu.memory_space<vmem>>
        %parallel_loop3A_310 = tpu.vector_load_idx %parallel_loop3A_309[%parallel_loop3A_305, %parallel_loop3A_286] : memref<16x1000xf32, #tpu.memory_space<vmem>>[vector<16xi32>, vector<16xi32>], vector<16xf32>,
        %parallel_loop3A_311 = arith.constant 16 : i32
        %parallel_loop3A_312 = arith.muli %parallel_loop3A_311, %parallel_loop3A_282 : i32
        %parallel_loop3A_313 = arith.constant 1 : i32
        %parallel_loop3A_314 = arith.constant 0 : i32
        %parallel_loop3A_315 = arith.constant 0 : i32
        %parallel_loop3A_316 = tpu.memref_slice %arg7[%parallel_loop3A_258, %parallel_loop3A_314, %parallel_loop3A_315] : memref<3x16x1024xf32, #tpu.memory_space<vmem>> -> memref<1x16x1024xf32, #tpu.memory_space<vmem>>
        %parallel_loop3A_317 = tpu.memref_squeeze %parallel_loop3A_316 : memref<1x16x1024xf32, #tpu.memory_space<vmem>> -> memref<16x1024xf32, #tpu.memory_space<vmem>>
        %parallel_loop3A_318 = arith.index_cast %parallel_loop3A_313 : i32 to index
        %parallel_loop3A_319 = arith.index_cast %parallel_loop3A_312 : i32 to index
        %parallel_loop3A_320 = tpu.vector_load %parallel_loop3A_317[%parallel_loop3A_318, %parallel_loop3A_319] {strides = array<i32>} : memref<16x1024xf32, #tpu.memory_space<vmem>>, vector<16xf32>,
        tpu.vector_store %parallel_loop3A_317[%parallel_loop3A_318, %parallel_loop3A_319], %parallel_loop3A_310 {strides = array<i32>} : memref<16x1024xf32, #tpu.memory_space<vmem>>, vector<16xf32>,
        %parallel_loop3A_321 = arith.constant 2 : i32
        %parallel_loop3A_322 = vector.broadcast %parallel_loop3A_321 : i32 to vector<16xi32>
        %parallel_loop3A_323 = arith.constant 0 : i32
        %parallel_loop3A_324 = arith.constant 0 : i32
        %parallel_loop3A_325 = tpu.memref_slice %arg6[%parallel_loop3A_257, %parallel_loop3A_323, %parallel_loop3A_324] : memref<3x16x1000xf32, #tpu.memory_space<vmem>> -> memref<1x16x1000xf32, #tpu.memory_space<vmem>>
        %parallel_loop3A_326 = tpu.memref_squeeze %parallel_loop3A_325 : memref<1x16x1000xf32, #tpu.memory_space<vmem>> -> memref<16x1000xf32, #tpu.memory_space<vmem>>
        %parallel_loop3A_327 = tpu.vector_load_idx %parallel_loop3A_326[%parallel_loop3A_322, %parallel_loop3A_286] : memref<16x1000xf32, #tpu.memory_space<vmem>>[vector<16xi32>, vector<16xi32>], vector<16xf32>,
        %parallel_loop3A_328 = arith.constant 16 : i32
        %parallel_loop3A_329 = arith.muli %parallel_loop3A_328, %parallel_loop3A_282 : i32
        %parallel_loop3A_330 = arith.constant 2 : i32
        %parallel_loop3A_331 = arith.constant 0 : i32
        %parallel_loop3A_332 = arith.constant 0 : i32
        %parallel_loop3A_333 = tpu.memref_slice %arg7[%parallel_loop3A_258, %parallel_loop3A_331, %parallel_loop3A_332] : memref<3x16x1024xf32, #tpu.memory_space<vmem>> -> memref<1x16x1024xf32, #tpu.memory_space<vmem>>
        %parallel_loop3A_334 = tpu.memref_squeeze %parallel_loop3A_333 : memref<1x16x1024xf32, #tpu.memory_space<vmem>> -> memref<16x1024xf32, #tpu.memory_space<vmem>>
        %parallel_loop3A_335 = arith.index_cast %parallel_loop3A_330 : i32 to index
        %parallel_loop3A_336 = arith.index_cast %parallel_loop3A_329 : i32 to index
        %parallel_loop3A_337 = tpu.vector_load %parallel_loop3A_334[%parallel_loop3A_335, %parallel_loop3A_336] {strides = array<i32>} : memref<16x1024xf32, #tpu.memory_space<vmem>>, vector<16xf32>,
        tpu.vector_store %parallel_loop3A_334[%parallel_loop3A_335, %parallel_loop3A_336], %parallel_loop3A_327 {strides = array<i32>} : memref<16x1024xf32, #tpu.memory_space<vmem>>, vector<16xf32>,
        %parallel_loop3A_338 = arith.constant 3 : i32
        %parallel_loop3A_339 = vector.broadcast %parallel_loop3A_338 : i32 to vector<16xi32>
        %parallel_loop3A_340 = arith.constant 0 : i32
        %parallel_loop3A_341 = arith.constant 0 : i32
        %parallel_loop3A_342 = tpu.memref_slice %arg6[%parallel_loop3A_257, %parallel_loop3A_340, %parallel_loop3A_341] : memref<3x16x1000xf32, #tpu.memory_space<vmem>> -> memref<1x16x1000xf32, #tpu.memory_space<vmem>>
        %parallel_loop3A_343 = tpu.memref_squeeze %parallel_loop3A_342 : memref<1x16x1000xf32, #tpu.memory_space<vmem>> -> memref<16x1000xf32, #tpu.memory_space<vmem>>
        %parallel_loop3A_344 = tpu.vector_load_idx %parallel_loop3A_343[%parallel_loop3A_339, %parallel_loop3A_286] : memref<16x1000xf32, #tpu.memory_space<vmem>>[vector<16xi32>, vector<16xi32>], vector<16xf32>,
        %parallel_loop3A_345 = arith.constant 16 : i32
        %parallel_loop3A_346 = arith.muli %parallel_loop3A_345, %parallel_loop3A_282 : i32
        %parallel_loop3A_347 = arith.constant 3 : i32
        %parallel_loop3A_348 = arith.constant 0 : i32
        %parallel_loop3A_349 = arith.constant 0 : i32
        %parallel_loop3A_350 = tpu.memref_slice %arg7[%parallel_loop3A_258, %parallel_loop3A_348, %parallel_loop3A_349] : memref<3x16x1024xf32, #tpu.memory_space<vmem>> -> memref<1x16x1024xf32, #tpu.memory_space<vmem>>
        %parallel_loop3A_351 = tpu.memref_squeeze %parallel_loop3A_350 : memref<1x16x1024xf32, #tpu.memory_space<vmem>> -> memref<16x1024xf32, #tpu.memory_space<vmem>>
        %parallel_loop3A_352 = arith.index_cast %parallel_loop3A_347 : i32 to index
        %parallel_loop3A_353 = arith.index_cast %parallel_loop3A_346 : i32 to index
        %parallel_loop3A_354 = tpu.vector_load %parallel_loop3A_351[%parallel_loop3A_352, %parallel_loop3A_353] {strides = array<i32>} : memref<16x1024xf32, #tpu.memory_space<vmem>>, vector<16xf32>,
        tpu.vector_store %parallel_loop3A_351[%parallel_loop3A_352, %parallel_loop3A_353], %parallel_loop3A_344 {strides = array<i32>} : memref<16x1024xf32, #tpu.memory_space<vmem>>, vector<16xf32>,
        %parallel_loop3A_355 = arith.constant 4 : i32
        %parallel_loop3A_356 = vector.broadcast %parallel_loop3A_355 : i32 to vector<16xi32>
        %parallel_loop3A_357 = arith.constant 0 : i32
        %parallel_loop3A_358 = arith.constant 0 : i32
        %parallel_loop3A_359 = tpu.memref_slice %arg6[%parallel_loop3A_257, %parallel_loop3A_357, %parallel_loop3A_358] : memref<3x16x1000xf32, #tpu.memory_space<vmem>> -> memref<1x16x1000xf32, #tpu.memory_space<vmem>>
        %parallel_loop3A_360 = tpu.memref_squeeze %parallel_loop3A_359 : memref<1x16x1000xf32, #tpu.memory_space<vmem>> -> memref<16x1000xf32, #tpu.memory_space<vmem>>
        %parallel_loop3A_361 = tpu.vector_load_idx %parallel_loop3A_360[%parallel_loop3A_356, %parallel_loop3A_286] : memref<16x1000xf32, #tpu.memory_space<vmem>>[vector<16xi32>, vector<16xi32>], vector<16xf32>,
        %parallel_loop3A_362 = arith.constant 16 : i32
        %parallel_loop3A_363 = arith.muli %parallel_loop3A_362, %parallel_loop3A_282 : i32
        %parallel_loop3A_364 = arith.constant 4 : i32
        %parallel_loop3A_365 = arith.constant 0 : i32
        %parallel_loop3A_366 = arith.constant 0 : i32
        %parallel_loop3A_367 = tpu.memref_slice %arg7[%parallel_loop3A_258, %parallel_loop3A_365, %parallel_loop3A_366] : memref<3x16x1024xf32, #tpu.memory_space<vmem>> -> memref<1x16x1024xf32, #tpu.memory_space<vmem>>
        %parallel_loop3A_368 = tpu.memref_squeeze %parallel_loop3A_367 : memref<1x16x1024xf32, #tpu.memory_space<vmem>> -> memref<16x1024xf32, #tpu.memory_space<vmem>>
        %parallel_loop3A_369 = arith.index_cast %parallel_loop3A_364 : i32 to index
        %parallel_loop3A_370 = arith.index_cast %parallel_loop3A_363 : i32 to index
        %parallel_loop3A_371 = tpu.vector_load %parallel_loop3A_368[%parallel_loop3A_369, %parallel_loop3A_370] {strides = array<i32>} : memref<16x1024xf32, #tpu.memory_space<vmem>>, vector<16xf32>,
        tpu.vector_store %parallel_loop3A_368[%parallel_loop3A_369, %parallel_loop3A_370], %parallel_loop3A_361 {strides = array<i32>} : memref<16x1024xf32, #tpu.memory_space<vmem>>, vector<16xf32>,
        %parallel_loop3A_372 = arith.constant 5 : i32
        %parallel_loop3A_373 = vector.broadcast %parallel_loop3A_372 : i32 to vector<16xi32>
        %parallel_loop3A_374 = arith.constant 0 : i32
        %parallel_loop3A_375 = arith.constant 0 : i32
        %parallel_loop3A_376 = tpu.memref_slice %arg6[%parallel_loop3A_257, %parallel_loop3A_374, %parallel_loop3A_375] : memref<3x16x1000xf32, #tpu.memory_space<vmem>> -> memref<1x16x1000xf32, #tpu.memory_space<vmem>>
        %parallel_loop3A_377 = tpu.memref_squeeze %parallel_loop3A_376 : memref<1x16x1000xf32, #tpu.memory_space<vmem>> -> memref<16x1000xf32, #tpu.memory_space<vmem>>
        %parallel_loop3A_378 = tpu.vector_load_idx %parallel_loop3A_377[%parallel_loop3A_373, %parallel_loop3A_286] : memref<16x1000xf32, #tpu.memory_space<vmem>>[vector<16xi32>, vector<16xi32>], vector<16xf32>,
        %parallel_loop3A_379 = arith.constant 16 : i32
        %parallel_loop3A_380 = arith.muli %parallel_loop3A_379, %parallel_loop3A_282 : i32
        %parallel_loop3A_381 = arith.constant 5 : i32
        %parallel_loop3A_382 = arith.constant 0 : i32
        %parallel_loop3A_383 = arith.constant 0 : i32
        %parallel_loop3A_384 = tpu.memref_slice %arg7[%parallel_loop3A_258, %parallel_loop3A_382, %parallel_loop3A_383] : memref<3x16x1024xf32, #tpu.memory_space<vmem>> -> memref<1x16x1024xf32, #tpu.memory_space<vmem>>
        %parallel_loop3A_385 = tpu.memref_squeeze %parallel_loop3A_384 : memref<1x16x1024xf32, #tpu.memory_space<vmem>> -> memref<16x1024xf32, #tpu.memory_space<vmem>>
        %parallel_loop3A_386 = arith.index_cast %parallel_loop3A_381 : i32 to index
        %parallel_loop3A_387 = arith.index_cast %parallel_loop3A_380 : i32 to index
        %parallel_loop3A_388 = tpu.vector_load %parallel_loop3A_385[%parallel_loop3A_386, %parallel_loop3A_387] {strides = array<i32>} : memref<16x1024xf32, #tpu.memory_space<vmem>>, vector<16xf32>,
        tpu.vector_store %parallel_loop3A_385[%parallel_loop3A_386, %parallel_loop3A_387], %parallel_loop3A_378 {strides = array<i32>} : memref<16x1024xf32, #tpu.memory_space<vmem>>, vector<16xf32>,
        %parallel_loop3A_389 = arith.constant 6 : i32
        %parallel_loop3A_390 = vector.broadcast %parallel_loop3A_389 : i32 to vector<16xi32>
        %parallel_loop3A_391 = arith.constant 0 : i32
        %parallel_loop3A_392 = arith.constant 0 : i32
        %parallel_loop3A_393 = tpu.memref_slice %arg6[%parallel_loop3A_257, %parallel_loop3A_391, %parallel_loop3A_392] : memref<3x16x1000xf32, #tpu.memory_space<vmem>> -> memref<1x16x1000xf32, #tpu.memory_space<vmem>>
        %parallel_loop3A_394 = tpu.memref_squeeze %parallel_loop3A_393 : memref<1x16x1000xf32, #tpu.memory_space<vmem>> -> memref<16x1000xf32, #tpu.memory_space<vmem>>
        %parallel_loop3A_395 = tpu.vector_load_idx %parallel_loop3A_394[%parallel_loop3A_390, %parallel_loop3A_286] : memref<16x1000xf32, #tpu.memory_space<vmem>>[vector<16xi32>, vector<16xi32>], vector<16xf32>,
        %parallel_loop3A_396 = arith.constant 16 : i32
        %parallel_loop3A_397 = arith.muli %parallel_loop3A_396, %parallel_loop3A_282 : i32
        %parallel_loop3A_398 = arith.constant 6 : i32
        %parallel_loop3A_399 = arith.constant 0 : i32
        %parallel_loop3A_400 = arith.constant 0 : i32
        %parallel_loop3A_401 = tpu.memref_slice %arg7[%parallel_loop3A_258, %parallel_loop3A_399, %parallel_loop3A_400] : memref<3x16x1024xf32, #tpu.memory_space<vmem>> -> memref<1x16x1024xf32, #tpu.memory_space<vmem>>
        %parallel_loop3A_402 = tpu.memref_squeeze %parallel_loop3A_401 : memref<1x16x1024xf32, #tpu.memory_space<vmem>> -> memref<16x1024xf32, #tpu.memory_space<vmem>>
        %parallel_loop3A_403 = arith.index_cast %parallel_loop3A_398 : i32 to index
        %parallel_loop3A_404 = arith.index_cast %parallel_loop3A_397 : i32 to index
        %parallel_loop3A_405 = tpu.vector_load %parallel_loop3A_402[%parallel_loop3A_403, %parallel_loop3A_404] {strides = array<i32>} : memref<16x1024xf32, #tpu.memory_space<vmem>>, vector<16xf32>,
        tpu.vector_store %parallel_loop3A_402[%parallel_loop3A_403, %parallel_loop3A_404], %parallel_loop3A_395 {strides = array<i32>} : memref<16x1024xf32, #tpu.memory_space<vmem>>, vector<16xf32>,
        %parallel_loop3A_406 = arith.constant 7 : i32
        %parallel_loop3A_407 = vector.broadcast %parallel_loop3A_406 : i32 to vector<16xi32>
        %parallel_loop3A_408 = arith.constant 0 : i32
        %parallel_loop3A_409 = arith.constant 0 : i32
        %parallel_loop3A_410 = tpu.memref_slice %arg6[%parallel_loop3A_257, %parallel_loop3A_408, %parallel_loop3A_409] : memref<3x16x1000xf32, #tpu.memory_space<vmem>> -> memref<1x16x1000xf32, #tpu.memory_space<vmem>>
        %parallel_loop3A_411 = tpu.memref_squeeze %parallel_loop3A_410 : memref<1x16x1000xf32, #tpu.memory_space<vmem>> -> memref<16x1000xf32, #tpu.memory_space<vmem>>
        %parallel_loop3A_412 = tpu.vector_load_idx %parallel_loop3A_411[%parallel_loop3A_407, %parallel_loop3A_286] : memref<16x1000xf32, #tpu.memory_space<vmem>>[vector<16xi32>, vector<16xi32>], vector<16xf32>,
        %parallel_loop3A_413 = arith.constant 16 : i32
        %parallel_loop3A_414 = arith.muli %parallel_loop3A_413, %parallel_loop3A_282 : i32
        %parallel_loop3A_415 = arith.constant 7 : i32
        %parallel_loop3A_416 = arith.constant 0 : i32
        %parallel_loop3A_417 = arith.constant 0 : i32
        %parallel_loop3A_418 = tpu.memref_slice %arg7[%parallel_loop3A_258, %parallel_loop3A_416, %parallel_loop3A_417] : memref<3x16x1024xf32, #tpu.memory_space<vmem>> -> memref<1x16x1024xf32, #tpu.memory_space<vmem>>
        %parallel_loop3A_419 = tpu.memref_squeeze %parallel_loop3A_418 : memref<1x16x1024xf32, #tpu.memory_space<vmem>> -> memref<16x1024xf32, #tpu.memory_space<vmem>>
        %parallel_loop3A_420 = arith.index_cast %parallel_loop3A_415 : i32 to index
        %parallel_loop3A_421 = arith.index_cast %parallel_loop3A_414 : i32 to index
        %parallel_loop3A_422 = tpu.vector_load %parallel_loop3A_419[%parallel_loop3A_420, %parallel_loop3A_421] {strides = array<i32>} : memref<16x1024xf32, #tpu.memory_space<vmem>>, vector<16xf32>,
        tpu.vector_store %parallel_loop3A_419[%parallel_loop3A_420, %parallel_loop3A_421], %parallel_loop3A_412 {strides = array<i32>} : memref<16x1024xf32, #tpu.memory_space<vmem>>, vector<16xf32>,
        %parallel_loop3A_423 = arith.constant 8 : i32
        %parallel_loop3A_424 = vector.broadcast %parallel_loop3A_423 : i32 to vector<16xi32>
        %parallel_loop3A_425 = arith.constant 0 : i32
        %parallel_loop3A_426 = arith.constant 0 : i32
        %parallel_loop3A_427 = tpu.memref_slice %arg6[%parallel_loop3A_257, %parallel_loop3A_425, %parallel_loop3A_426] : memref<3x16x1000xf32, #tpu.memory_space<vmem>> -> memref<1x16x1000xf32, #tpu.memory_space<vmem>>
        %parallel_loop3A_428 = tpu.memref_squeeze %parallel_loop3A_427 : memref<1x16x1000xf32, #tpu.memory_space<vmem>> -> memref<16x1000xf32, #tpu.memory_space<vmem>>
        %parallel_loop3A_429 = tpu.vector_load_idx %parallel_loop3A_428[%parallel_loop3A_424, %parallel_loop3A_286] : memref<16x1000xf32, #tpu.memory_space<vmem>>[vector<16xi32>, vector<16xi32>], vector<16xf32>,
        %parallel_loop3A_430 = arith.constant 16 : i32
        %parallel_loop3A_431 = arith.muli %parallel_loop3A_430, %parallel_loop3A_282 : i32
        %parallel_loop3A_432 = arith.constant 8 : i32
        %parallel_loop3A_433 = arith.constant 0 : i32
        %parallel_loop3A_434 = arith.constant 0 : i32
        %parallel_loop3A_435 = tpu.memref_slice %arg7[%parallel_loop3A_258, %parallel_loop3A_433, %parallel_loop3A_434] : memref<3x16x1024xf32, #tpu.memory_space<vmem>> -> memref<1x16x1024xf32, #tpu.memory_space<vmem>>
        %parallel_loop3A_436 = tpu.memref_squeeze %parallel_loop3A_435 : memref<1x16x1024xf32, #tpu.memory_space<vmem>> -> memref<16x1024xf32, #tpu.memory_space<vmem>>
        %parallel_loop3A_437 = arith.index_cast %parallel_loop3A_432 : i32 to index
        %parallel_loop3A_438 = arith.index_cast %parallel_loop3A_431 : i32 to index
        %parallel_loop3A_439 = tpu.vector_load %parallel_loop3A_436[%parallel_loop3A_437, %parallel_loop3A_438] {strides = array<i32>} : memref<16x1024xf32, #tpu.memory_space<vmem>>, vector<16xf32>,
        tpu.vector_store %parallel_loop3A_436[%parallel_loop3A_437, %parallel_loop3A_438], %parallel_loop3A_429 {strides = array<i32>} : memref<16x1024xf32, #tpu.memory_space<vmem>>, vector<16xf32>,
        %parallel_loop3A_440 = arith.constant 9 : i32
        %parallel_loop3A_441 = vector.broadcast %parallel_loop3A_440 : i32 to vector<16xi32>
        %parallel_loop3A_442 = arith.constant 0 : i32
        %parallel_loop3A_443 = arith.constant 0 : i32
        %parallel_loop3A_444 = tpu.memref_slice %arg6[%parallel_loop3A_257, %parallel_loop3A_442, %parallel_loop3A_443] : memref<3x16x1000xf32, #tpu.memory_space<vmem>> -> memref<1x16x1000xf32, #tpu.memory_space<vmem>>
        %parallel_loop3A_445 = tpu.memref_squeeze %parallel_loop3A_444 : memref<1x16x1000xf32, #tpu.memory_space<vmem>> -> memref<16x1000xf32, #tpu.memory_space<vmem>>
        %parallel_loop3A_446 = tpu.vector_load_idx %parallel_loop3A_445[%parallel_loop3A_441, %parallel_loop3A_286] : memref<16x1000xf32, #tpu.memory_space<vmem>>[vector<16xi32>, vector<16xi32>], vector<16xf32>,
        %parallel_loop3A_447 = arith.constant 16 : i32
        %parallel_loop3A_448 = arith.muli %parallel_loop3A_447, %parallel_loop3A_282 : i32
        %parallel_loop3A_449 = arith.constant 9 : i32
        %parallel_loop3A_450 = arith.constant 0 : i32
        %parallel_loop3A_451 = arith.constant 0 : i32
        %parallel_loop3A_452 = tpu.memref_slice %arg7[%parallel_loop3A_258, %parallel_loop3A_450, %parallel_loop3A_451] : memref<3x16x1024xf32, #tpu.memory_space<vmem>> -> memref<1x16x1024xf32, #tpu.memory_space<vmem>>
        %parallel_loop3A_453 = tpu.memref_squeeze %parallel_loop3A_452 : memref<1x16x1024xf32, #tpu.memory_space<vmem>> -> memref<16x1024xf32, #tpu.memory_space<vmem>>
        %parallel_loop3A_454 = arith.index_cast %parallel_loop3A_449 : i32 to index
        %parallel_loop3A_455 = arith.index_cast %parallel_loop3A_448 : i32 to index
        %parallel_loop3A_456 = tpu.vector_load %parallel_loop3A_453[%parallel_loop3A_454, %parallel_loop3A_455] {strides = array<i32>} : memref<16x1024xf32, #tpu.memory_space<vmem>>, vector<16xf32>,
        tpu.vector_store %parallel_loop3A_453[%parallel_loop3A_454, %parallel_loop3A_455], %parallel_loop3A_446 {strides = array<i32>} : memref<16x1024xf32, #tpu.memory_space<vmem>>, vector<16xf32>,
        %parallel_loop3A_457 = arith.constant 10 : i32
        %parallel_loop3A_458 = vector.broadcast %parallel_loop3A_457 : i32 to vector<16xi32>
        %parallel_loop3A_459 = arith.constant 0 : i32
        %parallel_loop3A_460 = arith.constant 0 : i32
        %parallel_loop3A_461 = tpu.memref_slice %arg6[%parallel_loop3A_257, %parallel_loop3A_459, %parallel_loop3A_460] : memref<3x16x1000xf32, #tpu.memory_space<vmem>> -> memref<1x16x1000xf32, #tpu.memory_space<vmem>>
        %parallel_loop3A_462 = tpu.memref_squeeze %parallel_loop3A_461 : memref<1x16x1000xf32, #tpu.memory_space<vmem>> -> memref<16x1000xf32, #tpu.memory_space<vmem>>
        %parallel_loop3A_463 = tpu.vector_load_idx %parallel_loop3A_462[%parallel_loop3A_458, %parallel_loop3A_286] : memref<16x1000xf32, #tpu.memory_space<vmem>>[vector<16xi32>, vector<16xi32>], vector<16xf32>,
        %parallel_loop3A_464 = arith.constant 16 : i32
        %parallel_loop3A_465 = arith.muli %parallel_loop3A_464, %parallel_loop3A_282 : i32
        %parallel_loop3A_466 = arith.constant 10 : i32
        %parallel_loop3A_467 = arith.constant 0 : i32
        %parallel_loop3A_468 = arith.constant 0 : i32
        %parallel_loop3A_469 = tpu.memref_slice %arg7[%parallel_loop3A_258, %parallel_loop3A_467, %parallel_loop3A_468] : memref<3x16x1024xf32, #tpu.memory_space<vmem>> -> memref<1x16x1024xf32, #tpu.memory_space<vmem>>
        %parallel_loop3A_470 = tpu.memref_squeeze %parallel_loop3A_469 : memref<1x16x1024xf32, #tpu.memory_space<vmem>> -> memref<16x1024xf32, #tpu.memory_space<vmem>>
        %parallel_loop3A_471 = arith.index_cast %parallel_loop3A_466 : i32 to index
        %parallel_loop3A_472 = arith.index_cast %parallel_loop3A_465 : i32 to index
        %parallel_loop3A_473 = tpu.vector_load %parallel_loop3A_470[%parallel_loop3A_471, %parallel_loop3A_472] {strides = array<i32>} : memref<16x1024xf32, #tpu.memory_space<vmem>>, vector<16xf32>,
        tpu.vector_store %parallel_loop3A_470[%parallel_loop3A_471, %parallel_loop3A_472], %parallel_loop3A_463 {strides = array<i32>} : memref<16x1024xf32, #tpu.memory_space<vmem>>, vector<16xf32>,
        %parallel_loop3A_474 = arith.constant 11 : i32
        %parallel_loop3A_475 = vector.broadcast %parallel_loop3A_474 : i32 to vector<16xi32>
        %parallel_loop3A_476 = arith.constant 0 : i32
        %parallel_loop3A_477 = arith.constant 0 : i32
        %parallel_loop3A_478 = tpu.memref_slice %arg6[%parallel_loop3A_257, %parallel_loop3A_476, %parallel_loop3A_477] : memref<3x16x1000xf32, #tpu.memory_space<vmem>> -> memref<1x16x1000xf32, #tpu.memory_space<vmem>>
        %parallel_loop3A_479 = tpu.memref_squeeze %parallel_loop3A_478 : memref<1x16x1000xf32, #tpu.memory_space<vmem>> -> memref<16x1000xf32, #tpu.memory_space<vmem>>
        %parallel_loop3A_480 = tpu.vector_load_idx %parallel_loop3A_479[%parallel_loop3A_475, %parallel_loop3A_286] : memref<16x1000xf32, #tpu.memory_space<vmem>>[vector<16xi32>, vector<16xi32>], vector<16xf32>,
        %parallel_loop3A_481 = arith.constant 16 : i32
        %parallel_loop3A_482 = arith.muli %parallel_loop3A_481, %parallel_loop3A_282 : i32
        %parallel_loop3A_483 = arith.constant 11 : i32
        %parallel_loop3A_484 = arith.constant 0 : i32
        %parallel_loop3A_485 = arith.constant 0 : i32
        %parallel_loop3A_486 = tpu.memref_slice %arg7[%parallel_loop3A_258, %parallel_loop3A_484, %parallel_loop3A_485] : memref<3x16x1024xf32, #tpu.memory_space<vmem>> -> memref<1x16x1024xf32, #tpu.memory_space<vmem>>
        %parallel_loop3A_487 = tpu.memref_squeeze %parallel_loop3A_486 : memref<1x16x1024xf32, #tpu.memory_space<vmem>> -> memref<16x1024xf32, #tpu.memory_space<vmem>>
        %parallel_loop3A_488 = arith.index_cast %parallel_loop3A_483 : i32 to index
        %parallel_loop3A_489 = arith.index_cast %parallel_loop3A_482 : i32 to index
        %parallel_loop3A_490 = tpu.vector_load %parallel_loop3A_487[%parallel_loop3A_488, %parallel_loop3A_489] {strides = array<i32>} : memref<16x1024xf32, #tpu.memory_space<vmem>>, vector<16xf32>,
        tpu.vector_store %parallel_loop3A_487[%parallel_loop3A_488, %parallel_loop3A_489], %parallel_loop3A_480 {strides = array<i32>} : memref<16x1024xf32, #tpu.memory_space<vmem>>, vector<16xf32>,
        %parallel_loop3A_491 = arith.constant 12 : i32
        %parallel_loop3A_492 = vector.broadcast %parallel_loop3A_491 : i32 to vector<16xi32>
        %parallel_loop3A_493 = arith.constant 0 : i32
        %parallel_loop3A_494 = arith.constant 0 : i32
        %parallel_loop3A_495 = tpu.memref_slice %arg6[%parallel_loop3A_257, %parallel_loop3A_493, %parallel_loop3A_494] : memref<3x16x1000xf32, #tpu.memory_space<vmem>> -> memref<1x16x1000xf32, #tpu.memory_space<vmem>>
        %parallel_loop3A_496 = tpu.memref_squeeze %parallel_loop3A_495 : memref<1x16x1000xf32, #tpu.memory_space<vmem>> -> memref<16x1000xf32, #tpu.memory_space<vmem>>
        %parallel_loop3A_497 = tpu.vector_load_idx %parallel_loop3A_496[%parallel_loop3A_492, %parallel_loop3A_286] : memref<16x1000xf32, #tpu.memory_space<vmem>>[vector<16xi32>, vector<16xi32>], vector<16xf32>,
        %parallel_loop3A_498 = arith.constant 16 : i32
        %parallel_loop3A_499 = arith.muli %parallel_loop3A_498, %parallel_loop3A_282 : i32
        %parallel_loop3A_500 = arith.constant 12 : i32
        %parallel_loop3A_501 = arith.constant 0 : i32
        %parallel_loop3A_502 = arith.constant 0 : i32
        %parallel_loop3A_503 = tpu.memref_slice %arg7[%parallel_loop3A_258, %parallel_loop3A_501, %parallel_loop3A_502] : memref<3x16x1024xf32, #tpu.memory_space<vmem>> -> memref<1x16x1024xf32, #tpu.memory_space<vmem>>
        %parallel_loop3A_504 = tpu.memref_squeeze %parallel_loop3A_503 : memref<1x16x1024xf32, #tpu.memory_space<vmem>> -> memref<16x1024xf32, #tpu.memory_space<vmem>>
        %parallel_loop3A_505 = arith.index_cast %parallel_loop3A_500 : i32 to index
        %parallel_loop3A_506 = arith.index_cast %parallel_loop3A_499 : i32 to index
        %parallel_loop3A_507 = tpu.vector_load %parallel_loop3A_504[%parallel_loop3A_505, %parallel_loop3A_506] {strides = array<i32>} : memref<16x1024xf32, #tpu.memory_space<vmem>>, vector<16xf32>,
        tpu.vector_store %parallel_loop3A_504[%parallel_loop3A_505, %parallel_loop3A_506], %parallel_loop3A_497 {strides = array<i32>} : memref<16x1024xf32, #tpu.memory_space<vmem>>, vector<16xf32>,
        %parallel_loop3A_508 = arith.constant 13 : i32
        %parallel_loop3A_509 = vector.broadcast %parallel_loop3A_508 : i32 to vector<16xi32>
        %parallel_loop3A_510 = arith.constant 0 : i32
        %parallel_loop3A_511 = arith.constant 0 : i32
        %parallel_loop3A_512 = tpu.memref_slice %arg6[%parallel_loop3A_257, %parallel_loop3A_510, %parallel_loop3A_511] : memref<3x16x1000xf32, #tpu.memory_space<vmem>> -> memref<1x16x1000xf32, #tpu.memory_space<vmem>>
        %parallel_loop3A_513 = tpu.memref_squeeze %parallel_loop3A_512 : memref<1x16x1000xf32, #tpu.memory_space<vmem>> -> memref<16x1000xf32, #tpu.memory_space<vmem>>
        %parallel_loop3A_514 = tpu.vector_load_idx %parallel_loop3A_513[%parallel_loop3A_509, %parallel_loop3A_286] : memref<16x1000xf32, #tpu.memory_space<vmem>>[vector<16xi32>, vector<16xi32>], vector<16xf32>,
        %parallel_loop3A_515 = arith.constant 16 : i32
        %parallel_loop3A_516 = arith.muli %parallel_loop3A_515, %parallel_loop3A_282 : i32
        %parallel_loop3A_517 = arith.constant 13 : i32
        %parallel_loop3A_518 = arith.constant 0 : i32
        %parallel_loop3A_519 = arith.constant 0 : i32
        %parallel_loop3A_520 = tpu.memref_slice %arg7[%parallel_loop3A_258, %parallel_loop3A_518, %parallel_loop3A_519] : memref<3x16x1024xf32, #tpu.memory_space<vmem>> -> memref<1x16x1024xf32, #tpu.memory_space<vmem>>
        %parallel_loop3A_521 = tpu.memref_squeeze %parallel_loop3A_520 : memref<1x16x1024xf32, #tpu.memory_space<vmem>> -> memref<16x1024xf32, #tpu.memory_space<vmem>>
        %parallel_loop3A_522 = arith.index_cast %parallel_loop3A_517 : i32 to index
        %parallel_loop3A_523 = arith.index_cast %parallel_loop3A_516 : i32 to index
        %parallel_loop3A_524 = tpu.vector_load %parallel_loop3A_521[%parallel_loop3A_522, %parallel_loop3A_523] {strides = array<i32>} : memref<16x1024xf32, #tpu.memory_space<vmem>>, vector<16xf32>,
        tpu.vector_store %parallel_loop3A_521[%parallel_loop3A_522, %parallel_loop3A_523], %parallel_loop3A_514 {strides = array<i32>} : memref<16x1024xf32, #tpu.memory_space<vmem>>, vector<16xf32>,
        %parallel_loop3A_525 = arith.constant 14 : i32
        %parallel_loop3A_526 = vector.broadcast %parallel_loop3A_525 : i32 to vector<16xi32>
        %parallel_loop3A_527 = arith.constant 0 : i32
        %parallel_loop3A_528 = arith.constant 0 : i32
        %parallel_loop3A_529 = tpu.memref_slice %arg6[%parallel_loop3A_257, %parallel_loop3A_527, %parallel_loop3A_528] : memref<3x16x1000xf32, #tpu.memory_space<vmem>> -> memref<1x16x1000xf32, #tpu.memory_space<vmem>>
        %parallel_loop3A_530 = tpu.memref_squeeze %parallel_loop3A_529 : memref<1x16x1000xf32, #tpu.memory_space<vmem>> -> memref<16x1000xf32, #tpu.memory_space<vmem>>
        %parallel_loop3A_531 = tpu.vector_load_idx %parallel_loop3A_530[%parallel_loop3A_526, %parallel_loop3A_286] : memref<16x1000xf32, #tpu.memory_space<vmem>>[vector<16xi32>, vector<16xi32>], vector<16xf32>,
        %parallel_loop3A_532 = arith.constant 16 : i32
        %parallel_loop3A_533 = arith.muli %parallel_loop3A_532, %parallel_loop3A_282 : i32
        %parallel_loop3A_534 = arith.constant 14 : i32
        %parallel_loop3A_535 = arith.constant 0 : i32
        %parallel_loop3A_536 = arith.constant 0 : i32
        %parallel_loop3A_537 = tpu.memref_slice %arg7[%parallel_loop3A_258, %parallel_loop3A_535, %parallel_loop3A_536] : memref<3x16x1024xf32, #tpu.memory_space<vmem>> -> memref<1x16x1024xf32, #tpu.memory_space<vmem>>
        %parallel_loop3A_538 = tpu.memref_squeeze %parallel_loop3A_537 : memref<1x16x1024xf32, #tpu.memory_space<vmem>> -> memref<16x1024xf32, #tpu.memory_space<vmem>>
        %parallel_loop3A_539 = arith.index_cast %parallel_loop3A_534 : i32 to index
        %parallel_loop3A_540 = arith.index_cast %parallel_loop3A_533 : i32 to index
        %parallel_loop3A_541 = tpu.vector_load %parallel_loop3A_538[%parallel_loop3A_539, %parallel_loop3A_540] {strides = array<i32>} : memref<16x1024xf32, #tpu.memory_space<vmem>>, vector<16xf32>,
        tpu.vector_store %parallel_loop3A_538[%parallel_loop3A_539, %parallel_loop3A_540], %parallel_loop3A_531 {strides = array<i32>} : memref<16x1024xf32, #tpu.memory_space<vmem>>, vector<16xf32>,
        %parallel_loop3A_542 = arith.constant 15 : i32
        %parallel_loop3A_543 = vector.broadcast %parallel_loop3A_542 : i32 to vector<16xi32>
        %parallel_loop3A_544 = arith.constant 0 : i32
        %parallel_loop3A_545 = arith.constant 0 : i32
        %parallel_loop3A_546 = tpu.memref_slice %arg6[%parallel_loop3A_257, %parallel_loop3A_544, %parallel_loop3A_545] : memref<3x16x1000xf32, #tpu.memory_space<vmem>> -> memref<1x16x1000xf32, #tpu.memory_space<vmem>>
        %parallel_loop3A_547 = tpu.memref_squeeze %parallel_loop3A_546 : memref<1x16x1000xf32, #tpu.memory_space<vmem>> -> memref<16x1000xf32, #tpu.memory_space<vmem>>
        %parallel_loop3A_548 = tpu.vector_load_idx %parallel_loop3A_547[%parallel_loop3A_543, %parallel_loop3A_286] : memref<16x1000xf32, #tpu.memory_space<vmem>>[vector<16xi32>, vector<16xi32>], vector<16xf32>,
        %parallel_loop3A_549 = arith.constant 16 : i32
        %parallel_loop3A_550 = arith.muli %parallel_loop3A_549, %parallel_loop3A_282 : i32
        %parallel_loop3A_551 = arith.constant 15 : i32
        %parallel_loop3A_552 = arith.constant 0 : i32
        %parallel_loop3A_553 = arith.constant 0 : i32
        %parallel_loop3A_554 = tpu.memref_slice %arg7[%parallel_loop3A_258, %parallel_loop3A_552, %parallel_loop3A_553] : memref<3x16x1024xf32, #tpu.memory_space<vmem>> -> memref<1x16x1024xf32, #tpu.memory_space<vmem>>
        %parallel_loop3A_555 = tpu.memref_squeeze %parallel_loop3A_554 : memref<1x16x1024xf32, #tpu.memory_space<vmem>> -> memref<16x1024xf32, #tpu.memory_space<vmem>>
        %parallel_loop3A_556 = arith.index_cast %parallel_loop3A_551 : i32 to index
        %parallel_loop3A_557 = arith.index_cast %parallel_loop3A_550 : i32 to index
        %parallel_loop3A_558 = tpu.vector_load %parallel_loop3A_555[%parallel_loop3A_556, %parallel_loop3A_557] {strides = array<i32>} : memref<16x1024xf32, #tpu.memory_space<vmem>>, vector<16xf32>,
        tpu.vector_store %parallel_loop3A_555[%parallel_loop3A_556, %parallel_loop3A_557], %parallel_loop3A_548 {strides = array<i32>} : memref<16x1024xf32, #tpu.memory_space<vmem>>, vector<16xf32>,
      } {sc.loop_unroll_factor = 4 : i64, sc.parallel_access}
      %add3A_259 = arith.addi %min3A_3, %add3A_230 : i32
      %dma_start3A_260 = arith.constant 2 : i32
      %dma_start3A_261 = arith.constant 0 : i32
      %dma_start3A_262 = arith.constant 0 : i32
      %dma_start3A_263 = tpu.memref_slice %arg7[%dma_start3A_260, %dma_start3A_261, %dma_start3A_262] : memref<3x16x1024xf32, #tpu.memory_space<vmem>> -> memref<1x16x1024xf32, #tpu.memory_space<vmem>>
      %dma_start3A_264 = tpu.memref_squeeze %dma_start3A_263 : memref<1x16x1024xf32, #tpu.memory_space<vmem>> -> memref<16x1024xf32, #tpu.memory_space<vmem>>
      %dma_start3A_265 = arith.constant 0 : i32
      %dma_start3A_266 = arith.constant 0 : i32
      %dma_start3A_267 = tpu.memref_slice %arg4[%add3A_259, %dma_start3A_265, %dma_start3A_266] : memref<4913x16x1024xf32, #tpu.memory_space<hbm>> -> memref<1x16x1024xf32, #tpu.memory_space<hbm>>
      %dma_start3A_268 = tpu.memref_squeeze %dma_start3A_267 : memref<1x16x1024xf32, #tpu.memory_space<hbm>> -> memref<16x1024xf32, #tpu.memory_space<hbm>>
      %dma_start3A_269 = arith.constant 0 : i32
      %dma_start3A_270 = arith.constant 0 : i32
      %dma_start3A_271 = tpu.memref_slice %arg4[%add3A_259, %dma_start3A_269, %dma_start3A_270] : memref<4913x16x1024xf32, #tpu.memory_space<hbm>> -> memref<1x16x1024xf32, #tpu.memory_space<hbm>>
      %dma_start3A_272 = tpu.memref_squeeze %dma_start3A_271 : memref<1x16x1024xf32, #tpu.memory_space<hbm>> -> memref<16x1024xf32, #tpu.memory_space<hbm>>
      %dma_start3A_273 = arith.constant 0 : i32
      %dma_start3A_274 = arith.constant 0 : i32
      %dma_start3A_275 = tpu.memref_slice %arg7[%dma_start3A_260, %dma_start3A_273, %dma_start3A_274] : memref<3x16x1024xf32, #tpu.memory_space<vmem>> -> memref<1x16x1024xf32, #tpu.memory_space<vmem>>
      %dma_start3A_276 = tpu.memref_squeeze %dma_start3A_275 : memref<1x16x1024xf32, #tpu.memory_space<vmem>> -> memref<16x1024xf32, #tpu.memory_space<vmem>>
      tpu.enqueue_dma source(%dma_start3A_276 : memref<16x1024xf32, #tpu.memory_space<vmem>>) target(%dma_start3A_272 : memref<16x1024xf32, #tpu.memory_space<hbm>>) target_semaphore(%arg13 : memref<!tpu.dma_semaphore, #tpu.memory_space<semaphore_mem>>)
      %lt3A_277 = arith.constant 51 : i32
      %lt3A_278 = arith.cmpi slt, %scan3A_121, %lt3A_277 : i32
      %convert_element_type3A_279 = arith.extui %lt3A_278 : i1 to i32
      %cond3A_280 = arith.constant 0 : i32
      %cond3A_281 = arith.cmpi ne, %convert_element_type3A_279, %cond3A_280 : i32
      scf.if %cond3A_281 {
        %add3A_282 = arith.constant 3 : i32
        %add3A_283 = arith.addi %add3A_230, %add3A_282 : i32
        %add3A_284 = arith.addi %min3A_3, %add3A_283 : i32
        %dma_start3A_285 = arith.constant 2 : i32
        %dma_start3A_286 = arith.constant 0 : i32
        %dma_start3A_287 = arith.constant 0 : i32
        %dma_start3A_288 = tpu.memref_slice %arg6[%dma_start3A_285, %dma_start3A_286, %dma_start3A_287] : memref<3x16x1000xf32, #tpu.memory_space<vmem>> -> memref<1x16x1000xf32, #tpu.memory_space<vmem>>
        %dma_start3A_289 = tpu.memref_squeeze %dma_start3A_288 : memref<1x16x1000xf32, #tpu.memory_space<vmem>> -> memref<16x1000xf32, #tpu.memory_space<vmem>>
        %dma_start3A_290 = arith.constant 0 : i32
        %dma_start3A_291 = arith.constant 0 : i32
        %dma_start3A_292 = tpu.memref_slice %arg3[%add3A_284, %dma_start3A_290, %dma_start3A_291] : memref<4913x16x1000xf32, #tpu.memory_space<hbm>> -> memref<1x16x1000xf32, #tpu.memory_space<hbm>>
        %dma_start3A_293 = tpu.memref_squeeze %dma_start3A_292 : memref<1x16x1000xf32, #tpu.memory_space<hbm>> -> memref<16x1000xf32, #tpu.memory_space<hbm>>
        %dma_start3A_294 = arith.constant 0 : i32
        %dma_start3A_295 = arith.constant 0 : i32
        %dma_start3A_296 = tpu.memref_slice %arg6[%dma_start3A_285, %dma_start3A_294, %dma_start3A_295] : memref<3x16x1000xf32, #tpu.memory_space<vmem>> -> memref<1x16x1000xf32, #tpu.memory_space<vmem>>
        %dma_start3A_297 = tpu.memref_squeeze %dma_start3A_296 : memref<1x16x1000xf32, #tpu.memory_space<vmem>> -> memref<16x1000xf32, #tpu.memory_space<vmem>>
        %dma_start3A_298 = arith.constant 0 : i32
        %dma_start3A_299 = arith.constant 0 : i32
        %dma_start3A_300 = tpu.memref_slice %arg3[%add3A_284, %dma_start3A_298, %dma_start3A_299] : memref<4913x16x1000xf32, #tpu.memory_space<hbm>> -> memref<1x16x1000xf32, #tpu.memory_space<hbm>>
        %dma_start3A_301 = tpu.memref_squeeze %dma_start3A_300 : memref<1x16x1000xf32, #tpu.memory_space<hbm>> -> memref<16x1000xf32, #tpu.memory_space<hbm>>
        tpu.enqueue_dma source(%dma_start3A_301 : memref<16x1000xf32, #tpu.memory_space<hbm>>) target(%dma_start3A_297 : memref<16x1000xf32, #tpu.memory_space<vmem>>) target_semaphore(%arg10 : memref<!tpu.dma_semaphore, #tpu.memory_space<semaphore_mem>>)
      } else {
      }
    }
    %scan3A_64 = arith.constant 52 : i32
    %add3A_65 = arith.constant 153 : i32
    %add3A_66 = arith.addi %min3A_3, %add3A_65 : i32
    %dma_wait3A = arith.constant 0 : i32
    %dma_wait3A_67 = arith.constant 0 : i32
    %dma_wait3A_68 = arith.constant 0 : i32
    %dma_wait3A_69 = tpu.memref_slice %arg7[%dma_wait3A, %dma_wait3A_67, %dma_wait3A_68] : memref<3x16x1024xf32, #tpu.memory_space<vmem>> -> memref<1x16x1024xf32, #tpu.memory_space<vmem>>
    %dma_wait3A_70 = tpu.memref_squeeze %dma_wait3A_69 : memref<1x16x1024xf32, #tpu.memory_space<vmem>> -> memref<16x1024xf32, #tpu.memory_space<vmem>>
    %dma_wait3A_71 = arith.constant 0 : i32
    %dma_wait3A_72 = arith.constant 0 : i32
    %dma_wait3A_73 = tpu.memref_slice %arg4[%add3A_66, %dma_wait3A_71, %dma_wait3A_72] : memref<4913x16x1024xf32, #tpu.memory_space<hbm>> -> memref<1x16x1024xf32, #tpu.memory_space<hbm>>
    %dma_wait3A_74 = tpu.memref_squeeze %dma_wait3A_73 : memref<1x16x1024xf32, #tpu.memory_space<hbm>> -> memref<16x1024xf32, #tpu.memory_space<hbm>>
    %dma_wait3A_75 = arith.constant 0 : i32
    %dma_wait3A_76 = arith.constant 0 : i32
    %dma_wait3A_77 = tpu.memref_slice %arg4[%add3A_66, %dma_wait3A_75, %dma_wait3A_76] : memref<4913x16x1024xf32, #tpu.memory_space<hbm>> -> memref<1x16x1024xf32, #tpu.memory_space<hbm>>
    %dma_wait3A_78 = tpu.memref_squeeze %dma_wait3A_77 : memref<1x16x1024xf32, #tpu.memory_space<hbm>> -> memref<16x1024xf32, #tpu.memory_space<hbm>>
    %dma_wait3A_79 = arith.constant 0 : i32
    %dma_wait3A_80 = arith.constant 0 : i32
    %dma_wait3A_81 = tpu.memref_slice %arg7[%dma_wait3A, %dma_wait3A_79, %dma_wait3A_80] : memref<3x16x1024xf32, #tpu.memory_space<vmem>> -> memref<1x16x1024xf32, #tpu.memory_space<vmem>>
    %dma_wait3A_82 = tpu.memref_squeeze %dma_wait3A_81 : memref<1x16x1024xf32, #tpu.memory_space<vmem>> -> memref<16x1024xf32, #tpu.memory_space<vmem>>
    tpu.wait_dma2 semaphore(%arg11 : memref<!tpu.dma_semaphore, #tpu.memory_space<semaphore_mem>>) src(%dma_wait3A_82 : memref<16x1024xf32, #tpu.memory_space<vmem>>) dst(%dma_wait3A_78 : memref<16x1024xf32, #tpu.memory_space<hbm>>)
    %add3A_83 = arith.constant 154 : i32
    %add3A_84 = arith.addi %min3A_3, %add3A_83 : i32
    %dma_wait3A_85 = arith.constant 1 : i32
    %dma_wait3A_86 = arith.constant 0 : i32
    %dma_wait3A_87 = arith.constant 0 : i32
    %dma_wait3A_88 = tpu.memref_slice %arg7[%dma_wait3A_85, %dma_wait3A_86, %dma_wait3A_87] : memref<3x16x1024xf32, #tpu.memory_space<vmem>> -> memref<1x16x1024xf32, #tpu.memory_space<vmem>>
    %dma_wait3A_89 = tpu.memref_squeeze %dma_wait3A_88 : memref<1x16x1024xf32, #tpu.memory_space<vmem>> -> memref<16x1024xf32, #tpu.memory_space<vmem>>
    %dma_wait3A_90 = arith.constant 0 : i32
    %dma_wait3A_91 = arith.constant 0 : i32
    %dma_wait3A_92 = tpu.memref_slice %arg4[%add3A_84, %dma_wait3A_90, %dma_wait3A_91] : memref<4913x16x1024xf32, #tpu.memory_space<hbm>> -> memref<1x16x1024xf32, #tpu.memory_space<hbm>>
    %dma_wait3A_93 = tpu.memref_squeeze %dma_wait3A_92 : memref<1x16x1024xf32, #tpu.memory_space<hbm>> -> memref<16x1024xf32, #tpu.memory_space<hbm>>
    %dma_wait3A_94 = arith.constant 0 : i32
    %dma_wait3A_95 = arith.constant 0 : i32
    %dma_wait3A_96 = tpu.memref_slice %arg4[%add3A_84, %dma_wait3A_94, %dma_wait3A_95] : memref<4913x16x1024xf32, #tpu.memory_space<hbm>> -> memref<1x16x1024xf32, #tpu.memory_space<hbm>>
    %dma_wait3A_97 = tpu.memref_squeeze %dma_wait3A_96 : memref<1x16x1024xf32, #tpu.memory_space<hbm>> -> memref<16x1024xf32, #tpu.memory_space<hbm>>
    %dma_wait3A_98 = arith.constant 0 : i32
    %dma_wait3A_99 = arith.constant 0 : i32
    %dma_wait3A_100 = tpu.memref_slice %arg7[%dma_wait3A_85, %dma_wait3A_98, %dma_wait3A_99] : memref<3x16x1024xf32, #tpu.memory_space<vmem>> -> memref<1x16x1024xf32, #tpu.memory_space<vmem>>
    %dma_wait3A_101 = tpu.memref_squeeze %dma_wait3A_100 : memref<1x16x1024xf32, #tpu.memory_space<vmem>> -> memref<16x1024xf32, #tpu.memory_space<vmem>>
    tpu.wait_dma2 semaphore(%arg12 : memref<!tpu.dma_semaphore, #tpu.memory_space<semaphore_mem>>) src(%dma_wait3A_101 : memref<16x1024xf32, #tpu.memory_space<vmem>>) dst(%dma_wait3A_97 : memref<16x1024xf32, #tpu.memory_space<hbm>>)
    %add3A_102 = arith.constant 155 : i32
    %add3A_103 = arith.addi %min3A_3, %add3A_102 : i32
    %dma_wait3A_104 = arith.constant 2 : i32
    %dma_wait3A_105 = arith.constant 0 : i32
    %dma_wait3A_106 = arith.constant 0 : i32
    %dma_wait3A_107 = tpu.memref_slice %arg7[%dma_wait3A_104, %dma_wait3A_105, %dma_wait3A_106] : memref<3x16x1024xf32, #tpu.memory_space<vmem>> -> memref<1x16x1024xf32, #tpu.memory_space<vmem>>
    %dma_wait3A_108 = tpu.memref_squeeze %dma_wait3A_107 : memref<1x16x1024xf32, #tpu.memory_space<vmem>> -> memref<16x1024xf32, #tpu.memory_space<vmem>>
    %dma_wait3A_109 = arith.constant 0 : i32
    %dma_wait3A_110 = arith.constant 0 : i32
    %dma_wait3A_111 = tpu.memref_slice %arg4[%add3A_103, %dma_wait3A_109, %dma_wait3A_110] : memref<4913x16x1024xf32, #tpu.memory_space<hbm>> -> memref<1x16x1024xf32, #tpu.memory_space<hbm>>
    %dma_wait3A_112 = tpu.memref_squeeze %dma_wait3A_111 : memref<1x16x1024xf32, #tpu.memory_space<hbm>> -> memref<16x1024xf32, #tpu.memory_space<hbm>>
    %dma_wait3A_113 = arith.constant 0 : i32
    %dma_wait3A_114 = arith.constant 0 : i32
    %dma_wait3A_115 = tpu.memref_slice %arg4[%add3A_103, %dma_wait3A_113, %dma_wait3A_114] : memref<4913x16x1024xf32, #tpu.memory_space<hbm>> -> memref<1x16x1024xf32, #tpu.memory_space<hbm>>
    %dma_wait3A_116 = tpu.memref_squeeze %dma_wait3A_115 : memref<1x16x1024xf32, #tpu.memory_space<hbm>> -> memref<16x1024xf32, #tpu.memory_space<hbm>>
    %dma_wait3A_117 = arith.constant 0 : i32
    %dma_wait3A_118 = arith.constant 0 : i32
    %dma_wait3A_119 = tpu.memref_slice %arg7[%dma_wait3A_104, %dma_wait3A_117, %dma_wait3A_118] : memref<3x16x1024xf32, #tpu.memory_space<vmem>> -> memref<1x16x1024xf32, #tpu.memory_space<vmem>>
    %dma_wait3A_120 = tpu.memref_squeeze %dma_wait3A_119 : memref<1x16x1024xf32, #tpu.memory_space<vmem>> -> memref<16x1024xf32, #tpu.memory_space<vmem>>
    tpu.wait_dma2 semaphore(%arg13 : memref<!tpu.dma_semaphore, #tpu.memory_space<semaphore_mem>>) src(%dma_wait3A_120 : memref<16x1024xf32, #tpu.memory_space<vmem>>) dst(%dma_wait3A_116 : memref<16x1024xf32, #tpu.memory_space<hbm>>)
    return
  }
}

</mosaic_0001>

<sc_bundles>
// kernel: kernel.3.cloned.1.call-start
scs
__scs_entry_jumppad:
0x0: {  	(pc) =	sbr.rel $0x88, $3  }
0x1: {  	(tag) =	ssettag $0x0;
	lr =	simm.s32 $0x1  }
0x2: {  	[smem:$0x3F9F] =	sst lr;
	_ =	strace $0xD0000000  }
0x3: {  	_ = 	snop  }
0x4: {  	_ = 	snop  }
0x5: {  	_ = 	snop  }
0x6: {  	_ = 	snop  }
0x7: {  	_ = 	snop  }
__scs_overlays_trampoline_lowered:
0x8: {  	[smem:$0x3FAE] =	sst s0  }
0x9: {  	[smem:$0x3FAF] =	sst s1  }
0xa: {  	[smem:$0x3FB0] =	sst s2  }
0xb: {  	[smem:$0x3FB1] =	sst s3  }
0xc: {  	[smem:$0x3FB2] =	sst s4  }
0xd: {  	[smem:$0x3FB3] =	sst s5  }
0xe: {  	[smem:$0x3FB4] =	sst s6  }
0xf: {  	[smem:$0x3FB5] =	sst s7  }
0x10: {  	[smem:$0x3FB6] =	sst s8  }
0x11: {  	[smem:$0x3FB7] =	sst s9;
	s0 =	simm.s32 @!p0 $0x0  }
0x12: {  	s1 =	sld [smem:$0x3F9D];
	s0 =	simm.s32 @p0 $0x1  }
0x13: {  	[smem:$0x3FB8] =	sst s0;
	s0 =	simm.s32 @!p1 $0x0  }
0x14: {  	s2 =	sld [smem:$0x3F9C];
	s0 =	simm.s32 @p1 $0x1  }
0x15: {  	[smem:$0x3FB9] =	sst s0;
	s0 =	simm.s32 @!p2 $0x0  }
0x16: {  	s3 =	sld [smem:$0x3FDB];
	s0 =	simm.s32 @p2 $0x1  }
0x17: {  	s4 =	simm.s32 $0x1BF5;
	[smem:$0x3FBB] =	sst s0  }
0x18: {  	s0 =	sld [smem:$0x3F9E];
	_ =	swait.ge [sflag:s4], $0x0  }
0x19: {  	s7 =	sld [smem:$0x3F9F]  }
0x1a: {  	s8 =	sadd.s32 $0xFFFFE003, lr  }
0x1b: {  	s9 =	sadd.s32 $0xFFFFFEF7, lr;
	s5 =	simm.s32 $0xFFFFFFFF;
	p2 =	slt.u32 s8, $0xFFFFF086  }
0x1c: {  	p1 =	slt.u32 s9, $0xF7A;
	s5 =	simm.s32 @!p2 $0x0  }
0x1d: {  	s5 =	simm.s32 @p1 $0x1;
	p0 =	seq.s32 s7, s2  }
0x1e: {  	s7 =	smul.u32 @!p0 $0xF7A, s2;
	p2 =	seq.s32 @!p0 s5, $0x0  }
0x1f: {  	s9 =	smul.u32 $0xF7A, s1;
	s8 =	simm.s32 @!p0 $0x1BF5;
	p2 =	por !p2, p0  }
0x20: {  	[sflag:s8] =	ssyncset.s32 @!p0 $0xFFFFF086;
	s6 =	sadd.s32 @!p0 s3, s7;
	s7 =	simm.s32 @!p0 $0x108  }
0x21: {  	s3 =	sadd.s32 s3, s9;
	s6 =	sadd.s32 @!p0 $0x88, s6;
	s7 =	simm.s32 @p2 $0x1082  }
0x22: {  	[simem:s7], [sflag:s8] =	dma.local @!p0 [hbm:s6], $0xF7A  }
0x23: {  	s9 =	sor.u32 $0xD0000000, s2;
	s6 =	simm.s32 $0x108;
	_ =	swait.ge @!p0 [sflag:s8], $0x0  }
0x24: {  	s3 =	sadd.s32 $0x88, s3;
	s6 =	simm.s32 @!p1 $0x1082;
	[sflag:s4] =	ssyncset.s32 $0xFFFFF086  }
0x25: {  	[simem:s6], [sflag:s4] =	dma.local [hbm:s3], $0xF7A  }
0x26: {  	[smem:$0x3F9F] =	sst s1;
	(tag) =	ssettag s2;
	_ =	strace s9  }
0x27: {  	s1 =	sld [smem:$0x3FAF]  }
0x28: {  	s2 =	sld [smem:$0x3FB0]  }
0x29: {  	s4 =	sld [smem:$0x3FB2]  }
0x2a: {  	p0 =	seq.s32 s5, $0x0;
	s5 =	sld [smem:$0x3FB3]  }
0x2b: {  	s6 =	sld [smem:$0x3FB4]  }
0x2c: {  	s7 =	sld [smem:$0x3FB5]  }
0x2d: {  	s3 =	simm.s32 $0x108;
	s8 =	sld [smem:$0x3FB6]  }
0x2e: {  	s3 =	simm.s32 @!p0 $0x1082;
	s9 =	sld [smem:$0x3FB7]  }
0x2f: {  	lr =	sadd.s32 s0, s3;
	s0 =	sld [smem:$0x3FAE]  }
0x30: {  	s3 =	sld [smem:$0x3FB1]  }
0x31: {  	[smem:$0x3FBA] =	sst s10  }
0x32: {  	s10 =	sld [smem:$0x3FB8];
	_ =	sdelay $0x3  }
0x33: {  	p0 =	seq.s32 s10, $0x1;
	s10 =	sld [smem:$0x3FBA];
	_ =	sdelay $0x3  }
0x34: {  	[smem:$0x3FBA] =	sst s10  }
0x35: {  	s10 =	sld [smem:$0x3FB9];
	_ =	sdelay $0x3  }
0x36: {  	p1 =	seq.s32 s10, $0x1;
	s10 =	sld [smem:$0x3FBA];
	_ =	sdelay $0x3  }
0x37: {  	[smem:$0x3FBA] =	sst s10  }
0x38: {  	s10 =	sld [smem:$0x3FBB]  }
0x39: {  	_ = 	snop;
	(pc) =	sbr.ind lr, $3  }
0x3a: {  	_ = 	snop  }
0x3b: {  	_ = 	snop  }
0x3c: {  	p2 =	seq.s32 s10, $0x1;
	s10 =	sld [smem:$0x3FBA]  }
0x3d: {  	_ =	shalt  }
0x3e: {  	_ =	shalt  }
0x3f: {  	_ =	shalt  }
0x40: {  	_ =	shalt  }
0x41: {  	_ =	shalt  }
0x42: {  	_ =	shalt  }
0x43: {  	_ =	shalt  }
0x44: {  	_ =	shalt  }
0x45: {  	_ =	shalt  }
0x46: {  	_ =	shalt  }
0x47: {  	_ =	shalt  }
0x48: {  	_ =	shalt  }
0x49: {  	_ =	shalt  }
0x4a: {  	_ =	shalt  }
0x4b: {  	_ =	shalt  }
0x4c: {  	_ =	shalt  }
0x4d: {  	_ =	shalt  }
0x4e: {  	_ =	shalt  }
0x4f: {  	_ =	shalt  }
0x50: {  	_ =	shalt  }
0x51: {  	_ =	shalt  }
0x52: {  	_ =	shalt  }
0x53: {  	_ =	shalt  }
0x54: {  	_ =	shalt  }
0x55: {  	_ =	shalt  }
0x56: {  	_ =	shalt  }
0x57: {  	_ =	shalt  }
0x58: {  	_ =	shalt  }
0x59: {  	_ =	shalt  }
0x5a: {  	_ =	shalt  }
0x5b: {  	_ =	shalt  }
0x5c: {  	_ =	shalt  }
0x5d: {  	_ =	shalt  }
0x5e: {  	_ =	shalt  }
0x5f: {  	_ =	shalt  }
0x60: {  	_ =	shalt  }
0x61: {  	_ =	shalt  }
0x62: {  	_ =	shalt  }
0x63: {  	_ =	shalt  }
0x64: {  	_ =	shalt  }
0x65: {  	_ =	shalt  }
0x66: {  	_ =	shalt  }
0x67: {  	_ =	shalt  }
0x68: {  	_ =	shalt  }
0x69: {  	_ =	shalt  }
0x6a: {  	_ =	shalt  }
0x6b: {  	_ =	shalt  }
0x6c: {  	_ =	shalt  }
0x6d: {  	_ =	shalt  }
0x6e: {  	_ =	shalt  }
0x6f: {  	_ =	shalt  }
0x70: {  	_ =	shalt  }
0x71: {  	_ =	shalt  }
0x72: {  	_ =	shalt  }
0x73: {  	_ =	shalt  }
0x74: {  	_ =	shalt  }
0x75: {  	_ =	shalt  }
0x76: {  	_ =	shalt  }
0x77: {  	_ =	shalt  }
0x78: {  	_ =	shalt  }
0x79: {  	_ =	shalt  }
0x7a: {  	_ =	shalt  }
0x7b: {  	_ =	shalt  }
0x7c: {  	_ =	shalt  }
0x7d: {  	_ =	shalt  }
0x7e: {  	_ =	shalt  }
0x7f: {  	_ =	shalt  }
0x80: {  	_ =	shalt  }
0x81: {  	_ =	shalt  }
0x82: {  	_ =	shalt  }
0x83: {  	_ =	shalt  }
0x84: {  	_ =	shalt  }
0x85: {  	_ =	shalt  }
0x86: {  	_ =	shalt  }
0x87: {  	_ =	shalt  }
.Lfunc_end0:
.L_simem_size_0:
called_computation_lowered:
.L_overlay_start_0:
0x88: {  	s2 =	sld [smem:$0x3FD9]  }
0x89: {  	s3 =	sld [smem:$0x3FFE];
	_ =	sdelay $0x1  }
0x8a: {  	s1 =	srdreg.scid  }
0x8b: {  	s0 =	sand.u32 $0x1, s1  }
0x8c: {  	s18 =	sshll.u32 s0, $0xA;
	s2 =	sadd.s32 s3, s2  }
0x8d: {  	s2 =	sadd.s32 s2, s18  }
0x8e: {  	[smem:$0x3FC6] =	sst s2  }
0x8f: {  	_ = 	snop  }
0x90: {  	s2 =	sld [smem:$0x3FC9]  }
0x91: {  	s19 =	sld [smem:$0x3FC8]  }
0x92: {  	s4 =	sld [smem:$0x3FD0];
	(tm) =	ssettm $0x1  }
0x93: {  	s5 =	sld [smem:$0x3FFB];
	_ =	sdelay $0x3  }
0x94: {  	_ =	strace s5  }
0x95: {  	s5 =	sld [smem:$0x3FFC];
	_ =	sdelay $0x3  }
0x96: {  	_ =	strace s5  }
0x97: {  	s5 =	sld [smem:$0x3FFD];
	_ =	sdelay $0x3  }
0x98: {  	_ =	strace s5  }
0x99: {  	_ =	strace $0x8FFFFFFF  }
0x9a: {  	s20 =	sld [smem:$0x3FDB];
	_ =	sdelay $0x1  }
0x9b: {  	s6 =	simm.s32 $_scs_section_size  }
0x9c: {  	s7 =	simm.s32 $_size__tile_overlayer_lowered;
	s8 =	simm.s32 $_tile_overlayer_lowered  }
0x9d: {  	s23 =	simm.s32 $0x1BFF;
	s22 =	sshll.u32 s8, $0x1;
	s5 =	sadd.s32 s6, s20  }
0x9e: {  	s9 =	simm.s32 $0x0;
	s21 =	sshll.u32 s7, $0x1;
	s7 =	sadd.s32 s22, s5  }
0x9f: {  	[timem:s9], [sflag:s23] =	dma.local [hbm:s7], s21  }
0xa0: {  	_ =	swait.ge [sflag:s23], s21  }
0xa1: {  	s6 =	ssub.s32 $0x0, s21;
	[sflag:s23] =	ssyncset.done $0x0  }
0xa2: {  	[sflag:s23] =	ssyncadd.s32 s6;
	_ =	sdelay $0x1  }
0xa3: {  	s24 =	simm.s32 $0x1B8B  }
0xa4: {  	_ =	swait.ge [sflag:s24], $0x1  }
0xa5: {  	[sflag:s24] =	ssyncset.done $0x0  }
0xa6: {  	s25 =	simm.s32 $0x1B8E;
	[sflag:s24] =	ssyncadd.s32 $0xFFFFFFFF  }
0xa7: {  	s26 =	simm.s32 $execute0_lowered;
	[smem:$0x3FD2] =	sst s25  }
0xa8: {  	s6 =	sshll.u32 s26, $0x1;
	_ =	strace $0x80000046;
	[dreg:$0x1] =	wrdreg $0xFFFFFFFF  }
0xa9: {  	s28 =	simm.s32 $_size_execute0_lowered;
	s5 =	sadd.s32 s5, s6;
	[dreg:$0x0] =	wrdreg $0x0  }
0xaa: {  	s6 =	sshll.u32 s28, $0x1;
	[dreg:$0x2] =	wrdreg s5  }
0xab: {  	[dreg:$0x3] =	wrdreg s6  }
0xac: {  	[dreg:$0x4] =	wrdreg $0xC0  }
0xad: {  	_ =	task [dreg:s9], $0x5FFFF  }
0xae: {  	[dreg:$0x1] =	wrdreg $0xFFFFFFFF  }
0xaf: {  	[dreg:$0x0] =	wrdreg $0x60  }
0xb0: {  	[dreg:$0x2] =	wrdreg s2  }
0xb1: {  	[dreg:$0x3] =	wrdreg s19  }
0xb2: {  	[dreg:$0x4] =	wrdreg s4  }
0xb3: {  	[dreg:$0x5] =	wrdreg $0x9  }
0xb4: {  	_ =	task.clear_ibuf [dreg:s9], $0x6FFFF;
	_ =	strace $0x90000046  }
0xb5: {  	s29 =	simm.s32 $0x9;
	_ =	strace $0x80000048  }
0xb6: {  	_ =	swait.ge [sflag:s29], $0x1  }
0xb7: {  	[sflag:s29] =	ssyncadd.s32 $0xFFFFFFFF  }
0xb8: {  	_ =	strace $0x90000048  }
0xb9: {  	_ =	sfence  }
0xba: {  	s30 =	sld [smem:$0x0];
	_ =	sdelay $0x2  }
0xbb: {  	s31 =	sshll.u32 s1, $0xD;
	s1 =	sshrl.u32 s1, $0x2  }
0xbc: {  	s3 =	sand.u32 $0x4000, s31;
	s1 =	sadd.s32 s1, s30  }
0xbd: {  	s0 =	sor.u32 s3, s0;
	s1 =	sshll.u32 s1, $0x11  }
0xbe: {  	s0 =	sor.u32 s1, s0  }
0xbf: {  	s0 =	sadd.s32 $0x8F2B, s0  }
0xc0: {  	[sflag:s0] =	ssyncadd.remote.s32 $0x1  }
0xc1: {  	_ =	sfence.sel $0xFFFF  }
0xc2: {  	[dreg:$0x0] =	wrdreg $0xFFFFFFFF;
	(pc) =	sbr.abs _section_cstart, $3  }
0xc3: {  	[dreg:$0x1] =	wrdreg $0xFFFFFFFF  }
0xc4: {  	_ =	task.clear_ibuf [dreg:s9], $0x2FFFF;
	_ =	strace $0x9FFFFFFF  }
0xc5: {  	(tm) =	ssettm $0x7FFFFFFF  }
tec
execute0_lowered:
.L_overlay_start_1:
0x0: {  	(tag) =	ssettag $0x1  }
0x1: {  	s0 =	srdreg.scid;
	s1 =	stileid.u32  }
0x2: {  	s0 =	sand.u32 $0x1, s0;
	s1 =	sshll.u32 s1, $0x1  }
0x3: {  	s1 =	sor.u32 s0, s1  }
0x4: {  	s0 =	ssub.s32 $0x2, s0;
	s1 =	smul.u32 $0x9A, s1  }
0x5: {  	s3 =	rddreg [dreg:$0x1];
	s5 =	simm.s32 $0x0;
	s2 =	sshrl.u32 s0, $0x1  }
0x6: {  	[smem:$0x7FF] =	sst s5;
	s0 =	ssub.s32 s0, s2;
	s4 =	smin.u32 s1, $0x1295  }
0x7: {  	_ =	strace $0x80000047;
	s0 =	smax.u32 s0, $0x1;
	[dreg:$0xf] =	wrdreg s4  }
0x8: {  	s29 =	sadd.s32 $0x3, s4;
	[dreg:$0x16] =	wrdreg s0  }
0x9: {  	s1 =	sshll.u32 s4, $0xB;
	s30 =	sadd.s32 $0x4, s4;
	[dreg:$0x13] =	wrdreg s29  }
.Ltmp0:
0xa: {  	s31 =	sadd.s32 $0x5, s4;
	[dreg:$0x14] =	wrdreg s30;
	(pc) =	sbr.rel .LBB2_1-.Ltmp0, $4  }
0xb: {  	s1 =	sadd.s32 s3, s1;
	[dreg:$0x15] =	wrdreg s31  }
0xc: {  	s15 =	simm.s32 $0x400;
	s28 =	sadd.s32 $0x800, s1;
	[dreg:$0x10] =	wrdreg s1  }
0xd: {  	s17 =	simm.s32 $0x8400;
	s1 =	sadd.s32 $0x1000, s1;
	[dreg:$0x11] =	wrdreg s28  }
0xe: {  	s2 =	simm.s32 $0x0;
	[dreg:$0x12] =	wrdreg s1;
	s1 =	simm.s32 $0x4400  }
.LBB2_16:
0xf: {  	s0 =	simm.s32 $0x4  }
0x10: {  	_ =	swait.ge [sflag:s0], $0x4000  }
0x11: {  	[sflag:s0] =	ssyncset.done $0x0  }
0x12: {  	s30 =	simm.s32 $0x5;
	[sflag:s0] =	ssyncadd.s32 $0xFFFFC000  }
0x13: {  	_ =	swait.ge [sflag:s30], $0x4000  }
0x14: {  	[sflag:s30] =	ssyncset.done $0x0  }
0x15: {  	s1 =	simm.s32 $0x6;
	[sflag:s30] =	ssyncadd.s32 $0xFFFFC000  }
0x16: {  	_ =	swait.ge [sflag:s1], $0x4000  }
0x17: {  	s2 =	rddreg [dreg:$0x17]  }
0x18: {  	s31 =	rddreg [dreg:$0x16];
	s2 =	sadd.s32 $0x1, s2  }
0x19: {  	p0 =	sne.s32 s2, s31  }
.Ltmp1:
0x1a: {  	_ = 	snop;
	(pc) =	sbr.rel @!p0 .LBB2_17-.Ltmp1, $3  }
0x1b: {  	_ =	sdelay $0x1  }
0x1c: {  	[sflag:s1] =	ssyncset.done $0x0  }
0x1d: {  	s15 =	simm.s32 $0x400;
	[sflag:s1] =	ssyncadd.s32 $0xFFFFC000;
	s1 =	simm.s32 $0x4400  }
.LBB2_1:
0x1e: {  	[dreg:$0x17] =	wrdreg s2  }
0x1f: {  	s0 =	rddreg [dreg:$0x0];
	s28 =	simm.s32 $0x7  }
0x20: {  	[tilespmem:s5], [sflag:$0x7] =	stream.linear.gather [hbm4b:s0+s5], $0x400, $0x38;
	[tilespmem:$0x18400] =	vst v63  }
0x21: {  	_ =	swait.ge [sflag:s28], $0x400  }
0x22: {  	[sflag:s28] =	ssyncset.done $0x0  }
0x23: {  	s29 =	rddreg [dreg:$0x10];
	[sflag:s28] =	ssyncadd.s32 $0xFFFFFC00  }
0x24: {  	[tilespmem:s15], [sflag:$0x1] =	stream.linear.gather [hbm4b:s29+s5], $0x4000, $0x38;
	[tilespmem:$0x18400] =	vst v63  }
0x25: {  	s30 =	rddreg [dreg:$0x11]  }
0x26: {  	[tilespmem:s1], [sflag:$0x2] =	stream.linear.gather [hbm4b:s30+s5], $0x4000, $0x38;
	[tilespmem:$0x18400] =	vst v63  }
0x27: {  	s11 =	simm.s32 $0x0;
	s31 =	rddreg [dreg:$0x12]  }
0x28: {  	[tilespmem:s17], [sflag:$0x3] =	stream.linear.gather [hbm4b:s31+s5], $0x4000, $0x38;
	[tilespmem:$0x18400] =	vst v63  }
.LBB2_2:
0x29: {  	p0 =	seq.s32 s11, $0x0  }
0x2a: {  	s0 =	simm.s32 @!p0 $0x4  }
0x2b: {  	_ =	swait.ge @!p0 [sflag:s0], $0x4000  }
0x2c: {  	[sflag:s0] =	ssyncset.done @!p0 $0x0  }
0x2d: {  	s3 =	simm.s32 $0x0;
	s1 =	simm.s32 $0x1;
	[sflag:s0] =	ssyncadd.s32 @!p0 $0xFFFFC000  }
0x2e: {  	s19 =	sand.u32 $0x40, s3;
	_ =	swait.ge [sflag:s1], $0x4000  }
0x2f: {  	s21 =	sand.u32 $0x380, s3;
	s7 =	sor.u32 $0x30, s19;
	[sflag:s1] =	ssyncset.done $0x0  }
0x30: {  	s22 =	sor.u32 s7, s21;
	[sflag:s1] =	ssyncadd.s32 $0xFFFFC000  }
0x31: {  	v0 =	vld [tilespmem:s22+$0x0]  }
0x32: {  	s24 =	sor.u32 $0x10, s19;
	v1 =	vld [tilespmem:s3+$0x0]  }
0x33: {  	s14 =	sor.u32 $0x20, s19;
	s23 =	sor.u32 s24, s21  }
0x34: {  	s0 =	sor.u32 s14, s21;
	v2 =	vld [tilespmem:s23+$0x0]  }
0x35: {  	v3 =	vld [tilespmem:s0+$0x0];
	_ =	sdelay $0x1  }
0x36: {  	v4 =	vshll.u32 v0, $0x3;
	v5 =	vshll.u32 v1, $0x3;
	v0 =	vand.u32 $0x7F, v0  }
0x37: {  	v1 =	vand.u32 $0x7F, v1;
	v4 =	vand.u32 $0xFFFFFC00, v4;
	v6 =	vand.u32 $0xFFFFFC00, v5  }
0x38: {  	v5 =	vor.u32 v0, v4;
	v0 =	vor.u32 v1, v6;
	v1 =	vshll.u32 v2, $0x3  }
0x39: {  	v4 =	vshll.u32 v3, $0x3;
	v2 =	vand.u32 $0x7F, v2;
	v1 =	vand.u32 $0xFFFFFC00, v1  }
0x3a: {  	v3 =	vand.u32 $0x7F, v3;
	v6 =	vand.u32 $0xFFFFFC00, v4;
	v4 =	vor.u32 v2, v1  }
0x3b: {  	v3 =	vor.u32 v3, v6;
	_ =	sdelay $0x1  }
0x3c: {  	v1 =	vld.idx.msk [tilespmem:v5+s15+$0x0], $0xffff  }
0x3d: {  	v2 =	vor.u32 $0x80, v5;
	v6 =	vld.idx.msk [tilespmem:v0+s15+$0x0], $0xffff  }
0x3e: {  	s12 =	sand.u32 $0x1C00, s3;
	v7 =	vor.u32 $0x80, v0;
	v8 =	vld.idx.msk [tilespmem:v4+s15+$0x0], $0xffff  }
0x3f: {  	s25 =	sadd.s32 $0xC400, s12;
	v9 =	vor.u32 $0x80, v4;
	v10 =	vld.idx.msk [tilespmem:v3+s15+$0x0], $0xffff  }
0x40: {  	s26 =	sor.u32 s7, s25;
	v11 =	vor.u32 $0x80, v3  }
0x41: {  	s2 =	sor.u32 s19, s25;
	[tilespmem:s26+$0x0] =	vst v1  }
0x42: {  	s4 =	sor.u32 s24, s25;
	[tilespmem:s2+$0x0] =	vst v6;
	v1 =	vld.idx.msk [tilespmem:v2+s15+$0x0], $0xffff  }
0x43: {  	s0 =	sor.u32 s14, s25;
	v2 =	vor.u32 $0x100, v5;
	v6 =	vld.idx.msk [tilespmem:v7+s15+$0x0], $0xffff;
	[tilespmem:s4+$0x0] =	vst v8  }
0x44: {  	v7 =	vor.u32 $0x100, v0;
	[tilespmem:s0+$0x0] =	vst v10;
	v8 =	vld.idx.msk [tilespmem:v9+s15+$0x0], $0xffff  }
0x45: {  	v9 =	vor.u32 $0x100, v4;
	v10 =	vld.idx.msk [tilespmem:v11+s15+$0x0], $0xffff  }
0x46: {  	v11 =	vor.u32 $0x100, v3  }
0x47: {  	[tilespmem:s26+$0x80] =	vst v1  }
0x48: {  	[tilespmem:s2+$0x80] =	vst v6;
	v1 =	vld.idx.msk [tilespmem:v2+s15+$0x0], $0xffff  }
0x49: {  	v2 =	vor.u32 $0x180, v5;
	v6 =	vld.idx.msk [tilespmem:v7+s15+$0x0], $0xffff;
	[tilespmem:s4+$0x80] =	vst v8  }
0x4a: {  	v7 =	vor.u32 $0x180, v0;
	[tilespmem:s0+$0x80] =	vst v10;
	v8 =	vld.idx.msk [tilespmem:v9+s15+$0x0], $0xffff  }
0x4b: {  	v9 =	vor.u32 $0x180, v4;
	v10 =	vld.idx.msk [tilespmem:v11+s15+$0x0], $0xffff  }
0x4c: {  	v11 =	vor.u32 $0x180, v3  }
0x4d: {  	[tilespmem:s26+$0x100] =	vst v1  }
0x4e: {  	[tilespmem:s2+$0x100] =	vst v6;
	v1 =	vld.idx.msk [tilespmem:v2+s15+$0x0], $0xffff  }
0x4f: {  	v2 =	vor.u32 $0x200, v5;
	v6 =	vld.idx.msk [tilespmem:v7+s15+$0x0], $0xffff;
	[tilespmem:s4+$0x100] =	vst v8  }
0x50: {  	v7 =	vor.u32 $0x200, v0;
	[tilespmem:s0+$0x100] =	vst v10;
	v8 =	vld.idx.msk [tilespmem:v9+s15+$0x0], $0xffff  }
0x51: {  	v9 =	vor.u32 $0x200, v4;
	v10 =	vld.idx.msk [tilespmem:v11+s15+$0x0], $0xffff  }
0x52: {  	v11 =	vor.u32 $0x200, v3  }
0x53: {  	p0 =	por $0x0, $0x0;
	s1 =	simm.s32 $0x1;
	[tilespmem:s26+$0x180] =	vst v1  }
0x54: {  	s1 =	simm.s32 @!p0 $0x0;
	[tilespmem:s2+$0x180] =	vst v6;
	v1 =	vld.idx.msk [tilespmem:v2+s15+$0x0], $0xffff  }
0x55: {  	s1 =	sshll.u32 s1, $0x6;
	v2 =	vor.u32 $0x280, v5;
	v6 =	vld.idx.msk [tilespmem:v7+s15+$0x0], $0xffff;
	[tilespmem:s4+$0x180] =	vst v8  }
0x56: {  	s1 =	sadd.s32 $0x0, s1;
	v7 =	vor.u32 $0x280, v0;
	[tilespmem:s0+$0x180] =	vst v10;
	v8 =	vld.idx.msk [tilespmem:v9+s15+$0x0], $0xffff  }
0x57: {  	s28 =	sadd.s32 $0x30, s1;
	v9 =	vor.u32 $0x280, v4;
	v10 =	vld.idx.msk [tilespmem:v11+s15+$0x0], $0xffff  }
0x58: {  	s6 =	sor.u32 $0x200, s28;
	v11 =	vor.u32 $0x280, v3  }
0x59: {  	s8 =	sadd.s32 $0x10, s1;
	s9 =	sor.u32 $0x200, s1;
	[tilespmem:s6+$0xC400] =	vst v1  }
0x5a: {  	s5 =	sadd.s32 $0x20, s1;
	s6 =	sor.u32 $0x200, s8;
	[tilespmem:s9+$0xC400] =	vst v6;
	v1 =	vld.idx.msk [tilespmem:v2+s15+$0x0], $0xffff  }
0x5b: {  	s10 =	sor.u32 $0x200, s5;
	v2 =	vor.u32 $0x300, v5;
	v6 =	vld.idx.msk [tilespmem:v7+s15+$0x0], $0xffff;
	[tilespmem:s6+$0xC400] =	vst v8  }
0x5c: {  	v7 =	vor.u32 $0x300, v0;
	[tilespmem:s10+$0xC400] =	vst v10;
	v8 =	vld.idx.msk [tilespmem:v9+s15+$0x0], $0xffff  }
0x5d: {  	v9 =	vor.u32 $0x300, v4;
	v10 =	vld.idx.msk [tilespmem:v11+s15+$0x0], $0xffff  }
0x5e: {  	s13 =	sor.u32 $0x280, s28;
	v11 =	vor.u32 $0x300, v3  }
0x5f: {  	s16 =	sor.u32 $0x280, s1;
	[tilespmem:s13+$0xC400] =	vst v1  }
0x60: {  	s17 =	sor.u32 $0x280, s8;
	[tilespmem:s16+$0xC400] =	vst v6;
	v1 =	vld.idx.msk [tilespmem:v2+s15+$0x0], $0xffff  }
0x61: {  	s18 =	sor.u32 $0x280, s5;
	s9 =	simm.s32 $0x40;
	v2 =	vor.u32 $0x380, v5;
	v6 =	vld.idx.msk [tilespmem:v7+s15+$0x0], $0xffff;
	[tilespmem:s17+$0xC400] =	vst v8  }
0x62: {  	s31 =	sand.u32 $0x40, s9;
	[tilespmem:s18+$0xC400] =	vst v10;
	v8 =	vld.idx.msk [tilespmem:v9+s15+$0x0], $0xffff  }
0x63: {  	s23 =	sand.u32 $0x380, s9;
	s16 =	sor.u32 $0x30, s31;
	v9 =	vor.u32 $0x380, v4;
	v10 =	vld.idx.msk [tilespmem:v11+s15+$0x0], $0xffff  }
0x64: {  	s20 =	sor.u32 $0x300, s28;
	s25 =	sor.u32 s16, s23;
	v11 =	vor.u32 $0x380, v3  }
0x65: {  	s1 =	sor.u32 $0x300, s1;
	v7 =	vor.u32 $0x380, v0;
	v12 =	vld [tilespmem:s25+$0x0];
	[tilespmem:s20+$0xC400] =	vst v1  }
0x66: {  	s21 =	sor.u32 $0x300, s8;
	[tilespmem:s1+$0xC400] =	vst v6;
	v1 =	vld.idx.msk [tilespmem:v2+s15+$0x0], $0xffff  }
0x67: {  	s22 =	sor.u32 $0x300, s5;
	v6 =	vadd.s32 $0x2000, v5;
	v2 =	vld [tilespmem:s9+$0x0];
	[tilespmem:s21+$0xC400] =	vst v8  }
0x68: {  	[tilespmem:s22+$0xC400] =	vst v10;
	v8 =	vld.idx.msk [tilespmem:v9+s15+$0x0], $0xffff  }
0x69: {  	s17 =	sor.u32 $0x10, s31;
	v9 =	vadd.s32 $0x2000, v4;
	v10 =	vld.idx.msk [tilespmem:v11+s15+$0x0], $0xffff  }
0x6a: {  	s0 =	sor.u32 $0x380, s28;
	s26 =	sor.u32 s17, s23;
	v7 =	vld.idx.msk [tilespmem:v7+s15+$0x0], $0xffff;
	v11 =	vadd.s32 $0x2000, v3  }
0x6b: {  	v13 =	vadd.s32 $0x2000, v0;
	s10 =	sor.u32 $0x20, s31;
	v14 =	vld [tilespmem:s26+$0x0];
	[tilespmem:s0+$0xC400] =	vst v1  }
0x6c: {  	s2 =	sor.u32 $0x380, s8;
	s1 =	sor.u32 s10, s23;
	v1 =	vshll.u32 v2, $0x3;
	v6 =	vld.idx.msk [tilespmem:v6+s15+$0x0], $0xffff  }
0x6d: {  	s3 =	sor.u32 s3, s3;
	s28 =	sor.u32 $0x380, s5;
	v15 =	vld [tilespmem:s1+$0x0];
	v2 =	vand.u32 $0x7F, v2;
	v1 =	vand.u32 $0xFFFFFC00, v1;
	[tilespmem:s2+$0xC400] =	vst v8;
	v8 =	vadd.s32 $0x2080, v5  }
0x6e: {  	s4 =	sor.u32 $0x380, s3;
	[tilespmem:s28+$0xC400] =	vst v10;
	v1 =	vor.u32 v2, v1;
	v9 =	vld.idx.msk [tilespmem:v9+s15+$0x0], $0xffff  }
0x6f: {  	v16 =	vadd.s32 $0x2080, v3;
	s5 =	sadd.s32 $0xE400, s12;
	[tilespmem:s4+$0xC400] =	vst v7;
	v10 =	vadd.s32 $0x2080, v4;
	v2 =	vshll.u32 v12, $0x3;
	v11 =	vld.idx.msk [tilespmem:v11+s15+$0x0], $0xffff  }
0x70: {  	s6 =	sor.u32 s7, s5;
	v7 =	vand.u32 $0x7F, v12;
	v12 =	vld.idx.msk [tilespmem:v13+s15+$0x0], $0xffff;
	v13 =	vshll.u32 v14, $0x3;
	v2 =	vand.u32 $0xFFFFFC00, v2  }
0x71: {  	v14 =	vand.u32 $0x7F, v14;
	v2 =	vor.u32 v7, v2;
	v7 =	vand.u32 $0xFFFFFC00, v13;
	[tilespmem:s6+$0x0] =	vst v6  }
0x72: {  	s8 =	sor.u32 s24, s5;
	v18 =	vand.u32 $0x7F, v15;
	v13 =	vshll.u32 v15, $0x3;
	v15 =	vor.u32 v14, v7;
	v8 =	vld.idx.msk [tilespmem:v8+s15+$0x0], $0xffff  }
0x73: {  	s13 =	sor.u32 s14, s5;
	v17 =	vld.idx.msk [tilespmem:v1+s15+$0x0], $0xffff;
	[tilespmem:s8+$0x0] =	vst v9;
	v9 =	vadd.s32 $0x2100, v5  }
0x74: {  	v13 =	vand.u32 $0xFFFFFC00, v13;
	v6 =	vadd.s32 $0x2080, v0;
	[tilespmem:s13+$0x0] =	vst v11;
	v7 =	vld.idx.msk [tilespmem:v10+s15+$0x0], $0xffff  }
0x75: {  	s18 =	sor.u32 s19, s5;
	s20 =	sadd.s32 $0xE480, s12;
	v27 =	vor.u32 v18, v13;
	s13 =	simm.s32 $0x200;
	v10 =	vld.idx.msk [tilespmem:v16+s15+$0x0], $0xffff  }
0x76: {  	s21 =	sor.u32 s7, s20;
	v14 =	vor.u32 $0x80, v1;
	[tilespmem:s18+$0x0] =	vst v12;
	v12 =	vld.idx.msk [tilespmem:v2+s15+$0x0], $0xffff;
	s8 =	sand.u32 $0x1C00, s13  }
0x77: {  	v11 =	vadd.s32 $0x2100, v4;
	v16 =	vld.idx.msk [tilespmem:v15+s15+$0x0], $0xffff;
	s25 =	sadd.s32 $0xC400, s8;
	[tilespmem:s21+$0x0] =	vst v8  }
0x78: {  	v13 =	vadd.s32 $0x2100, v3;
	s3 =	sor.u32 s31, s25;
	v9 =	vld.idx.msk [tilespmem:v9+s15+$0x0], $0xffff  }
0x79: {  	s22 =	sor.u32 s24, s20;
	v6 =	vld.idx.msk [tilespmem:v6+s15+$0x0], $0xffff;
	v8 =	vor.u32 $0x80, v2;
	[tilespmem:s3+$0x0] =	vst v17  }
0x7a: {  	s23 =	sor.u32 s14, s20;
	v18 =	vld.idx.msk [tilespmem:v27+s15+$0x0], $0xffff;
	[tilespmem:s22+$0x0] =	vst v7  }
0x7b: {  	s26 =	sadd.s32 $0xE500, s12;
	s2 =	sor.u32 s16, s25;
	v14 =	vld.idx.msk [tilespmem:v14+s15+$0x0], $0xffff;
	v7 =	vadd.s32 $0x2180, v5;
	[tilespmem:s23+$0x0] =	vst v10  }
0x7c: {  	s28 =	sor.u32 s7, s26;
	v19 =	vor.u32 $0x80, v15;
	[tilespmem:s2+$0x0] =	vst v12;
	v11 =	vld.idx.msk [tilespmem:v11+s15+$0x0], $0xffff  }
0x7d: {  	v10 =	vor.u32 $0x80, v27;
	v12 =	vld.idx.msk [tilespmem:v13+s15+$0x0], $0xffff;
	[tilespmem:s28+$0x0] =	vst v9  }
0x7e: {  	s1 =	sor.u32 s17, s25;
	v13 =	vadd.s32 $0x2100, v0;
	v8 =	vld.idx.msk [tilespmem:v8+s15+$0x0], $0xffff;
	[dreg:$0x5] =	wrdreg s10  }
0x7f: {  	s0 =	sor.u32 s10, s25;
	v17 =	vadd.s32 $0x2180, v4;
	[tilespmem:s1+$0x0] =	vst v16  }
0x80: {  	s4 =	sor.u32 s19, s20;
	v9 =	vor.u32 $0x100, v2;
	v7 =	vld.idx.msk [tilespmem:v7+s15+$0x0], $0xffff;
	[tilespmem:s0+$0x0] =	vst v18  }
0x81: {  	s10 =	sor.u32 s24, s26;
	v16 =	vor.u32 $0x100, v1;
	[tilespmem:s4+$0x0] =	vst v6;
	v19 =	vld.idx.msk [tilespmem:v19+s15+$0x0], $0xffff  }
0x82: {  	v6 =	vadd.s32 $0x2200, v5;
	[tilespmem:s10+$0x0] =	vst v11;
	v10 =	vld.idx.msk [tilespmem:v10+s15+$0x0], $0xffff  }
0x83: {  	v18 =	vor.u32 $0x100, v15;
	[tilespmem:s3+$0x80] =	vst v14;
	v13 =	vld.idx.msk [tilespmem:v13+s15+$0x0], $0xffff  }
0x84: {  	s18 =	sadd.s32 $0xE580, s12;
	s21 =	sor.u32 s14, s26;
	v11 =	vor.u32 $0x100, v27;
	[tilespmem:s2+$0x80] =	vst v8;
	v8 =	vld.idx.msk [tilespmem:v17+s15+$0x0], $0xffff  }
0x85: {  	s20 =	sor.u32 s7, s18;
	[tilespmem:s21+$0x0] =	vst v12;
	v17 =	vadd.s32 $0x2180, v3;
	v9 =	vld.idx.msk [tilespmem:v9+s15+$0x0], $0xffff  }
0x86: {  	v14 =	vld.idx.msk [tilespmem:v16+s15+$0x0], $0xffff;
	v16 =	vadd.s32 $0x2180, v0;
	[tilespmem:s20+$0x0] =	vst v7  }
0x87: {  	v7 =	vor.u32 $0x180, v2;
	[tilespmem:s1+$0x80] =	vst v19;
	v6 =	vld.idx.msk [tilespmem:v6+s15+$0x0], $0xffff  }
0x88: {  	s6 =	sor.u32 s19, s26;
	v19 =	vor.u32 $0x180, v1;
	[tilespmem:s0+$0x80] =	vst v10;
	v18 =	vld.idx.msk [tilespmem:v18+s15+$0x0], $0xffff  }
0x89: {  	s25 =	sor.u32 s24, s18;
	[tilespmem:s6+$0x0] =	vst v13;
	v10 =	vld.idx.msk [tilespmem:v11+s15+$0x0], $0xffff;
	v11 =	vadd.s32 $0x2280, v5  }
0x8a: {  	v12 =	vor.u32 $0x180, v15;
	v13 =	vld.idx.msk [tilespmem:v17+s15+$0x0], $0xffff;
	[tilespmem:s25+$0x0] =	vst v8  }
0x8b: {  	s22 =	sadd.s32 $0xE600, s12;
	v17 =	vor.u32 $0x180, v27;
	[tilespmem:s2+$0x100] =	vst v9;
	v9 =	vld.idx.msk [tilespmem:v16+s15+$0x0], $0xffff  }
0x8c: {  	s23 =	sor.u32 s7, s22;
	v16 =	vadd.s32 $0x2200, v4;
	[tilespmem:s3+$0x100] =	vst v14;
	v7 =	vld.idx.msk [tilespmem:v7+s15+$0x0], $0xffff  }
0x8d: {  	v14 =	vadd.s32 $0x2200, v3;
	v19 =	vld.idx.msk [tilespmem:v19+s15+$0x0], $0xffff;
	[tilespmem:s23+$0x0] =	vst v6  }
0x8e: {  	v6 =	vor.u32 $0x200, v2;
	[tilespmem:s1+$0x100] =	vst v18;
	v11 =	vld.idx.msk [tilespmem:v11+s15+$0x0], $0xffff  }
0x8f: {  	s26 =	sor.u32 s14, s18;
	v18 =	vor.u32 $0x200, v1;
	[tilespmem:s0+$0x100] =	vst v10;
	v12 =	vld.idx.msk [tilespmem:v12+s15+$0x0], $0xffff  }
0x90: {  	v8 =	vadd.s32 $0x2300, v5;
	[tilespmem:s26+$0x0] =	vst v13;
	v10 =	vld.idx.msk [tilespmem:v17+s15+$0x0], $0xffff  }
0x91: {  	v16 =	vld.idx.msk [tilespmem:v16+s15+$0x0], $0xffff;
	[tilespmem:s2+$0x180] =	vst v7;
	s2 =	sadd.s32 $0xE680, s12  }
0x92: {  	v7 =	vld.idx.msk [tilespmem:v14+s15+$0x0], $0xffff;
	[tilespmem:s3+$0x180] =	vst v19;
	s28 =	sor.u32 s7, s2  }
0x93: {  	v17 =	vor.u32 $0x200, v15;
	v6 =	vld.idx.msk [tilespmem:v6+s15+$0x0], $0xffff;
	[tilespmem:s28+$0x0] =	vst v11  }
0x94: {  	s10 =	smul.u32 $0x3, s11;
	v13 =	vor.u32 $0x200, v27;
	v18 =	vld.idx.msk [tilespmem:v18+s15+$0x0], $0xffff;
	[tilespmem:s1+$0x180] =	vst v12  }
0x95: {  	p0 =	por !p0, !p0;
	s6 =	simm.s32 $0x1;
	v14 =	vadd.s32 $0x2200, v0;
	v8 =	vld.idx.msk [tilespmem:v8+s15+$0x0], $0xffff;
	[dreg:$0x18] =	wrdreg s11  }
0x96: {  	s6 =	simm.s32 @!p0 $0x0;
	v19 =	vadd.s32 $0x2280, v4;
	[dreg:$0x19] =	wrdreg s10  }
0x97: {  	s4 =	sor.u32 s19, s18;
	s6 =	sshll.u32 s6, $0x6;
	v11 =	vor.u32 $0x280, v2;
	s11 =	sor.u32 s13, s9;
	[tilespmem:s0+$0x180] =	vst v10  }
0x98: {  	s1 =	sadd.s32 $0x200, s6;
	v12 =	vor.u32 $0x280, v1;
	v17 =	vld.idx.msk [tilespmem:v17+s15+$0x0], $0xffff;
	[tilespmem:s4+$0x0] =	vst v9;
	s0 =	sor.u32 $0x380, s11  }
0x99: {  	v22 =	vadd.s32 $0x2280, v3;
	s18 =	sor.u32 s24, s22;
	s20 =	sadd.s32 $0x30, s1;
	v10 =	vld.idx.msk [tilespmem:v13+s15+$0x0], $0xffff;
	[dreg:$0x8] =	wrdreg s0  }
0x9a: {  	s5 =	sor.u32 s14, s22;
	v9 =	vadd.s32 $0x2380, v5;
	s21 =	sor.u32 $0x200, s20;
	v14 =	vld.idx.msk [tilespmem:v14+s15+$0x0], $0xffff;
	[tilespmem:s18+$0x0] =	vst v16  }
0x9b: {  	v30 =	vadd.s32 $0x2280, v0;
	s25 =	sadd.s32 $0xE700, s12;
	v13 =	vor.u32 $0x280, v15;
	s0 =	sor.u32 s19, s22;
	s22 =	sor.u32 $0x200, s1;
	[tilespmem:s21+$0xC400] =	vst v6;
	v28 =	vld.idx.msk [tilespmem:v19+s15+$0x0], $0xffff  }
0x9c: {  	v36 =	vor.u32 $0x300, v1;
	v34 =	vor.u32 $0x300, v2;
	v21 =	vor.u32 $0x280, v27;
	s26 =	sor.u32 s19, s2;
	s3 =	sor.u32 s14, s2;
	s23 =	sadd.s32 $0x10, s1;
	[tilespmem:s22+$0xC400] =	vst v18;
	v18 =	vld.idx.msk [tilespmem:v11+s15+$0x0], $0xffff  }
0x9d: {  	v25 =	vor.u32 $0x300, v15;
	v23 =	vor.u32 $0x380, v15;
	v26 =	vor.u32 $0x300, v27;
	s10 =	sor.u32 s7, s25;
	s28 =	sadd.s32 $0x20, s1;
	s4 =	sor.u32 s24, s2;
	[tilespmem:s5+$0x0] =	vst v7;
	v32 =	vld.idx.msk [tilespmem:v12+s15+$0x0], $0xffff  }
0x9e: {  	v24 =	vor.u32 $0x380, v27;
	v20 =	vadd.s32 $0x2000, v27;
	v5 =	vadd.s32 $0x2300, v4;
	s11 =	sor.u32 $0x200, s23;
	s30 =	sor.u32 $0x280, s23;
	s2 =	sor.u32 $0x300, s23;
	[tilespmem:s10+$0x0] =	vst v8;
	v29 =	vld.idx.msk [tilespmem:v22+s15+$0x0], $0xffff  }
0x9f: {  	v4 =	vadd.s32 $0x2380, v4;
	s29 =	sor.u32 $0x380, s23;
	s6 =	sor.u32 $0x380, s28;
	v6 =	vadd.s32 $0x2300, v3;
	v3 =	vadd.s32 $0x2380, v3;
	s18 =	sor.u32 $0x200, s28;
	[tilespmem:s11+$0xC400] =	vst v17;
	v35 =	vld.idx.msk [tilespmem:v9+s15+$0x0], $0xffff  }
0xa0: {  	s21 =	sadd.s32 $0xE780, s12;
	s22 =	sor.u32 s24, s25;
	v16 =	vadd.s32 $0x2080, v15;
	v7 =	vadd.s32 $0x2280, v15;
	v19 =	vadd.s32 $0x2000, v15;
	s10 =	sor.u32 s19, s25;
	[tilespmem:s18+$0xC400] =	vst v10;
	v31 =	vld.idx.msk [tilespmem:v13+s15+$0x0], $0xffff  }
0xa1: {  	s12 =	sor.u32 s19, s21;
	v11 =	vadd.s32 $0x2180, v15;
	v12 =	vadd.s32 $0x2180, v27;
	v8 =	vadd.s32 $0x2280, v27;
	s18 =	sor.u32 s14, s25;
	s25 =	sor.u32 $0x280, s20;
	v33 =	vld.idx.msk [tilespmem:v21+s15+$0x0], $0xffff;
	[tilespmem:s0+$0x0] =	vst v14  }
0xa2: {  	s19 =	sor.u32 $0x280, s1;
	s1 =	sor.u32 $0x300, s1;
	v22 =	vadd.s32 $0x2300, v27;
	v17 =	vadd.s32 $0x2080, v27;
	s11 =	sor.u32 s24, s21;
	v9 =	vadd.s32 $0x2200, v15;
	[tilespmem:s25+$0xC400] =	vst v18;
	v30 =	vld.idx.msk [tilespmem:v30+s15+$0x0], $0xffff  }
0xa3: {  	s24 =	sor.u32 s7, s21;
	s7 =	simm.s32 $0x4;
	v13 =	vadd.s32 $0x2100, v15;
	v10 =	vadd.s32 $0x2200, v27;
	v14 =	vadd.s32 $0x2100, v27;
	s0 =	sor.u32 $0x300, s28;
	[tilespmem:s19+$0xC400] =	vst v32;
	v32 =	vld.idx.msk [tilespmem:v34+s15+$0x0], $0xffff  }
0xa4: {  	v21 =	vadd.s32 $0x2300, v15;
	s25 =	sor.u32 s14, s21;
	s21 =	sor.u32 $0x280, s28;
	v18 =	vadd.s32 $0x2380, v15;
	v15 =	vadd.s32 $0x2380, v27;
	s14 =	simm.s32 $0x80;
	v27 =	vld.idx.msk [tilespmem:v36+s15+$0x0], $0xffff;
	[tilespmem:s24+$0x0] =	vst v35  }
.LBB2_3:
0xa5: {  	v35 =	vor.u32 $0x380, v1  }
0xa6: {  	[tilespmem:s21+$0xC400] =	vst v33  }
0xa7: {  	v34 =	vld [tilespmem:s14+$0x0];
	[tilespmem:s30+$0xC400] =	vst v31  }
0xa8: {  	v56 =	vadd.s32 $0x2300, v0;
	v26 =	vld.idx.msk [tilespmem:v26+s15+$0x0], $0xffff;
	[tilespmem:s3+$0x0] =	vst v29  }
0xa9: {  	v31 =	vor.u32 $0x380, v2;
	[tilespmem:s1+$0xC400] =	vst v27;
	v25 =	vld.idx.msk [tilespmem:v25+s15+$0x0], $0xffff  }
0xaa: {  	s24 =	smov.u32 s17;
	s17 =	sor.u32 $0x300, s20;
	[tilespmem:s4+$0x0] =	vst v28;
	v27 =	vld.idx.msk [tilespmem:v35+s15+$0x0], $0xffff  }
0xab: {  	[tilespmem:s17+$0xC400] =	vst v32;
	v28 =	vld.idx.msk [tilespmem:v5+s15+$0x0], $0xffff  }
0xac: {  	[tilespmem:s26+$0x0] =	vst v30;
	v5 =	vmov v21;
	v21 =	vld.idx.msk [tilespmem:v6+s15+$0x0], $0xffff  }
0xad: {  	s5 =	rddreg [dreg:$0x5];
	v29 =	vld.idx.msk [tilespmem:v56+s15+$0x0], $0xffff;
	[tilespmem:s0+$0xC400] =	vst v26  }
0xae: {  	s9 =	sadd.s32 $0x40, s9;
	s19 =	smov.u32 s5;
	s5 =	rddreg [dreg:$0x8];
	v6 =	vmov v22;
	v22 =	vld.idx.msk [tilespmem:v31+s15+$0x0], $0xffff;
	[tilespmem:s2+$0xC400] =	vst v25  }
0xaf: {  	s28 =	sand.u32 $0x40, s9;
	v25 =	vadd.s32 $0x2000, v2;
	v24 =	vld.idx.msk [tilespmem:v24+s15+$0x0], $0xffff;
	[tilespmem:s5+$0xC400] =	vst v27  }
0xb0: {  	s21 =	sand.u32 $0x380, s9;
	s4 =	sor.u32 $0x30, s28;
	v23 =	vld.idx.msk [tilespmem:v23+s15+$0x0], $0xffff;
	[tilespmem:s22+$0x0] =	vst v28  }
0xb1: {  	s23 =	smov.u32 s16;
	s16 =	sor.u32 $0x20, s28;
	s22 =	sor.u32 s4, s21;
	[tilespmem:s18+$0x0] =	vst v21;
	v26 =	vld.idx.msk [tilespmem:v4+s15+$0x0], $0xffff  }
0xb2: {  	s26 =	sor.u32 $0x380, s20;
	s0 =	sor.u32 s16, s21;
	[tilespmem:s10+$0x0] =	vst v29;
	v4 =	vmov v18;
	v18 =	vld [tilespmem:s22+$0x0]  }
0xb3: {  	s17 =	sor.u32 $0x10, s28;
	v21 =	vadd.s32 $0x2000, v1;
	v29 =	vld [tilespmem:s0+$0x0];
	[tilespmem:s26+$0xC400] =	vst v22  }
0xb4: {  	s3 =	sor.u32 s17, s21;
	v22 =	vld.idx.msk [tilespmem:v25+s15+$0x0], $0xffff  }
0xb5: {  	v27 =	vshll.u32 v34, $0x3;
	v25 =	vld [tilespmem:s3+$0x0];
	[tilespmem:s6+$0xC400] =	vst v24;
	v24 =	vadd.s32 $0x2380, v0  }
0xb6: {  	v28 =	vand.u32 $0x7F, v34;
	v27 =	vand.u32 $0xFFFFFC00, v27;
	[tilespmem:s29+$0xC400] =	vst v23;
	v23 =	vadd.s32 $0x2080, v2;
	v20 =	vld.idx.msk [tilespmem:v20+s15+$0x0], $0xffff  }
0xb7: {  	s10 =	sadd.s32 $0xE400, s8;
	v0 =	vmov v1;
	v1 =	vor.u32 v28, v27;
	v19 =	vld.idx.msk [tilespmem:v19+s15+$0x0], $0xffff  }
0xb8: {  	s20 =	sor.u32 s23, s10;
	v21 =	vld.idx.msk [tilespmem:v21+s15+$0x0], $0xffff;
	[tilespmem:s11+$0x0] =	vst v26  }
0xb9: {  	v57 =	vadd.s32 $0x2080, v0;
	v26 =	vshll.u32 v18, $0x3;
	[tilespmem:s20+$0x0] =	vst v22;
	v22 =	vld.idx.msk [tilespmem:v3+s15+$0x0], $0xffff  }
0xba: {  	s0 =	sor.u32 s19, s10;
	v18 =	vand.u32 $0x7F, v18;
	v26 =	vand.u32 $0xFFFFFC00, v26;
	v58 =	vld.idx.msk [tilespmem:v24+s15+$0x0], $0xffff  }
0xbb: {  	s18 =	sor.u32 s24, s10;
	v28 =	vor.u32 v18, v26;
	v27 =	vshll.u32 v25, $0x3;
	v18 =	vld.idx.msk [tilespmem:v23+s15+$0x0], $0xffff;
	[tilespmem:s0+$0x0] =	vst v20  }
0xbc: {  	s11 =	sor.u32 s31, s10;
	v3 =	vmovc v15;
	v38 =	vld.idx.msk [tilespmem:v1+s15+$0x0], $0xffff;
	v15 =	vand.u32 $0xFFFFFC00, v27;
	v23 =	vand.u32 $0x7F, v25;
	[tilespmem:s18+$0x0] =	vst v19;
	v19 =	vadd.s32 $0x2100, v2  }
0xbd: {  	v27 =	vshll.u32 v29, $0x3;
	[tilespmem:s11+$0x0] =	vst v21;
	v15 =	vor.u32 v23, v15;
	v21 =	vld.idx.msk [tilespmem:v17+s15+$0x0], $0xffff  }
0xbe: {  	s13 =	sadd.s32 $0x200, s13;
	s21 =	sadd.s32 $0xE480, s8;
	v37 =	vor.u32 $0x80, v1;
	v25 =	vand.u32 $0x7F, v29;
	v26 =	vand.u32 $0xFFFFFC00, v27;
	v46 =	vld.idx.msk [tilespmem:v57+s15+$0x0], $0xffff  }
0xbf: {  	s5 =	sand.u32 $0x1C00, s13;
	s6 =	sor.u32 s23, s21;
	s10 =	sor.u32 s13, s9;
	v39 =	vor.u32 v25, v26;
	v43 =	vld.idx.msk [tilespmem:v16+s15+$0x0], $0xffff;
	[tilespmem:s25+$0x0] =	vst v22  }
0xc0: {  	v36 =	vadd.s32 $0x2100, v0;
	s3 =	sor.u32 $0x380, s10;
	s11 =	sadd.s32 $0xC400, s5;
	v45 =	vld.idx.msk [tilespmem:v28+s15+$0x0], $0xffff;
	[tilespmem:s6+$0x0] =	vst v18  }
0xc1: {  	[dreg:$0x8] =	wrdreg s3;
	s3 =	sor.u32 s28, s11;
	[tilespmem:s12+$0x0] =	vst v58;
	v18 =	vor.u32 $0x80, v28;
	v47 =	vld.idx.msk [tilespmem:v19+s15+$0x0], $0xffff  }
0xc2: {  	s22 =	sor.u32 s31, s21;
	[tilespmem:s3+$0x0] =	vst v38;
	v48 =	vld.idx.msk [tilespmem:v15+s15+$0x0], $0xffff  }
0xc3: {  	s26 =	sor.u32 s24, s21;
	v37 =	vld.idx.msk [tilespmem:v37+s15+$0x0], $0xffff;
	[tilespmem:s22+$0x0] =	vst v46  }
0xc4: {  	v59 =	vadd.s32 $0x2180, v2;
	[dreg:$0xd] =	wrdreg s4;
	s4 =	sor.u32 s4, s11;
	v49 =	vld.idx.msk [tilespmem:v39+s15+$0x0], $0xffff;
	[tilespmem:s26+$0x0] =	vst v43  }
0xc5: {  	s1 =	sor.u32 s19, s21;
	v40 =	vor.u32 $0x80, v15;
	s12 =	sadd.s32 $0xE500, s8;
	v36 =	vld.idx.msk [tilespmem:v36+s15+$0x0], $0xffff;
	[tilespmem:s4+$0x0] =	vst v45  }
0xc6: {  	v42 =	vor.u32 $0x80, v39;
	s20 =	sor.u32 s23, s12;
	[tilespmem:s1+$0x0] =	vst v21;
	v62 =	vld.idx.msk [tilespmem:v18+s15+$0x0], $0xffff  }
0xc7: {  	v63 =	vor.u32 $0x100, v28;
	s6 =	sor.u32 s17, s11;
	v52 =	vld.idx.msk [tilespmem:v13+s15+$0x0], $0xffff;
	[tilespmem:s20+$0x0] =	vst v47  }
0xc8: {  	v61 =	vld.idx.msk [tilespmem:v14+s15+$0x0], $0xffff;
	[tilespmem:s6+$0x0] =	vst v48;
	v48 =	vor.u32 $0x100, v1  }
0xc9: {  	s10 =	sor.u32 s16, s11;
	[tilespmem:s3+$0x80] =	vst v37;
	v43 =	vld.idx.msk [tilespmem:v59+s15+$0x0], $0xffff  }
0xca: {  	v40 =	vld.idx.msk [tilespmem:v40+s15+$0x0], $0xffff;
	[tilespmem:s10+$0x0] =	vst v49;
	v49 =	vadd.s32 $0x2200, v2  }
0xcb: {  	v41 =	vor.u32 $0x100, v15;
	s18 =	sor.u32 s24, s12;
	v42 =	vld.idx.msk [tilespmem:v42+s15+$0x0], $0xffff;
	[tilespmem:s4+$0x80] =	vst v62  }
0xcc: {  	[dreg:$0x5] =	wrdreg s16;
	s21 =	sadd.s32 $0xE580, s8;
	v44 =	vor.u32 $0x100, v39;
	s16 =	sor.u32 s31, s12;
	[tilespmem:s18+$0x0] =	vst v52;
	v55 =	vld.idx.msk [tilespmem:v63+s15+$0x0], $0xffff  }
0xcd: {  	v57 =	vadd.s32 $0x2180, v0;
	s25 =	sor.u32 s23, s21;
	v56 =	vld.idx.msk [tilespmem:v48+s15+$0x0], $0xffff;
	[tilespmem:s16+$0x0] =	vst v36  }
0xce: {  	v52 =	vld.idx.msk [tilespmem:v11+s15+$0x0], $0xffff;
	[tilespmem:s25+$0x0] =	vst v43  }
0xcf: {  	v58 =	vor.u32 $0x180, v28;
	[tilespmem:s6+$0x80] =	vst v40;
	v43 =	vld.idx.msk [tilespmem:v49+s15+$0x0], $0xffff  }
0xd0: {  	v60 =	vadd.s32 $0x2100, v39;
	s1 =	sor.u32 s19, s12;
	v59 =	vor.u32 $0x180, v1;
	v41 =	vld.idx.msk [tilespmem:v41+s15+$0x0], $0xffff;
	[tilespmem:s10+$0x80] =	vst v42  }
0xd1: {  	v35 =	vor.u32 $0x180, v15;
	v31 =	vor.u32 $0x200, v15;
	v14 =	vmovc v60;
	v60 =	vadd.s32 $0x2280, v2;
	v42 =	vld.idx.msk [tilespmem:v44+s15+$0x0], $0xffff;
	[tilespmem:s1+$0x0] =	vst v61  }
0xd2: {  	v27 =	vor.u32 $0x280, v15;
	v25 =	vor.u32 $0x300, v15;
	v23 =	vor.u32 $0x380, v15;
	s12 =	sadd.s32 $0xE600, s8;
	v62 =	vld.idx.msk [tilespmem:v57+s15+$0x0], $0xffff;
	[tilespmem:s4+$0x100] =	vst v55  }
0xd3: {  	v16 =	vadd.s32 $0x2080, v15;
	v50 =	vadd.s32 $0x2180, v15;
	v34 =	vor.u32 $0x180, v39;
	s16 =	sor.u32 s23, s12;
	v61 =	vld.idx.msk [tilespmem:v12+s15+$0x0], $0xffff;
	[tilespmem:s3+$0x100] =	vst v56  }
0xd4: {  	v53 =	vadd.s32 $0x2200, v15;
	v33 =	vadd.s32 $0x2280, v15;
	v30 =	vor.u32 $0x200, v39;
	v63 =	vld.idx.msk [tilespmem:v58+s15+$0x0], $0xffff;
	[tilespmem:s16+$0x0] =	vst v43  }
0xd5: {  	v29 =	vor.u32 $0x280, v39;
	v26 =	vor.u32 $0x300, v39;
	v49 =	vor.u32 $0x200, v28;
	v48 =	vld.idx.msk [tilespmem:v59+s15+$0x0], $0xffff;
	[tilespmem:s6+$0x100] =	vst v41  }
0xd6: {  	v24 =	vor.u32 $0x380, v39;
	v20 =	vadd.s32 $0x2000, v39;
	s22 =	sor.u32 s24, s21;
	v11 =	vmovc v50;
	v50 =	vor.u32 $0x200, v1;
	v43 =	vld.idx.msk [tilespmem:v60+s15+$0x0], $0xffff;
	[tilespmem:s10+$0x100] =	vst v42  }
0xd7: {  	v17 =	vadd.s32 $0x2080, v39;
	v51 =	vadd.s32 $0x2180, v39;
	v54 =	vadd.s32 $0x2200, v39;
	s26 =	sor.u32 s19, s21;
	v35 =	vld.idx.msk [tilespmem:v35+s15+$0x0], $0xffff;
	[tilespmem:s22+$0x0] =	vst v52  }
0xd8: {  	v32 =	vadd.s32 $0x2280, v39;
	v22 =	vadd.s32 $0x2100, v15;
	v55 =	vadd.s32 $0x2200, v0;
	v34 =	vld.idx.msk [tilespmem:v34+s15+$0x0], $0xffff;
	[tilespmem:s26+$0x0] =	vst v61  }
0xd9: {  	p0 =	por !p0, !p0;
	v19 =	vadd.s32 $0x2000, v15;
	v21 =	vadd.s32 $0x2300, v15;
	v12 =	vmovc v51;
	v51 =	vadd.s32 $0x2300, v2;
	v52 =	vld.idx.msk [tilespmem:v9+s15+$0x0], $0xffff;
	[tilespmem:s4+$0x180] =	vst v63  }
0xda: {  	s0 =	sor.u32 s31, s21;
	s21 =	sadd.s32 $0xE680, s8;
	v13 =	vmovc v22;
	v22 =	vadd.s32 $0x2300, v39;
	v18 =	vadd.s32 $0x2380, v15;
	v15 =	vadd.s32 $0x2380, v39;
	s20 =	simm.s32 $0x1;
	[tilespmem:s3+$0x180] =	vst v48;
	v39 =	vld.idx.msk [tilespmem:v49+s15+$0x0], $0xffff  }
0xdb: {  	s7 =	sadd.s32 $0x4, s7;
	s20 =	simm.s32 @!p0 $0x0;
	s22 =	sor.u32 s23, s21;
	v56 =	vld.idx.msk [tilespmem:v50+s15+$0x0], $0xffff;
	[tilespmem:s0+$0x0] =	vst v62  }
0xdc: {  	p1 =	slt.u32 s7, $0x3C;
	s25 =	sshll.u32 s20, $0x6;
	v57 =	vor.u32 $0x280, v28;
	v36 =	vld.idx.msk [tilespmem:v10+s15+$0x0], $0xffff;
	[tilespmem:s22+$0x0] =	vst v43  }
0xdd: {  	s11 =	sor.u32 s31, s12;
	s2 =	sadd.s32 s25, s13;
	s25 =	sadd.s32 $0xE700, s8;
	v58 =	vor.u32 $0x280, v1;
	[tilespmem:s6+$0x180] =	vst v35;
	v37 =	vld.idx.msk [tilespmem:v55+s15+$0x0], $0xffff  }
0xde: {  	s1 =	sor.u32 s24, s12;
	s12 =	sor.u32 s19, s12;
	s20 =	sadd.s32 $0x30, s2;
	v38 =	vld.idx.msk [tilespmem:v51+s15+$0x0], $0xffff;
	[tilespmem:s10+$0x180] =	vst v34  }
0xdf: {  	v59 =	vadd.s32 $0x2380, v2;
	s16 =	sor.u32 $0x200, s20;
	s26 =	sor.u32 s31, s21;
	s4 =	sor.u32 s24, s21;
	v31 =	vld.idx.msk [tilespmem:v31+s15+$0x0], $0xffff;
	[tilespmem:s1+$0x0] =	vst v52  }
0xe0: {  	s3 =	sor.u32 s19, s21;
	s21 =	sor.u32 $0x200, s2;
	v30 =	vld.idx.msk [tilespmem:v30+s15+$0x0], $0xffff;
	[tilespmem:s16+$0xC400] =	vst v39;
	s16 =	simm.s32 $0x400  }
0xe1: {  	s29 =	sor.u32 s23, s25;
	s6 =	sadd.s32 $0x10, s2;
	s10 =	sadd.s32 $0x20, s2;
	[tilespmem:s21+$0xC400] =	vst v56;
	v35 =	vld.idx.msk [tilespmem:v57+s16+$0x0], $0xffff  }
0xe2: {  	v61 =	vadd.s32 $0x2280, v0;
	s18 =	sor.u32 $0x200, s6;
	s30 =	sor.u32 $0x280, s6;
	s1 =	sor.u32 $0x300, s2;
	v60 =	vld.idx.msk [tilespmem:v58+s16+$0x0], $0xffff;
	[tilespmem:s11+$0x0] =	vst v37  }
0xe3: {  	v2 =	vmov v28;
	s22 =	sor.u32 $0x200, s10;
	v28 =	vld.idx.msk [tilespmem:v7+s15+$0x0], $0xffff;
	s15 =	sor.u32 $0x280, s2;
	s2 =	sor.u32 $0x300, s6;
	[tilespmem:s29+$0x0] =	vst v38  }
0xe4: {  	v62 =	vor.u32 $0x300, v2;
	s0 =	sor.u32 $0x300, s10;
	s21 =	sor.u32 $0x280, s10;
	[tilespmem:s18+$0xC400] =	vst v31;
	s29 =	sor.u32 $0x380, s6;
	v34 =	vld.idx.msk [tilespmem:v59+s16+$0x0], $0xffff  }
0xe5: {  	v63 =	vor.u32 $0x300, v1;
	s6 =	sor.u32 $0x380, s10;
	s10 =	sor.u32 s31, s25;
	s18 =	sor.u32 s19, s25;
	v31 =	vld.idx.msk [tilespmem:v27+s16+$0x0], $0xffff;
	[tilespmem:s22+$0xC400] =	vst v30  }
.Ltmp2:
0xe6: {  	v7 =	vmov v33;
	s22 =	sor.u32 s24, s25;
	s25 =	sor.u32 $0x280, s20;
	v33 =	vld.idx.msk [tilespmem:v29+s16+$0x0], $0xffff;
	[tilespmem:s12+$0x0] =	vst v36;
	(pc) =	sbr.rel @p1 .LBB2_3-.Ltmp2, $4  }
0xe7: {  	s14 =	sadd.s32 $0x40, s14;
	v30 =	vld.idx.msk [tilespmem:v61+s16+$0x0], $0xffff;
	[tilespmem:s25+$0xC400] =	vst v35  }
0xe8: {  	v29 =	vld.idx.msk [tilespmem:v8+s16+$0x0], $0xffff;
	s16 =	rddreg [dreg:$0xd];
	s25 =	sadd.s32 $0xE780, s8;
	[tilespmem:s15+$0xC400] =	vst v60;
	s15 =	simm.s32 $0x400  }
0xe9: {  	v8 =	vmov v32;
	s8 =	smov.u32 s5;
	v32 =	vld.idx.msk [tilespmem:v62+s15+$0x0], $0xffff;
	s11 =	sor.u32 s24, s25;
	s24 =	sor.u32 s23, s25  }
0xea: {  	v9 =	vmov v53;
	v10 =	vmov v54;
	s12 =	sor.u32 s31, s25;
	v27 =	vld.idx.msk [tilespmem:v63+s15+$0x0], $0xffff;
	s25 =	sor.u32 s19, s25;
	s31 =	smov.u32 s28;
	[tilespmem:s24+$0x0] =	vst v34  }
0xeb: {  	_ =	sdelay $0x2  }
0xec: {  	[tilespmem:s30+$0xC400] =	vst v31  }
0xed: {  	v58 =	vor.u32 $0x380, v2;
	[tilespmem:s21+$0xC400] =	vst v33;
	v25 =	vld.idx.msk [tilespmem:v25+s15+$0x0], $0xffff  }
0xee: {  	v26 =	vld.idx.msk [tilespmem:v26+s15+$0x0], $0xffff;
	_ =	sdelay $0x1  }
0xef: {  	s5 =	sor.u32 $0x300, s20  }
0xf0: {  	v59 =	vor.u32 $0x380, v1;
	[tilespmem:s5+$0xC400] =	vst v32  }
0xf1: {  	v60 =	vld.idx.msk [tilespmem:v58+s15+$0x0], $0xffff;
	[tilespmem:s2+$0xC400] =	vst v25  }
0xf2: {  	v61 =	vadd.s32 $0x2000, v2;
	[tilespmem:s0+$0xC400] =	vst v26;
	v23 =	vld.idx.msk [tilespmem:v23+s15+$0x0], $0xffff  }
0xf3: {  	v24 =	vld.idx.msk [tilespmem:v24+s15+$0x0], $0xffff  }
0xf4: {  	[tilespmem:s1+$0xC400] =	vst v27  }
0xf5: {  	v27 =	vld.idx.msk [tilespmem:v59+s15+$0x0], $0xffff;
	s2 =	sor.u32 $0x380, s20  }
0xf6: {  	v62 =	vadd.s32 $0x2000, v1;
	[tilespmem:s2+$0xC400] =	vst v60  }
0xf7: {  	v63 =	vld.idx.msk [tilespmem:v61+s15+$0x0], $0xffff;
	[tilespmem:s29+$0xC400] =	vst v23  }
0xf8: {  	v32 =	vadd.s32 $0x2080, v2;
	[tilespmem:s6+$0xC400] =	vst v24;
	v19 =	vld.idx.msk [tilespmem:v19+s15+$0x0], $0xffff  }
0xf9: {  	s0 =	rddreg [dreg:$0x8]  }
0xfa: {  	s5 =	sadd.s32 $0xE400, s8;
	[tilespmem:s0+$0xC400] =	vst v27  }
0xfb: {  	s6 =	sor.u32 s16, s5;
	v33 =	vld.idx.msk [tilespmem:v62+s15+$0x0], $0xffff  }
0xfc: {  	v34 =	vadd.s32 $0x2080, v1;
	s7 =	sor.u32 s17, s5;
	v20 =	vld.idx.msk [tilespmem:v20+s15+$0x0], $0xffff;
	[tilespmem:s6+$0x0] =	vst v63  }
0xfd: {  	v35 =	vld.idx.msk [tilespmem:v32+s15+$0x0], $0xffff;
	[tilespmem:s7+$0x0] =	vst v19  }
0xfe: {  	v36 =	vadd.s32 $0x2100, v2;
	v16 =	vld.idx.msk [tilespmem:v16+s15+$0x0], $0xffff  }
0xff: {  	s0 =	sor.u32 s31, s5;
	s2 =	rddreg [dreg:$0x5]  }
0x100: {  	s13 =	sadd.s32 $0xE480, s8;
	s9 =	sor.u32 s2, s5;
	[tilespmem:s0+$0x0] =	vst v33  }
0x101: {  	s14 =	sor.u32 s16, s13;
	[tilespmem:s9+$0x0] =	vst v20;
	v37 =	vld.idx.msk [tilespmem:v34+s15+$0x0], $0xffff  }
0x102: {  	v38 =	vadd.s32 $0x2100, v1;
	s19 =	sor.u32 s17, s13;
	v17 =	vld.idx.msk [tilespmem:v17+s15+$0x0], $0xffff;
	[tilespmem:s14+$0x0] =	vst v35  }
0x103: {  	v39 =	vld.idx.msk [tilespmem:v36+s15+$0x0], $0xffff;
	[tilespmem:s19+$0x0] =	vst v16  }
0x104: {  	v40 =	vadd.s32 $0x2180, v2;
	v13 =	vld.idx.msk [tilespmem:v13+s15+$0x0], $0xffff  }
0x105: {  	s0 =	sor.u32 s31, s13  }
0x106: {  	s21 =	sadd.s32 $0xE500, s8;
	s20 =	sor.u32 s2, s13;
	[tilespmem:s0+$0x0] =	vst v37  }
0x107: {  	s23 =	sor.u32 s16, s21;
	[tilespmem:s20+$0x0] =	vst v17;
	v41 =	vld.idx.msk [tilespmem:v38+s15+$0x0], $0xffff  }
0x108: {  	v42 =	vadd.s32 $0x2180, v1;
	s24 =	sor.u32 s17, s21;
	v14 =	vld.idx.msk [tilespmem:v14+s15+$0x0], $0xffff;
	[tilespmem:s23+$0x0] =	vst v39  }
0x109: {  	v43 =	vld.idx.msk [tilespmem:v40+s15+$0x0], $0xffff;
	[tilespmem:s24+$0x0] =	vst v13  }
0x10a: {  	v44 =	vadd.s32 $0x2200, v2;
	v11 =	vld.idx.msk [tilespmem:v11+s15+$0x0], $0xffff  }
0x10b: {  	[tilespmem:s4+$0x0] =	vst v28;
	s0 =	sor.u32 s31, s21  }
0x10c: {  	s29 =	sadd.s32 $0xE580, s8;
	s28 =	sor.u32 s2, s21;
	[tilespmem:s0+$0x0] =	vst v41  }
0x10d: {  	s30 =	sor.u32 s16, s29;
	[tilespmem:s28+$0x0] =	vst v14;
	v45 =	vld.idx.msk [tilespmem:v42+s15+$0x0], $0xffff  }
0x10e: {  	v46 =	vadd.s32 $0x2200, v1;
	s4 =	sor.u32 s17, s29;
	v12 =	vld.idx.msk [tilespmem:v12+s15+$0x0], $0xffff;
	[tilespmem:s30+$0x0] =	vst v43  }
0x10f: {  	v47 =	vld.idx.msk [tilespmem:v44+s15+$0x0], $0xffff;
	[tilespmem:s4+$0x0] =	vst v11  }
0x110: {  	v48 =	vadd.s32 $0x2280, v2;
	[tilespmem:s3+$0x0] =	vst v29;
	v9 =	vld.idx.msk [tilespmem:v9+s15+$0x0], $0xffff  }
0x111: {  	[tilespmem:s26+$0x0] =	vst v30;
	v5 =	vld.idx.msk [tilespmem:v5+s15+$0x0], $0xffff;
	s0 =	sor.u32 s31, s29  }
0x112: {  	v51 =	vadd.s32 $0x2300, v0;
	s6 =	sadd.s32 $0xE600, s8;
	s5 =	sor.u32 s2, s29;
	v6 =	vld.idx.msk [tilespmem:v6+s15+$0x0], $0xffff;
	[tilespmem:s0+$0x0] =	vst v45  }
0x113: {  	s7 =	sor.u32 s16, s6;
	[tilespmem:s5+$0x0] =	vst v12;
	v49 =	vld.idx.msk [tilespmem:v46+s15+$0x0], $0xffff  }
0x114: {  	v50 =	vadd.s32 $0x2280, v1;
	s9 =	sor.u32 s17, s6;
	v10 =	vld.idx.msk [tilespmem:v10+s15+$0x0], $0xffff;
	[tilespmem:s7+$0x0] =	vst v47  }
0x115: {  	v52 =	vld.idx.msk [tilespmem:v48+s15+$0x0], $0xffff;
	[tilespmem:s9+$0x0] =	vst v9  }
0x116: {  	v53 =	vadd.s32 $0x2300, v2;
	[tilespmem:s22+$0x0] =	vst v5;
	v7 =	vld.idx.msk [tilespmem:v7+s15+$0x0], $0xffff  }
0x117: {  	v55 =	vld.idx.msk [tilespmem:v51+s15+$0x0], $0xffff;
	[tilespmem:s18+$0x0] =	vst v6;
	s0 =	sor.u32 s31, s6  }
0x118: {  	s13 =	sor.u32 s2, s6;
	s14 =	sadd.s32 $0xE680, s8;
	v4 =	vld.idx.msk [tilespmem:v4+s15+$0x0], $0xffff;
	[tilespmem:s0+$0x0] =	vst v49  }
0x119: {  	v57 =	vadd.s32 $0x2380, v0;
	s18 =	sor.u32 s16, s14;
	[tilespmem:s13+$0x0] =	vst v10;
	v54 =	vld.idx.msk [tilespmem:v50+s15+$0x0], $0xffff  }
0x11a: {  	v56 =	vadd.s32 $0x2300, v1;
	s19 =	sor.u32 s17, s14;
	v8 =	vld.idx.msk [tilespmem:v8+s15+$0x0], $0xffff;
	[tilespmem:s18+$0x0] =	vst v52  }
0x11b: {  	v58 =	vld.idx.msk [tilespmem:v53+s15+$0x0], $0xffff;
	[tilespmem:s19+$0x0] =	vst v7  }
0x11c: {  	v59 =	vadd.s32 $0x2380, v2;
	[tilespmem:s10+$0x0] =	vst v55;
	v60 =	vld.idx.msk [tilespmem:v21+s15+$0x0], $0xffff  }
0x11d: {  	v3 =	vld.idx.msk [tilespmem:v3+s15+$0x0], $0xffff;
	[tilespmem:s11+$0x0] =	vst v4;
	s0 =	sor.u32 s31, s14  }
0x11e: {  	s21 =	sadd.s32 $0xE700, s8;
	v0 =	vld.idx.msk [tilespmem:v57+s15+$0x0], $0xffff;
	s20 =	sor.u32 s2, s14;
	[tilespmem:s0+$0x0] =	vst v54  }
0x11f: {  	s22 =	sor.u32 s16, s21;
	[tilespmem:s20+$0x0] =	vst v8;
	v6 =	vld.idx.msk [tilespmem:v56+s15+$0x0], $0xffff  }
0x120: {  	v62 =	vadd.s32 $0x2380, v1;
	s23 =	sor.u32 s17, s21;
	v61 =	vld.idx.msk [tilespmem:v22+s15+$0x0], $0xffff;
	[tilespmem:s22+$0x0] =	vst v58  }
0x121: {  	v2 =	vld.idx.msk [tilespmem:v59+s15+$0x0], $0xffff;
	[tilespmem:s23+$0x0] =	vst v60  }
0x122: {  	[tilespmem:s25+$0x0] =	vst v3;
	v63 =	vld.idx.msk [tilespmem:v18+s15+$0x0], $0xffff  }
0x123: {  	[tilespmem:s12+$0x0] =	vst v0;
	s0 =	sor.u32 s31, s21  }
0x124: {  	s24 =	sor.u32 s2, s21;
	s25 =	sadd.s32 $0xE780, s8;
	[tilespmem:s0+$0x0] =	vst v6  }
0x125: {  	s26 =	sor.u32 s16, s25;
	[tilespmem:s24+$0x0] =	vst v61;
	v1 =	vld.idx.msk [tilespmem:v62+s15+$0x0], $0xffff  }
0x126: {  	s28 =	sor.u32 s17, s25;
	v5 =	vld.idx.msk [tilespmem:v15+s15+$0x0], $0xffff;
	[tilespmem:s26+$0x0] =	vst v2  }
0x127: {  	[tilespmem:s28+$0x0] =	vst v63  }
0x128: {  	s1 =	rddreg [dreg:$0xf]  }
0x129: {  	s0 =	sor.u32 s31, s25;
	s3 =	rddreg [dreg:$0x19]  }
0x12a: {  	s2 =	sor.u32 s2, s25;
	s1 =	sadd.s32 s1, s3;
	[tilespmem:s0+$0x0] =	vst v1  }
0x12b: {  	s29 =	rddreg [dreg:$0x2];
	s30 =	simm.s32 $0xC400;
	[tilespmem:s2+$0x0] =	vst v5;
	s1 =	sshll.u32 s1, $0xB  }
0x12c: {  	s31 =	simm.s32 $0x0;
	s0 =	sadd.s32 s29, s1;
	s4 =	rddreg [dreg:$0x18]  }
0x12d: {  	[hbm4b:s0+s31] =	stream.linear.scatter [tilespmem:s30], [sflag:$0x4], $0x4000, $0x38;
	[tilespmem:$0x18400] =	vst v63  }
0x12e: {  	p0 =	seq.s32 s4, $0x33  }
0x12f: {  	p1 =	seq.s32 @!p0 s4, $0x0  }
0x130: {  	s0 =	rddreg [dreg:$0x13];
	p1 =	por p0, !p1  }
.Ltmp3:
0x131: {  	s0 =	sadd.s32 @!p0 s3, s0;
	(pc) =	sbr.rel @!p1 .LBB2_5-.Ltmp3, $4  }
0x132: {  	s1 =	rddreg [dreg:$0x1];
	s0 =	sshll.u32 @!p0 s0, $0xB  }
0x133: {  	s2 =	simm.s32 @!p0 $0x400;
	s0 =	sadd.s32 @!p0 s1, s0;
	s1 =	simm.s32 @!p0 $0x0  }
0x134: {  	[tilespmem:s2], [sflag:$0x1] =	stream.linear.gather @!p0 [hbm4b:s0+s1], $0x4000, $0x38;
	[tilespmem:$0x18400] =	vst v63  }
0x135: {  	s1 =	sadd.s32 @!p0 $0x1, s3  }
.Ltmp4:
0x136: {  	(pc) =	sbr.rel .LBB2_7-.Ltmp4, $4  }
0x137: {  	s0 =	simm.s32 $0x5  }
0x138: {  	_ =	swait.ge [sflag:s0], $0x4000  }
0x139: {  	s1 =	simm.s32 @p0 $0x9A;
	[sflag:s0] =	ssyncset.done $0x0  }
0x13a: {  	s23 =	simm.s32 $0x4400;
	[dreg:$0x1a] =	wrdreg s1;
	[sflag:s0] =	ssyncadd.s32 $0xFFFFC000  }
.LBB2_5:
0x13b: {  	[dreg:$0x1a] =	wrdreg s1;
	s23 =	simm.s32 $0x4400  }
.LBB2_7:
0x13c: {  	s3 =	simm.s32 $0x0;
	s1 =	simm.s32 $0x2  }
0x13d: {  	_ =	swait.ge [sflag:s1], $0x4000;
	s19 =	sand.u32 $0x40, s3  }
0x13e: {  	s0 =	sand.u32 $0x380, s3;
	[sflag:s1] =	ssyncset.done $0x0;
	s24 =	sor.u32 $0x30, s19  }
0x13f: {  	[sflag:s1] =	ssyncadd.s32 $0xFFFFC000;
	s2 =	sor.u32 s24, s0  }
0x140: {  	v0 =	vld [tilespmem:s2+$0x0]  }
0x141: {  	s21 =	sor.u32 $0x10, s19;
	v1 =	vld [tilespmem:s3+$0x0]  }
0x142: {  	s28 =	sor.u32 $0x20, s19;
	s4 =	sor.u32 s21, s0  }
0x143: {  	s0 =	sor.u32 s28, s0;
	v2 =	vld [tilespmem:s4+$0x0]  }
0x144: {  	v3 =	vld [tilespmem:s0+$0x0]  }
0x145: {  	v4 =	vshll.u32 v0, $0x3  }
0x146: {  	v5 =	vshll.u32 v1, $0x3;
	v0 =	vand.u32 $0x7F, v0;
	v4 =	vand.u32 $0xFFFFFC00, v4  }
0x147: {  	v1 =	vand.u32 $0x7F, v1;
	v6 =	vand.u32 $0xFFFFFC00, v5;
	v5 =	vor.u32 v0, v4  }
0x148: {  	v0 =	vor.u32 v1, v6;
	v1 =	vshll.u32 v2, $0x3  }
0x149: {  	v4 =	vshll.u32 v3, $0x3;
	v2 =	vand.u32 $0x7F, v2;
	v1 =	vand.u32 $0xFFFFFC00, v1  }
0x14a: {  	v3 =	vand.u32 $0x7F, v3;
	v6 =	vand.u32 $0xFFFFFC00, v4;
	v4 =	vor.u32 v2, v1  }
0x14b: {  	v3 =	vor.u32 v3, v6  }
0x14c: {  	v1 =	vld.idx.msk [tilespmem:v5+s23+$0x0], $0xffff  }
0x14d: {  	v2 =	vor.u32 $0x80, v5  }
0x14e: {  	s12 =	sand.u32 $0x1C00, s3;
	v6 =	vld.idx.msk [tilespmem:v0+s23+$0x0], $0xffff  }
0x14f: {  	s5 =	sadd.s32 $0x10400, s12;
	v7 =	vor.u32 $0x80, v0;
	v8 =	vld.idx.msk [tilespmem:v4+s23+$0x0], $0xffff  }
0x150: {  	s6 =	sor.u32 s24, s5;
	v9 =	vor.u32 $0x80, v4;
	v10 =	vld.idx.msk [tilespmem:v3+s23+$0x0], $0xffff  }
0x151: {  	v11 =	vor.u32 $0x80, v3;
	[tilespmem:s6+$0x0] =	vst v1  }
0x152: {  	s2 =	sor.u32 s19, s5;
	v1 =	vld.idx.msk [tilespmem:v2+s23+$0x0], $0xffff  }
0x153: {  	s4 =	sor.u32 s21, s5;
	[tilespmem:s2+$0x0] =	vst v6;
	v2 =	vor.u32 $0x100, v5  }
0x154: {  	s0 =	sor.u32 s28, s5;
	v6 =	vld.idx.msk [tilespmem:v7+s23+$0x0], $0xffff;
	[tilespmem:s4+$0x0] =	vst v8  }
0x155: {  	v7 =	vor.u32 $0x100, v0;
	[tilespmem:s0+$0x0] =	vst v10;
	v8 =	vld.idx.msk [tilespmem:v9+s23+$0x0], $0xffff  }
0x156: {  	v9 =	vor.u32 $0x100, v4;
	v10 =	vld.idx.msk [tilespmem:v11+s23+$0x0], $0xffff  }
0x157: {  	v11 =	vor.u32 $0x100, v3;
	[tilespmem:s6+$0x80] =	vst v1  }
0x158: {  	v1 =	vld.idx.msk [tilespmem:v2+s23+$0x0], $0xffff  }
0x159: {  	[tilespmem:s2+$0x80] =	vst v6;
	v2 =	vor.u32 $0x180, v5  }
0x15a: {  	v6 =	vld.idx.msk [tilespmem:v7+s23+$0x0], $0xffff;
	[tilespmem:s4+$0x80] =	vst v8  }
0x15b: {  	v7 =	vor.u32 $0x180, v0;
	[tilespmem:s0+$0x80] =	vst v10;
	v8 =	vld.idx.msk [tilespmem:v9+s23+$0x0], $0xffff  }
0x15c: {  	v9 =	vor.u32 $0x180, v4;
	v10 =	vld.idx.msk [tilespmem:v11+s23+$0x0], $0xffff  }
0x15d: {  	v11 =	vor.u32 $0x180, v3;
	[tilespmem:s6+$0x100] =	vst v1  }
0x15e: {  	v1 =	vld.idx.msk [tilespmem:v2+s23+$0x0], $0xffff  }
0x15f: {  	[tilespmem:s2+$0x100] =	vst v6;
	v2 =	vor.u32 $0x200, v5  }
0x160: {  	v6 =	vld.idx.msk [tilespmem:v7+s23+$0x0], $0xffff;
	[tilespmem:s4+$0x100] =	vst v8  }
0x161: {  	v7 =	vor.u32 $0x200, v0;
	[tilespmem:s0+$0x100] =	vst v10;
	v8 =	vld.idx.msk [tilespmem:v9+s23+$0x0], $0xffff  }
0x162: {  	v9 =	vor.u32 $0x200, v4;
	v10 =	vld.idx.msk [tilespmem:v11+s23+$0x0], $0xffff  }
0x163: {  	p2 =	por $0x0, $0x0;
	s1 =	simm.s32 $0x1;
	v11 =	vor.u32 $0x200, v3;
	[tilespmem:s6+$0x180] =	vst v1  }
0x164: {  	s1 =	simm.s32 @!p2 $0x0;
	v1 =	vld.idx.msk [tilespmem:v2+s23+$0x0], $0xffff  }
0x165: {  	s1 =	sshll.u32 s1, $0x6;
	[tilespmem:s2+$0x180] =	vst v6;
	v2 =	vor.u32 $0x280, v5  }
0x166: {  	s1 =	sadd.s32 $0x0, s1;
	v6 =	vld.idx.msk [tilespmem:v7+s23+$0x0], $0xffff;
	[tilespmem:s4+$0x180] =	vst v8  }
0x167: {  	s7 =	sadd.s32 $0x30, s1;
	v7 =	vor.u32 $0x280, v0;
	[tilespmem:s0+$0x180] =	vst v10;
	v8 =	vld.idx.msk [tilespmem:v9+s23+$0x0], $0xffff  }
0x168: {  	s8 =	sor.u32 $0x200, s7;
	v9 =	vor.u32 $0x280, v4;
	v10 =	vld.idx.msk [tilespmem:v11+s23+$0x0], $0xffff  }
0x169: {  	v11 =	vor.u32 $0x280, v3;
	[tilespmem:s8+$0x10400] =	vst v1  }
0x16a: {  	s9 =	sadd.s32 $0x10, s1;
	s10 =	sor.u32 $0x200, s1;
	v1 =	vld.idx.msk [tilespmem:v2+s23+$0x0], $0xffff  }
0x16b: {  	s5 =	sadd.s32 $0x20, s1;
	s6 =	sor.u32 $0x200, s9;
	[tilespmem:s10+$0x10400] =	vst v6;
	v2 =	vor.u32 $0x300, v5  }
0x16c: {  	s11 =	sor.u32 $0x200, s5;
	v6 =	vld.idx.msk [tilespmem:v7+s23+$0x0], $0xffff;
	[tilespmem:s6+$0x10400] =	vst v8  }
0x16d: {  	v7 =	vor.u32 $0x300, v0;
	[tilespmem:s11+$0x10400] =	vst v10;
	v8 =	vld.idx.msk [tilespmem:v9+s23+$0x0], $0xffff  }
0x16e: {  	s13 =	sor.u32 $0x280, s7;
	v9 =	vor.u32 $0x300, v4;
	v10 =	vld.idx.msk [tilespmem:v11+s23+$0x0], $0xffff  }
0x16f: {  	v11 =	vor.u32 $0x300, v3;
	[tilespmem:s13+$0x10400] =	vst v1  }
0x170: {  	s14 =	sor.u32 $0x280, s1;
	v1 =	vld.idx.msk [tilespmem:v2+s23+$0x0], $0xffff  }
0x171: {  	s15 =	sor.u32 $0x280, s9;
	[tilespmem:s14+$0x10400] =	vst v6;
	v2 =	vor.u32 $0x380, v5  }
0x172: {  	s16 =	sor.u32 $0x280, s5;
	v6 =	vld.idx.msk [tilespmem:v7+s23+$0x0], $0xffff;
	[tilespmem:s15+$0x10400] =	vst v8  }
0x173: {  	v7 =	vor.u32 $0x380, v0;
	[tilespmem:s16+$0x10400] =	vst v10;
	v8 =	vld.idx.msk [tilespmem:v9+s23+$0x0], $0xffff  }
0x174: {  	s17 =	sor.u32 $0x300, s7;
	v9 =	vor.u32 $0x380, v4;
	v10 =	vld.idx.msk [tilespmem:v11+s23+$0x0], $0xffff  }
0x175: {  	v11 =	vor.u32 $0x380, v3;
	[tilespmem:s17+$0x10400] =	vst v1  }
0x176: {  	s1 =	sor.u32 $0x300, s1;
	s13 =	simm.s32 $0x40;
	v1 =	vld.idx.msk [tilespmem:v2+s23+$0x0], $0xffff  }
0x177: {  	s18 =	sor.u32 $0x300, s9;
	[tilespmem:s1+$0x10400] =	vst v6;
	v2 =	vld [tilespmem:s13+$0x0]  }
0x178: {  	s20 =	sor.u32 $0x300, s5;
	v6 =	vadd.s32 $0x2000, v5;
	s1 =	sand.u32 $0x40, s13;
	v7 =	vld.idx.msk [tilespmem:v7+s23+$0x0], $0xffff;
	[tilespmem:s18+$0x10400] =	vst v8  }
0x179: {  	s22 =	sand.u32 $0x380, s13;
	s16 =	sor.u32 $0x30, s1;
	[tilespmem:s20+$0x10400] =	vst v10;
	v8 =	vld.idx.msk [tilespmem:v9+s23+$0x0], $0xffff  }
0x17a: {  	s17 =	sor.u32 $0x10, s1;
	s25 =	sor.u32 s16, s22;
	v9 =	vadd.s32 $0x2000, v4;
	v10 =	vld.idx.msk [tilespmem:v11+s23+$0x0], $0xffff  }
0x17b: {  	s0 =	sor.u32 $0x380, s7;
	s26 =	sor.u32 s17, s22;
	v11 =	vadd.s32 $0x2000, v3;
	v12 =	vld [tilespmem:s25+$0x0]  }
0x17c: {  	v13 =	vadd.s32 $0x2000, v0;
	s10 =	sor.u32 $0x20, s1;
	v14 =	vld [tilespmem:s26+$0x0];
	[tilespmem:s0+$0x10400] =	vst v1  }
0x17d: {  	s2 =	sor.u32 $0x380, s9;
	s4 =	sor.u32 s10, s22;
	v1 =	vshll.u32 v2, $0x3;
	v6 =	vld.idx.msk [tilespmem:v6+s23+$0x0], $0xffff  }
0x17e: {  	s7 =	sor.u32 s3, s3;
	s6 =	sor.u32 $0x380, s5;
	v15 =	vld [tilespmem:s4+$0x0];
	v2 =	vand.u32 $0x7F, v2;
	v1 =	vand.u32 $0xFFFFFC00, v1;
	[tilespmem:s2+$0x10400] =	vst v8;
	v8 =	vadd.s32 $0x2080, v5  }
0x17f: {  	s8 =	sor.u32 $0x380, s7;
	[tilespmem:s6+$0x10400] =	vst v10;
	v1 =	vor.u32 v2, v1;
	v9 =	vld.idx.msk [tilespmem:v9+s23+$0x0], $0xffff  }
0x180: {  	v16 =	vadd.s32 $0x2080, v3;
	s9 =	sadd.s32 $0x12400, s12;
	[tilespmem:s8+$0x10400] =	vst v7;
	v10 =	vadd.s32 $0x2080, v4;
	v2 =	vshll.u32 v12, $0x3;
	v11 =	vld.idx.msk [tilespmem:v11+s23+$0x0], $0xffff  }
0x181: {  	s11 =	sor.u32 s24, s9;
	v7 =	vand.u32 $0x7F, v12;
	v12 =	vld.idx.msk [tilespmem:v13+s23+$0x0], $0xffff;
	v13 =	vshll.u32 v14, $0x3;
	v2 =	vand.u32 $0xFFFFFC00, v2  }
0x182: {  	v14 =	vand.u32 $0x7F, v14;
	v2 =	vor.u32 v7, v2;
	v7 =	vand.u32 $0xFFFFFC00, v13;
	[tilespmem:s11+$0x0] =	vst v6  }
0x183: {  	s14 =	sor.u32 s21, s9;
	v18 =	vand.u32 $0x7F, v15;
	v13 =	vshll.u32 v15, $0x3;
	v15 =	vor.u32 v14, v7;
	v8 =	vld.idx.msk [tilespmem:v8+s23+$0x0], $0xffff  }
0x184: {  	s15 =	sor.u32 s28, s9;
	v17 =	vld.idx.msk [tilespmem:v1+s23+$0x0], $0xffff;
	[tilespmem:s14+$0x0] =	vst v9;
	v9 =	vadd.s32 $0x2100, v5  }
0x185: {  	v13 =	vand.u32 $0xFFFFFC00, v13;
	v6 =	vadd.s32 $0x2080, v0;
	[tilespmem:s15+$0x0] =	vst v11;
	v7 =	vld.idx.msk [tilespmem:v10+s23+$0x0], $0xffff  }
0x186: {  	s18 =	sor.u32 s19, s9;
	s20 =	sadd.s32 $0x12480, s12;
	v27 =	vor.u32 v18, v13;
	v10 =	vld.idx.msk [tilespmem:v16+s23+$0x0], $0xffff  }
0x187: {  	s22 =	sor.u32 s24, s20;
	[tilespmem:s18+$0x0] =	vst v12;
	v11 =	vadd.s32 $0x2100, v4;
	v12 =	vld.idx.msk [tilespmem:v2+s23+$0x0], $0xffff  }
0x188: {  	s7 =	simm.s32 $0x200;
	v13 =	vadd.s32 $0x2100, v3;
	v16 =	vld.idx.msk [tilespmem:v15+s23+$0x0], $0xffff;
	[tilespmem:s22+$0x0] =	vst v8  }
0x189: {  	s9 =	sand.u32 $0x1C00, s7;
	s25 =	sor.u32 s21, s20;
	v14 =	vor.u32 $0x80, v1;
	v9 =	vld.idx.msk [tilespmem:v9+s23+$0x0], $0xffff  }
0x18a: {  	s26 =	sor.u32 s28, s20;
	s3 =	sadd.s32 $0x10400, s9;
	v6 =	vld.idx.msk [tilespmem:v6+s23+$0x0], $0xffff;
	v8 =	vor.u32 $0x80, v2;
	[tilespmem:s25+$0x0] =	vst v7  }
0x18b: {  	s4 =	sor.u32 s16, s3;
	v18 =	vld.idx.msk [tilespmem:v27+s23+$0x0], $0xffff;
	[tilespmem:s26+$0x0] =	vst v10  }
0x18c: {  	s8 =	sadd.s32 $0x12500, s12;
	v7 =	vadd.s32 $0x2180, v5;
	s25 =	sor.u32 s1, s3;
	[tilespmem:s4+$0x0] =	vst v12;
	v11 =	vld.idx.msk [tilespmem:v11+s23+$0x0], $0xffff  }
0x18d: {  	v19 =	vor.u32 $0x80, v15;
	s26 =	sor.u32 s24, s8;
	v12 =	vld.idx.msk [tilespmem:v13+s23+$0x0], $0xffff;
	[tilespmem:s25+$0x0] =	vst v17  }
0x18e: {  	v10 =	vor.u32 $0x80, v27;
	v14 =	vld.idx.msk [tilespmem:v14+s23+$0x0], $0xffff;
	[tilespmem:s26+$0x0] =	vst v9  }
0x18f: {  	s2 =	sor.u32 s17, s3;
	v13 =	vadd.s32 $0x2100, v0;
	v8 =	vld.idx.msk [tilespmem:v8+s23+$0x0], $0xffff;
	[dreg:$0x6] =	wrdreg s10  }
0x190: {  	s0 =	sor.u32 s10, s3;
	v17 =	vadd.s32 $0x2180, v4;
	[tilespmem:s2+$0x0] =	vst v16  }
0x191: {  	s5 =	sor.u32 s19, s20;
	v9 =	vor.u32 $0x100, v2;
	v7 =	vld.idx.msk [tilespmem:v7+s23+$0x0], $0xffff;
	[tilespmem:s0+$0x0] =	vst v18  }
0x192: {  	s10 =	sor.u32 s21, s8;
	v16 =	vor.u32 $0x100, v1;
	[tilespmem:s5+$0x0] =	vst v6;
	v19 =	vld.idx.msk [tilespmem:v19+s23+$0x0], $0xffff  }
0x193: {  	s15 =	sor.u32 s28, s8;
	v6 =	vadd.s32 $0x2200, v5;
	[tilespmem:s10+$0x0] =	vst v11;
	v10 =	vld.idx.msk [tilespmem:v10+s23+$0x0], $0xffff  }
0x194: {  	v18 =	vor.u32 $0x100, v15;
	[tilespmem:s15+$0x0] =	vst v12;
	v13 =	vld.idx.msk [tilespmem:v13+s23+$0x0], $0xffff  }
0x195: {  	s11 =	sadd.s32 $0x12580, s12;
	v11 =	vor.u32 $0x100, v27;
	[tilespmem:s4+$0x80] =	vst v8;
	v8 =	vld.idx.msk [tilespmem:v17+s23+$0x0], $0xffff  }
0x196: {  	s14 =	sor.u32 s24, s11;
	[tilespmem:s25+$0x80] =	vst v14;
	v17 =	vadd.s32 $0x2180, v3;
	v9 =	vld.idx.msk [tilespmem:v9+s23+$0x0], $0xffff  }
0x197: {  	v14 =	vld.idx.msk [tilespmem:v16+s23+$0x0], $0xffff;
	v16 =	vadd.s32 $0x2180, v0;
	[tilespmem:s14+$0x0] =	vst v7  }
0x198: {  	v7 =	vor.u32 $0x180, v2;
	[tilespmem:s2+$0x80] =	vst v19;
	v6 =	vld.idx.msk [tilespmem:v6+s23+$0x0], $0xffff  }
0x199: {  	s8 =	sor.u32 s19, s8;
	v19 =	vor.u32 $0x180, v1;
	[tilespmem:s0+$0x80] =	vst v10;
	v18 =	vld.idx.msk [tilespmem:v18+s23+$0x0], $0xffff  }
0x19a: {  	s20 =	sor.u32 s21, s11;
	[tilespmem:s8+$0x0] =	vst v13;
	v10 =	vld.idx.msk [tilespmem:v11+s23+$0x0], $0xffff;
	v11 =	vadd.s32 $0x2280, v5  }
0x19b: {  	v12 =	vor.u32 $0x180, v15;
	v13 =	vld.idx.msk [tilespmem:v17+s23+$0x0], $0xffff;
	[tilespmem:s20+$0x0] =	vst v8  }
0x19c: {  	s5 =	sadd.s32 $0x12600, s12;
	v17 =	vor.u32 $0x180, v27;
	[tilespmem:s4+$0x100] =	vst v9;
	v9 =	vld.idx.msk [tilespmem:v16+s23+$0x0], $0xffff  }
0x19d: {  	s18 =	sor.u32 s24, s5;
	v16 =	vadd.s32 $0x2200, v4;
	[tilespmem:s25+$0x100] =	vst v14;
	v7 =	vld.idx.msk [tilespmem:v7+s23+$0x0], $0xffff  }
0x19e: {  	v14 =	vadd.s32 $0x2200, v3;
	v19 =	vld.idx.msk [tilespmem:v19+s23+$0x0], $0xffff;
	[tilespmem:s18+$0x0] =	vst v6  }
0x19f: {  	v6 =	vor.u32 $0x200, v2;
	[tilespmem:s2+$0x100] =	vst v18;
	v11 =	vld.idx.msk [tilespmem:v11+s23+$0x0], $0xffff  }
0x1a0: {  	p2 =	por !p2, !p2;
	s22 =	sor.u32 s28, s11;
	s8 =	simm.s32 $0x1;
	v18 =	vor.u32 $0x200, v1;
	[tilespmem:s0+$0x100] =	vst v10;
	v12 =	vld.idx.msk [tilespmem:v12+s23+$0x0], $0xffff  }
0x1a1: {  	v8 =	vadd.s32 $0x2300, v5;
	s8 =	simm.s32 @!p2 $0x0;
	[tilespmem:s22+$0x0] =	vst v13;
	v10 =	vld.idx.msk [tilespmem:v17+s23+$0x0], $0xffff  }
0x1a2: {  	s26 =	sshll.u32 s8, $0x6;
	s8 =	sor.u32 s19, s11;
	v17 =	vor.u32 $0x200, v15;
	v16 =	vld.idx.msk [tilespmem:v16+s23+$0x0], $0xffff;
	[tilespmem:s4+$0x180] =	vst v7  }
0x1a3: {  	s3 =	sadd.s32 $0x12680, s12;
	v13 =	vor.u32 $0x200, v27;
	v7 =	vld.idx.msk [tilespmem:v14+s23+$0x0], $0xffff;
	[tilespmem:s8+$0x0] =	vst v9  }
0x1a4: {  	v14 =	vadd.s32 $0x2200, v0;
	[tilespmem:s25+$0x180] =	vst v19;
	v6 =	vld.idx.msk [tilespmem:v6+s23+$0x0], $0xffff;
	s25 =	sor.u32 s24, s3  }
0x1a5: {  	v19 =	vadd.s32 $0x2280, v4;
	v18 =	vld.idx.msk [tilespmem:v18+s23+$0x0], $0xffff;
	[tilespmem:s25+$0x0] =	vst v11  }
0x1a6: {  	v22 =	vadd.s32 $0x2280, v3;
	s10 =	sor.u32 s7, s13;
	[tilespmem:s2+$0x180] =	vst v12;
	v8 =	vld.idx.msk [tilespmem:v8+s23+$0x0], $0xffff  }
0x1a7: {  	v11 =	vor.u32 $0x280, v2;
	[tilespmem:s0+$0x180] =	vst v10;
	s0 =	sor.u32 $0x380, s10;
	v17 =	vld.idx.msk [tilespmem:v17+s23+$0x0], $0xffff  }
0x1a8: {  	s11 =	sor.u32 s21, s5;
	s4 =	sadd.s32 $0x200, s26;
	v12 =	vor.u32 $0x280, v1;
	v10 =	vld.idx.msk [tilespmem:v13+s23+$0x0], $0xffff;
	[dreg:$0x9] =	wrdreg s0  }
0x1a9: {  	v9 =	vadd.s32 $0x2380, v5;
	s20 =	sadd.s32 $0x30, s4;
	s2 =	sor.u32 s19, s5;
	s5 =	sor.u32 s28, s5;
	v14 =	vld.idx.msk [tilespmem:v14+s23+$0x0], $0xffff;
	[tilespmem:s11+$0x0] =	vst v16  }
0x1aa: {  	v29 =	vadd.s32 $0x2280, v0;
	s14 =	simm.s32 $0x4;
	s22 =	sadd.s32 $0x12700, s12;
	s15 =	sor.u32 $0x200, s20;
	v13 =	vor.u32 $0x280, v15;
	[tilespmem:s5+$0x0] =	vst v7;
	v28 =	vld.idx.msk [tilespmem:v19+s23+$0x0], $0xffff  }
0x1ab: {  	v36 =	vor.u32 $0x300, v1;
	v34 =	vor.u32 $0x300, v2;
	v21 =	vor.u32 $0x280, v27;
	s12 =	sadd.s32 $0x12780, s12;
	s18 =	sor.u32 $0x200, s4;
	s6 =	sadd.s32 $0x10, s4;
	[tilespmem:s15+$0x10400] =	vst v6;
	v30 =	vld.idx.msk [tilespmem:v22+s23+$0x0], $0xffff  }
0x1ac: {  	v25 =	vor.u32 $0x300, v15;
	v23 =	vor.u32 $0x380, v15;
	v20 =	vadd.s32 $0x2000, v15;
	s30 =	sor.u32 $0x300, s4;
	s25 =	sor.u32 s24, s22;
	s31 =	sor.u32 $0x280, s6;
	[tilespmem:s18+$0x10400] =	vst v18;
	v18 =	vld.idx.msk [tilespmem:v11+s23+$0x0], $0xffff  }
0x1ad: {  	v26 =	vor.u32 $0x300, v27;
	v24 =	vor.u32 $0x380, v27;
	v5 =	vadd.s32 $0x2300, v4;
	s24 =	sor.u32 s24, s12;
	s11 =	sor.u32 $0x200, s6;
	s15 =	sadd.s32 $0x20, s4;
	v32 =	vld.idx.msk [tilespmem:v12+s23+$0x0], $0xffff;
	[tilespmem:s25+$0x0] =	vst v8  }
0x1ae: {  	v4 =	vadd.s32 $0x2380, v4;
	s29 =	sor.u32 $0x380, s6;
	s10 =	sor.u32 s19, s3;
	v16 =	vadd.s32 $0x2080, v15;
	v7 =	vadd.s32 $0x2280, v15;
	s26 =	sor.u32 $0x200, s15;
	[tilespmem:s11+$0x10400] =	vst v17;
	v35 =	vld.idx.msk [tilespmem:v9+s23+$0x0], $0xffff  }
0x1af: {  	s5 =	sor.u32 s21, s22;
	v6 =	vadd.s32 $0x2300, v3;
	v3 =	vadd.s32 $0x2380, v3;
	v19 =	vadd.s32 $0x2000, v27;
	s18 =	sor.u32 s21, s3;
	s3 =	sor.u32 s28, s3;
	[tilespmem:s26+$0x10400] =	vst v10;
	v31 =	vld.idx.msk [tilespmem:v13+s23+$0x0], $0xffff  }
0x1b0: {  	v22 =	vadd.s32 $0x2300, v27;
	v11 =	vadd.s32 $0x2180, v15;
	s25 =	sor.u32 s19, s12;
	v12 =	vadd.s32 $0x2180, v27;
	s11 =	sor.u32 s19, s22;
	s19 =	sor.u32 $0x280, s20;
	v33 =	vld.idx.msk [tilespmem:v21+s23+$0x0], $0xffff;
	[tilespmem:s2+$0x0] =	vst v14  }
0x1b1: {  	s8 =	sor.u32 $0x280, s15;
	s0 =	sor.u32 $0x300, s15;
	v8 =	vadd.s32 $0x2280, v27;
	s26 =	sor.u32 $0x280, s4;
	v17 =	vadd.s32 $0x2080, v27;
	v9 =	vadd.s32 $0x2200, v15;
	v29 =	vld.idx.msk [tilespmem:v29+s23+$0x0], $0xffff;
	[tilespmem:s19+$0x10400] =	vst v18  }
0x1b2: {  	s22 =	sor.u32 s28, s22;
	s4 =	sor.u32 s21, s12;
	v10 =	vadd.s32 $0x2200, v27;
	v13 =	vadd.s32 $0x2100, v15;
	v14 =	vadd.s32 $0x2100, v27;
	s2 =	sor.u32 $0x300, s6;
	[tilespmem:s26+$0x10400] =	vst v32;
	v32 =	vld.idx.msk [tilespmem:v34+s23+$0x0], $0xffff  }
0x1b3: {  	v21 =	vadd.s32 $0x2300, v15;
	s6 =	sor.u32 $0x380, s15;
	v18 =	vadd.s32 $0x2380, v15;
	v15 =	vadd.s32 $0x2380, v27;
	s19 =	simm.s32 $0x80;
	s26 =	sor.u32 s28, s12;
	[tilespmem:s24+$0x0] =	vst v35;
	v27 =	vld.idx.msk [tilespmem:v36+s23+$0x0], $0xffff  }
.LBB2_8:
0x1b4: {  	v35 =	vor.u32 $0x380, v1;
	_ =	sdelay $0x1  }
0x1b5: {  	v34 =	vld [tilespmem:s19+$0x0];
	[tilespmem:s8+$0x10400] =	vst v33  }
0x1b6: {  	v56 =	vadd.s32 $0x2300, v0;
	v26 =	vld.idx.msk [tilespmem:v26+s23+$0x0], $0xffff;
	[tilespmem:s31+$0x10400] =	vst v31  }
0x1b7: {  	[tilespmem:s30+$0x10400] =	vst v27;
	v25 =	vld.idx.msk [tilespmem:v25+s23+$0x0], $0xffff  }
0x1b8: {  	v31 =	vor.u32 $0x380, v2;
	[tilespmem:s18+$0x0] =	vst v28;
	v27 =	vld.idx.msk [tilespmem:v35+s23+$0x0], $0xffff  }
0x1b9: {  	[tilespmem:s3+$0x0] =	vst v30;
	v28 =	vld.idx.msk [tilespmem:v5+s23+$0x0], $0xffff  }
0x1ba: {  	[tilespmem:s10+$0x0] =	vst v29;
	v5 =	vmov v21;
	v21 =	vld.idx.msk [tilespmem:v6+s23+$0x0], $0xffff  }
0x1bb: {  	s24 =	smov.u32 s16;
	s16 =	sor.u32 $0x300, s20;
	v29 =	vld.idx.msk [tilespmem:v56+s23+$0x0], $0xffff;
	[tilespmem:s0+$0x10400] =	vst v26  }
0x1bc: {  	[tilespmem:s16+$0x10400] =	vst v32;
	v24 =	vld.idx.msk [tilespmem:v24+s23+$0x0], $0xffff  }
0x1bd: {  	s12 =	rddreg [dreg:$0x6];
	s13 =	sadd.s32 $0x40, s13;
	v6 =	vmov v22;
	v22 =	vld.idx.msk [tilespmem:v31+s23+$0x0], $0xffff;
	[tilespmem:s2+$0x10400] =	vst v25  }
0x1be: {  	s28 =	smov.u32 s17;
	s21 =	smov.u32 s12;
	s12 =	sand.u32 $0x40, s13;
	v23 =	vld.idx.msk [tilespmem:v23+s23+$0x0], $0xffff;
	[tilespmem:s5+$0x0] =	vst v28  }
0x1bf: {  	s17 =	sand.u32 $0x380, s13;
	s15 =	sor.u32 $0x30, s12;
	v25 =	vadd.s32 $0x2000, v2;
	[tilespmem:s22+$0x0] =	vst v21;
	s5 =	rddreg [dreg:$0x9]  }
0x1c0: {  	s8 =	sor.u32 $0x20, s12;
	s18 =	sor.u32 s15, s17;
	v26 =	vld.idx.msk [tilespmem:v4+s23+$0x0], $0xffff;
	[tilespmem:s5+$0x10400] =	vst v27  }
0x1c1: {  	s0 =	sor.u32 s8, s17;
	v21 =	vadd.s32 $0x2000, v1;
	v4 =	vmov v18;
	v18 =	vld [tilespmem:s18+$0x0];
	[tilespmem:s11+$0x0] =	vst v29  }
0x1c2: {  	s20 =	sor.u32 $0x380, s20;
	v27 =	vshll.u32 v34, $0x3;
	v29 =	vld [tilespmem:s0+$0x0];
	[tilespmem:s6+$0x10400] =	vst v24  }
0x1c3: {  	s10 =	sor.u32 $0x10, s12;
	v28 =	vand.u32 $0x7F, v34;
	v27 =	vand.u32 $0xFFFFFC00, v27;
	v24 =	vadd.s32 $0x2380, v0;
	[tilespmem:s20+$0x10400] =	vst v22;
	v19 =	vld.idx.msk [tilespmem:v19+s23+$0x0], $0xffff  }
0x1c4: {  	s22 =	sor.u32 s10, s17;
	v0 =	vmov v1;
	v1 =	vor.u32 v28, v27;
	v22 =	vld.idx.msk [tilespmem:v25+s23+$0x0], $0xffff  }
0x1c5: {  	v25 =	vld [tilespmem:s22+$0x0]  }
0x1c6: {  	[tilespmem:s29+$0x10400] =	vst v23;
	v23 =	vadd.s32 $0x2080, v2;
	v21 =	vld.idx.msk [tilespmem:v21+s23+$0x0], $0xffff  }
0x1c7: {  	s6 =	sadd.s32 $0x12400, s9;
	v20 =	vld.idx.msk [tilespmem:v20+s23+$0x0], $0xffff  }
0x1c8: {  	v57 =	vadd.s32 $0x2080, v0;
	s17 =	sor.u32 s24, s6;
	[tilespmem:s4+$0x0] =	vst v26;
	v26 =	vshll.u32 v18, $0x3;
	v58 =	vld.idx.msk [tilespmem:v24+s23+$0x0], $0xffff  }
0x1c9: {  	s0 =	sor.u32 s21, s6;
	v18 =	vand.u32 $0x7F, v18;
	v26 =	vand.u32 $0xFFFFFC00, v26;
	v38 =	vld.idx.msk [tilespmem:v1+s23+$0x0], $0xffff;
	[tilespmem:s17+$0x0] =	vst v22  }
0x1ca: {  	s11 =	sor.u32 s1, s6;
	v28 =	vor.u32 v18, v26;
	v27 =	vshll.u32 v25, $0x3;
	v22 =	vld.idx.msk [tilespmem:v3+s23+$0x0], $0xffff;
	[tilespmem:s0+$0x0] =	vst v19  }
0x1cb: {  	s7 =	sadd.s32 $0x200, s7;
	s16 =	sor.u32 s28, s6;
	v37 =	vor.u32 $0x80, v1;
	v3 =	vmov v15;
	v15 =	vand.u32 $0xFFFFFC00, v27;
	v18 =	vld.idx.msk [tilespmem:v23+s23+$0x0], $0xffff;
	[tilespmem:s11+$0x0] =	vst v21  }
0x1cc: {  	s4 =	sand.u32 $0x1C00, s7;
	v27 =	vshll.u32 v29, $0x3;
	v23 =	vand.u32 $0x7F, v25;
	v21 =	vld.idx.msk [tilespmem:v17+s23+$0x0], $0xffff;
	[tilespmem:s16+$0x0] =	vst v20;
	v20 =	vadd.s32 $0x2100, v2  }
0x1cd: {  	v25 =	vand.u32 $0x7F, v29;
	s11 =	sadd.s32 $0x10400, s4;
	v26 =	vand.u32 $0xFFFFFC00, v27;
	v15 =	vor.u32 v23, v15;
	v46 =	vld.idx.msk [tilespmem:v57+s23+$0x0], $0xffff  }
0x1ce: {  	s18 =	sadd.s32 $0x12480, s9;
	s3 =	sor.u32 s12, s11;
	v39 =	vor.u32 v25, v26;
	v43 =	vld.idx.msk [tilespmem:v16+s23+$0x0], $0xffff;
	[tilespmem:s25+$0x0] =	vst v58  }
0x1cf: {  	s5 =	sor.u32 s24, s18;
	v36 =	vadd.s32 $0x2100, v0;
	v45 =	vld.idx.msk [tilespmem:v28+s23+$0x0], $0xffff;
	[tilespmem:s3+$0x0] =	vst v38  }
0x1d0: {  	v37 =	vld.idx.msk [tilespmem:v37+s23+$0x0], $0xffff;
	[tilespmem:s5+$0x0] =	vst v18  }
0x1d1: {  	v18 =	vor.u32 $0x80, v28;
	v47 =	vld.idx.msk [tilespmem:v20+s23+$0x0], $0xffff  }
0x1d2: {  	s20 =	sor.u32 s1, s18;
	s6 =	sor.u32 s7, s13;
	[tilespmem:s26+$0x0] =	vst v22;
	v48 =	vld.idx.msk [tilespmem:v15+s23+$0x0], $0xffff  }
0x1d3: {  	v59 =	vadd.s32 $0x2180, v2;
	[dreg:$0xe] =	wrdreg s10;
	s22 =	sor.u32 s28, s18;
	s5 =	sor.u32 $0x380, s6;
	[tilespmem:s20+$0x0] =	vst v46;
	v49 =	vld.idx.msk [tilespmem:v39+s23+$0x0], $0xffff  }
0x1d4: {  	v40 =	vor.u32 $0x80, v15;
	[dreg:$0x9] =	wrdreg s5;
	s5 =	sor.u32 s10, s11;
	s10 =	sor.u32 s15, s11;
	[tilespmem:s22+$0x0] =	vst v43;
	v36 =	vld.idx.msk [tilespmem:v36+s23+$0x0], $0xffff  }
0x1d5: {  	[dreg:$0xb] =	wrdreg s15;
	s2 =	sor.u32 s21, s18;
	v42 =	vor.u32 $0x80, v39;
	s15 =	sadd.s32 $0x12500, s9;
	v52 =	vld.idx.msk [tilespmem:v13+s23+$0x0], $0xffff;
	[tilespmem:s10+$0x0] =	vst v45  }
0x1d6: {  	[tilespmem:s2+$0x0] =	vst v21;
	s18 =	sor.u32 s24, s15;
	v62 =	vld.idx.msk [tilespmem:v18+s23+$0x0], $0xffff  }
0x1d7: {  	v63 =	vor.u32 $0x100, v28;
	v61 =	vld.idx.msk [tilespmem:v14+s23+$0x0], $0xffff;
	[tilespmem:s18+$0x0] =	vst v47  }
0x1d8: {  	s6 =	sor.u32 s8, s11;
	[tilespmem:s5+$0x0] =	vst v48;
	v48 =	vor.u32 $0x100, v1;
	v43 =	vld.idx.msk [tilespmem:v59+s23+$0x0], $0xffff  }
0x1d9: {  	v57 =	vadd.s32 $0x2180, v0;
	s17 =	sor.u32 s28, s15;
	v40 =	vld.idx.msk [tilespmem:v40+s23+$0x0], $0xffff;
	[tilespmem:s6+$0x0] =	vst v49  }
0x1da: {  	v49 =	vadd.s32 $0x2200, v2;
	v42 =	vld.idx.msk [tilespmem:v42+s23+$0x0], $0xffff;
	[tilespmem:s17+$0x0] =	vst v52  }
0x1db: {  	v41 =	vor.u32 $0x100, v15;
	v52 =	vld.idx.msk [tilespmem:v11+s23+$0x0], $0xffff;
	[tilespmem:s10+$0x80] =	vst v62  }
0x1dc: {  	v44 =	vor.u32 $0x100, v39;
	s20 =	sadd.s32 $0x12580, s9;
	s16 =	sor.u32 s1, s15;
	[tilespmem:s3+$0x80] =	vst v37;
	v55 =	vld.idx.msk [tilespmem:v63+s23+$0x0], $0xffff  }
0x1dd: {  	s25 =	sor.u32 s24, s20;
	v56 =	vld.idx.msk [tilespmem:v48+s23+$0x0], $0xffff;
	[tilespmem:s16+$0x0] =	vst v36  }
0x1de: {  	v58 =	vor.u32 $0x180, v28;
	[tilespmem:s25+$0x0] =	vst v43;
	v62 =	vld.idx.msk [tilespmem:v57+s23+$0x0], $0xffff  }
0x1df: {  	v60 =	vadd.s32 $0x2100, v39;
	v59 =	vor.u32 $0x180, v1;
	[tilespmem:s5+$0x80] =	vst v40;
	v43 =	vld.idx.msk [tilespmem:v49+s23+$0x0], $0xffff  }
0x1e0: {  	s2 =	sor.u32 s21, s15;
	v14 =	vmov v60;
	v60 =	vadd.s32 $0x2280, v2;
	v41 =	vld.idx.msk [tilespmem:v41+s23+$0x0], $0xffff;
	[tilespmem:s6+$0x80] =	vst v42  }
0x1e1: {  	v35 =	vor.u32 $0x180, v15;
	v31 =	vor.u32 $0x200, v15;
	v42 =	vld.idx.msk [tilespmem:v44+s23+$0x0], $0xffff;
	[tilespmem:s2+$0x0] =	vst v61  }
0x1e2: {  	v27 =	vor.u32 $0x280, v15;
	v25 =	vor.u32 $0x300, v15;
	v34 =	vor.u32 $0x180, v39;
	s26 =	sadd.s32 $0x12600, s9;
	v61 =	vld.idx.msk [tilespmem:v12+s23+$0x0], $0xffff;
	[tilespmem:s10+$0x100] =	vst v55  }
0x1e3: {  	v23 =	vor.u32 $0x380, v15;
	v16 =	vadd.s32 $0x2080, v15;
	v50 =	vadd.s32 $0x2180, v15;
	s16 =	sor.u32 s24, s26;
	[tilespmem:s3+$0x100] =	vst v56;
	v63 =	vld.idx.msk [tilespmem:v58+s23+$0x0], $0xffff  }
0x1e4: {  	v53 =	vadd.s32 $0x2200, v15;
	v33 =	vadd.s32 $0x2280, v15;
	v30 =	vor.u32 $0x200, v39;
	v48 =	vld.idx.msk [tilespmem:v59+s23+$0x0], $0xffff;
	[tilespmem:s16+$0x0] =	vst v43  }
0x1e5: {  	v29 =	vor.u32 $0x280, v39;
	v26 =	vor.u32 $0x300, v39;
	v49 =	vor.u32 $0x200, v28;
	[tilespmem:s5+$0x100] =	vst v41;
	v43 =	vld.idx.msk [tilespmem:v60+s23+$0x0], $0xffff  }
0x1e6: {  	v24 =	vor.u32 $0x380, v39;
	v19 =	vadd.s32 $0x2000, v39;
	s22 =	sor.u32 s28, s20;
	v11 =	vmovc v50;
	v50 =	vor.u32 $0x200, v1;
	v35 =	vld.idx.msk [tilespmem:v35+s23+$0x0], $0xffff;
	[tilespmem:s6+$0x100] =	vst v42  }
0x1e7: {  	v17 =	vadd.s32 $0x2080, v39;
	v51 =	vadd.s32 $0x2180, v39;
	s11 =	sor.u32 s21, s20;
	v55 =	vadd.s32 $0x2200, v0;
	[tilespmem:s22+$0x0] =	vst v52;
	v34 =	vld.idx.msk [tilespmem:v34+s23+$0x0], $0xffff  }
0x1e8: {  	s14 =	sadd.s32 $0x4, s14;
	p2 =	por !p2, !p2;
	v54 =	vadd.s32 $0x2200, v39;
	v32 =	vadd.s32 $0x2280, v39;
	v12 =	vmovc v51;
	v51 =	vadd.s32 $0x2300, v2;
	v52 =	vld.idx.msk [tilespmem:v9+s23+$0x0], $0xffff;
	[tilespmem:s11+$0x0] =	vst v61  }
0x1e9: {  	p3 =	slt.u32 s14, $0x3C;
	[dreg:$0x6] =	wrdreg s8;
	v22 =	vadd.s32 $0x2100, v15;
	v20 =	vadd.s32 $0x2000, v15;
	v21 =	vadd.s32 $0x2300, v15;
	s15 =	simm.s32 $0x1;
	v36 =	vld.idx.msk [tilespmem:v10+s23+$0x0], $0xffff;
	[tilespmem:s10+$0x180] =	vst v63  }
0x1ea: {  	s0 =	sor.u32 s1, s20;
	v13 =	vmovc v22;
	v22 =	vadd.s32 $0x2300, v39;
	s15 =	simm.s32 @!p2 $0x0;
	v18 =	vadd.s32 $0x2380, v15;
	v15 =	vadd.s32 $0x2380, v39;
	s17 =	sadd.s32 $0x12680, s9;
	[tilespmem:s3+$0x180] =	vst v48;
	v39 =	vld.idx.msk [tilespmem:v49+s23+$0x0], $0xffff  }
0x1eb: {  	s20 =	sor.u32 s24, s17;
	s18 =	sor.u32 s28, s17;
	s25 =	sor.u32 s1, s26;
	v56 =	vld.idx.msk [tilespmem:v50+s23+$0x0], $0xffff;
	[tilespmem:s0+$0x0] =	vst v62  }
0x1ec: {  	v57 =	vor.u32 $0x280, v28;
	s2 =	sor.u32 s28, s26;
	s22 =	sshll.u32 s15, $0x6;
	s10 =	sor.u32 s1, s17;
	[tilespmem:s20+$0x0] =	vst v43;
	v37 =	vld.idx.msk [tilespmem:v55+s23+$0x0], $0xffff  }
0x1ed: {  	v58 =	vor.u32 $0x280, v1;
	s3 =	sor.u32 s21, s17;
	s17 =	simm.s32 $0x4400;
	[tilespmem:s5+$0x180] =	vst v35;
	s5 =	sadd.s32 s22, s7;
	v38 =	vld.idx.msk [tilespmem:v51+s23+$0x0], $0xffff  }
0x1ee: {  	v59 =	vadd.s32 $0x2380, v2;
	v31 =	vld.idx.msk [tilespmem:v31+s23+$0x0], $0xffff;
	[tilespmem:s6+$0x180] =	vst v34;
	s6 =	sadd.s32 $0x10, s5;
	s11 =	sadd.s32 $0x20, s5;
	s20 =	sadd.s32 $0x30, s5  }
0x1ef: {  	[tilespmem:s2+$0x0] =	vst v52;
	s16 =	sor.u32 $0x200, s5;
	s30 =	sor.u32 $0x300, s5;
	v30 =	vld.idx.msk [tilespmem:v30+s23+$0x0], $0xffff;
	s8 =	sor.u32 $0x200, s20  }
0x1f0: {  	v2 =	vmov v28;
	s15 =	sor.u32 $0x200, s6;
	s22 =	sor.u32 $0x200, s11;
	s23 =	sadd.s32 $0x12700, s9;
	v28 =	vld.idx.msk [tilespmem:v7+s17+$0x0], $0xffff;
	[tilespmem:s8+$0x10400] =	vst v39  }
0x1f1: {  	v61 =	vadd.s32 $0x2280, v0;
	s31 =	sor.u32 $0x280, s6;
	s2 =	sor.u32 $0x300, s6;
	s29 =	sor.u32 s24, s23;
	[tilespmem:s16+$0x10400] =	vst v56;
	v35 =	vld.idx.msk [tilespmem:v57+s17+$0x0], $0xffff  }
0x1f2: {  	s0 =	sor.u32 $0x300, s11;
	s16 =	sor.u32 $0x280, s5;
	s8 =	sor.u32 $0x280, s11;
	v60 =	vld.idx.msk [tilespmem:v58+s17+$0x0], $0xffff;
	[tilespmem:s29+$0x0] =	vst v38  }
0x1f3: {  	v62 =	vor.u32 $0x300, v2;
	s5 =	sor.u32 s28, s23;
	[tilespmem:s15+$0x10400] =	vst v31;
	s29 =	sor.u32 $0x380, s6;
	s6 =	sor.u32 $0x380, s11;
	v34 =	vld.idx.msk [tilespmem:v59+s17+$0x0], $0xffff  }
0x1f4: {  	v63 =	vor.u32 $0x300, v1;
	s11 =	sor.u32 s1, s23;
	v31 =	vld.idx.msk [tilespmem:v27+s17+$0x0], $0xffff;
	[tilespmem:s22+$0x10400] =	vst v30;
	s22 =	sor.u32 s21, s23;
	s23 =	simm.s32 $0x4400  }
.Ltmp5:
0x1f5: {  	s26 =	sor.u32 s21, s26;
	v7 =	vmov v33;
	[tilespmem:s25+$0x0] =	vst v37;
	v33 =	vld.idx.msk [tilespmem:v29+s23+$0x0], $0xffff;
	(pc) =	sbr.rel @p3 .LBB2_8-.Ltmp5, $4  }
0x1f6: {  	s19 =	sadd.s32 $0x40, s19;
	[tilespmem:s26+$0x0] =	vst v36;
	s26 =	sor.u32 $0x280, s20;
	v29 =	vld.idx.msk [tilespmem:v61+s23+$0x0], $0xffff  }
0x1f7: {  	s17 =	rddreg [dreg:$0xe];
	v30 =	vld.idx.msk [tilespmem:v8+s23+$0x0], $0xffff;
	[tilespmem:s26+$0x10400] =	vst v35;
	s26 =	sadd.s32 $0x12780, s9;
	s9 =	smov.u32 s4  }
0x1f8: {  	v8 =	vmov v32;
	[tilespmem:s16+$0x10400] =	vst v60;
	s16 =	rddreg [dreg:$0xb];
	v32 =	vld.idx.msk [tilespmem:v62+s23+$0x0], $0xffff;
	s4 =	sor.u32 s28, s26;
	s28 =	sor.u32 s24, s26  }
0x1f9: {  	v9 =	vmov v53;
	v10 =	vmov v54;
	s25 =	sor.u32 s1, s26;
	v27 =	vld.idx.msk [tilespmem:v63+s23+$0x0], $0xffff;
	s26 =	sor.u32 s21, s26;
	s1 =	smov.u32 s12;
	[tilespmem:s28+$0x0] =	vst v34  }
0x1fa: {  	_ =	sdelay $0x2  }
0x1fb: {  	[tilespmem:s31+$0x10400] =	vst v31  }
0x1fc: {  	v58 =	vor.u32 $0x380, v2;
	[tilespmem:s8+$0x10400] =	vst v33;
	v25 =	vld.idx.msk [tilespmem:v25+s23+$0x0], $0xffff  }
0x1fd: {  	v26 =	vld.idx.msk [tilespmem:v26+s23+$0x0], $0xffff;
	_ =	sdelay $0x1  }
0x1fe: {  	s7 =	sor.u32 $0x300, s20  }
0x1ff: {  	v59 =	vor.u32 $0x380, v1;
	[tilespmem:s7+$0x10400] =	vst v32  }
0x200: {  	v60 =	vld.idx.msk [tilespmem:v58+s23+$0x0], $0xffff;
	[tilespmem:s2+$0x10400] =	vst v25  }
0x201: {  	v61 =	vadd.s32 $0x2000, v2;
	[tilespmem:s0+$0x10400] =	vst v26;
	v23 =	vld.idx.msk [tilespmem:v23+s23+$0x0], $0xffff  }
0x202: {  	v24 =	vld.idx.msk [tilespmem:v24+s23+$0x0], $0xffff  }
0x203: {  	[tilespmem:s30+$0x10400] =	vst v27  }
0x204: {  	s30 =	sor.u32 $0x380, s20;
	v27 =	vld.idx.msk [tilespmem:v59+s23+$0x0], $0xffff  }
0x205: {  	v62 =	vadd.s32 $0x2000, v1;
	[tilespmem:s30+$0x10400] =	vst v60  }
0x206: {  	v63 =	vld.idx.msk [tilespmem:v61+s23+$0x0], $0xffff;
	[tilespmem:s29+$0x10400] =	vst v23  }
0x207: {  	v32 =	vadd.s32 $0x2080, v2;
	[tilespmem:s6+$0x10400] =	vst v24;
	v20 =	vld.idx.msk [tilespmem:v20+s23+$0x0], $0xffff  }
0x208: {  	s0 =	rddreg [dreg:$0x9]  }
0x209: {  	s31 =	sadd.s32 $0x12400, s9;
	[tilespmem:s0+$0x10400] =	vst v27  }
0x20a: {  	s6 =	sor.u32 s16, s31;
	v33 =	vld.idx.msk [tilespmem:v62+s23+$0x0], $0xffff  }
0x20b: {  	v34 =	vadd.s32 $0x2080, v1;
	s7 =	sor.u32 s17, s31;
	v19 =	vld.idx.msk [tilespmem:v19+s23+$0x0], $0xffff;
	[tilespmem:s6+$0x0] =	vst v63  }
0x20c: {  	v35 =	vld.idx.msk [tilespmem:v32+s23+$0x0], $0xffff;
	[tilespmem:s7+$0x0] =	vst v20  }
0x20d: {  	v36 =	vadd.s32 $0x2100, v2;
	v16 =	vld.idx.msk [tilespmem:v16+s23+$0x0], $0xffff  }
0x20e: {  	s0 =	sor.u32 s1, s31;
	s6 =	rddreg [dreg:$0x6]  }
0x20f: {  	s12 =	sadd.s32 $0x12480, s9;
	s8 =	sor.u32 s6, s31;
	[tilespmem:s0+$0x0] =	vst v33  }
0x210: {  	s13 =	sor.u32 s16, s12;
	[tilespmem:s8+$0x0] =	vst v19;
	v37 =	vld.idx.msk [tilespmem:v34+s23+$0x0], $0xffff  }
0x211: {  	v38 =	vadd.s32 $0x2100, v1;
	s14 =	sor.u32 s17, s12;
	v17 =	vld.idx.msk [tilespmem:v17+s23+$0x0], $0xffff;
	[tilespmem:s13+$0x0] =	vst v35  }
0x212: {  	v39 =	vld.idx.msk [tilespmem:v36+s23+$0x0], $0xffff;
	[tilespmem:s14+$0x0] =	vst v16  }
0x213: {  	v40 =	vadd.s32 $0x2180, v2;
	v13 =	vld.idx.msk [tilespmem:v13+s23+$0x0], $0xffff  }
0x214: {  	s0 =	sor.u32 s1, s12  }
0x215: {  	s19 =	sadd.s32 $0x12500, s9;
	s15 =	sor.u32 s6, s12;
	[tilespmem:s0+$0x0] =	vst v37  }
0x216: {  	s20 =	sor.u32 s16, s19;
	[tilespmem:s15+$0x0] =	vst v17;
	v41 =	vld.idx.msk [tilespmem:v38+s23+$0x0], $0xffff  }
0x217: {  	v42 =	vadd.s32 $0x2180, v1;
	s21 =	sor.u32 s17, s19;
	v14 =	vld.idx.msk [tilespmem:v14+s23+$0x0], $0xffff;
	[tilespmem:s20+$0x0] =	vst v39  }
0x218: {  	v43 =	vld.idx.msk [tilespmem:v40+s23+$0x0], $0xffff;
	[tilespmem:s21+$0x0] =	vst v13  }
0x219: {  	v44 =	vadd.s32 $0x2200, v2;
	v11 =	vld.idx.msk [tilespmem:v11+s23+$0x0], $0xffff  }
0x21a: {  	[tilespmem:s18+$0x0] =	vst v28;
	s0 =	sor.u32 s1, s19  }
0x21b: {  	s28 =	sadd.s32 $0x12580, s9;
	s24 =	sor.u32 s6, s19;
	[tilespmem:s0+$0x0] =	vst v41  }
0x21c: {  	s29 =	sor.u32 s16, s28;
	[tilespmem:s24+$0x0] =	vst v14;
	v45 =	vld.idx.msk [tilespmem:v42+s23+$0x0], $0xffff  }
0x21d: {  	v46 =	vadd.s32 $0x2200, v1;
	s30 =	sor.u32 s17, s28;
	v12 =	vld.idx.msk [tilespmem:v12+s23+$0x0], $0xffff;
	[tilespmem:s29+$0x0] =	vst v43  }
0x21e: {  	v47 =	vld.idx.msk [tilespmem:v44+s23+$0x0], $0xffff;
	[tilespmem:s30+$0x0] =	vst v11  }
0x21f: {  	v48 =	vadd.s32 $0x2280, v2;
	[tilespmem:s3+$0x0] =	vst v30;
	v9 =	vld.idx.msk [tilespmem:v9+s23+$0x0], $0xffff  }
0x220: {  	[tilespmem:s10+$0x0] =	vst v29;
	v5 =	vld.idx.msk [tilespmem:v5+s23+$0x0], $0xffff;
	s0 =	sor.u32 s1, s28  }
0x221: {  	v51 =	vadd.s32 $0x2300, v0;
	s3 =	sadd.s32 $0x12600, s9;
	s31 =	sor.u32 s6, s28;
	v6 =	vld.idx.msk [tilespmem:v6+s23+$0x0], $0xffff;
	[tilespmem:s0+$0x0] =	vst v45  }
0x222: {  	s7 =	sor.u32 s16, s3;
	[tilespmem:s31+$0x0] =	vst v12;
	v49 =	vld.idx.msk [tilespmem:v46+s23+$0x0], $0xffff  }
0x223: {  	v50 =	vadd.s32 $0x2280, v1;
	s8 =	sor.u32 s17, s3;
	v10 =	vld.idx.msk [tilespmem:v10+s23+$0x0], $0xffff;
	[tilespmem:s7+$0x0] =	vst v47  }
0x224: {  	v52 =	vld.idx.msk [tilespmem:v48+s23+$0x0], $0xffff;
	[tilespmem:s8+$0x0] =	vst v9  }
0x225: {  	v53 =	vadd.s32 $0x2300, v2;
	[tilespmem:s5+$0x0] =	vst v5;
	v7 =	vld.idx.msk [tilespmem:v7+s23+$0x0], $0xffff  }
0x226: {  	v55 =	vld.idx.msk [tilespmem:v51+s23+$0x0], $0xffff;
	[tilespmem:s22+$0x0] =	vst v6;
	s0 =	sor.u32 s1, s3  }
0x227: {  	s10 =	sor.u32 s6, s3;
	s12 =	sadd.s32 $0x12680, s9;
	v4 =	vld.idx.msk [tilespmem:v4+s23+$0x0], $0xffff;
	[tilespmem:s0+$0x0] =	vst v49  }
0x228: {  	v57 =	vadd.s32 $0x2380, v0;
	s13 =	sor.u32 s16, s12;
	[tilespmem:s10+$0x0] =	vst v10;
	v54 =	vld.idx.msk [tilespmem:v50+s23+$0x0], $0xffff  }
0x229: {  	v56 =	vadd.s32 $0x2300, v1;
	s14 =	sor.u32 s17, s12;
	v8 =	vld.idx.msk [tilespmem:v8+s23+$0x0], $0xffff;
	[tilespmem:s13+$0x0] =	vst v52  }
0x22a: {  	v58 =	vld.idx.msk [tilespmem:v53+s23+$0x0], $0xffff;
	[tilespmem:s14+$0x0] =	vst v7  }
0x22b: {  	v59 =	vadd.s32 $0x2380, v2;
	[tilespmem:s11+$0x0] =	vst v55;
	v60 =	vld.idx.msk [tilespmem:v21+s23+$0x0], $0xffff  }
0x22c: {  	v3 =	vld.idx.msk [tilespmem:v3+s23+$0x0], $0xffff;
	[tilespmem:s4+$0x0] =	vst v4;
	s0 =	sor.u32 s1, s12  }
0x22d: {  	s18 =	sadd.s32 $0x12700, s9;
	v0 =	vld.idx.msk [tilespmem:v57+s23+$0x0], $0xffff;
	s15 =	sor.u32 s6, s12;
	[tilespmem:s0+$0x0] =	vst v54  }
0x22e: {  	s19 =	sor.u32 s16, s18;
	[tilespmem:s15+$0x0] =	vst v8;
	v6 =	vld.idx.msk [tilespmem:v56+s23+$0x0], $0xffff  }
0x22f: {  	v62 =	vadd.s32 $0x2380, v1;
	s20 =	sor.u32 s17, s18;
	v61 =	vld.idx.msk [tilespmem:v22+s23+$0x0], $0xffff;
	[tilespmem:s19+$0x0] =	vst v58  }
0x230: {  	v2 =	vld.idx.msk [tilespmem:v59+s23+$0x0], $0xffff;
	[tilespmem:s20+$0x0] =	vst v60  }
0x231: {  	[tilespmem:s26+$0x0] =	vst v3;
	v63 =	vld.idx.msk [tilespmem:v18+s23+$0x0], $0xffff  }
0x232: {  	[tilespmem:s25+$0x0] =	vst v0;
	s0 =	sor.u32 s1, s18  }
0x233: {  	s22 =	sadd.s32 $0x12780, s9;
	s21 =	sor.u32 s6, s18;
	[tilespmem:s0+$0x0] =	vst v6  }
0x234: {  	s24 =	sor.u32 s16, s22;
	[tilespmem:s21+$0x0] =	vst v61;
	v1 =	vld.idx.msk [tilespmem:v62+s23+$0x0], $0xffff  }
0x235: {  	s25 =	sor.u32 s17, s22;
	v5 =	vld.idx.msk [tilespmem:v15+s23+$0x0], $0xffff;
	[tilespmem:s24+$0x0] =	vst v2  }
0x236: {  	[tilespmem:s25+$0x0] =	vst v63  }
0x237: {  	s3 =	rddreg [dreg:$0xf]  }
0x238: {  	s0 =	sor.u32 s1, s22;
	s4 =	rddreg [dreg:$0x1a]  }
0x239: {  	s26 =	sor.u32 s6, s22;
	s3 =	sadd.s32 s3, s4;
	[tilespmem:s0+$0x0] =	vst v1  }
0x23a: {  	s29 =	rddreg [dreg:$0x2];
	s30 =	simm.s32 $0x0;
	[tilespmem:s26+$0x0] =	vst v5;
	s28 =	sshll.u32 s3, $0xB  }
0x23b: {  	s31 =	simm.s32 $0x10400;
	s0 =	sadd.s32 s29, s28;
	s3 =	rddreg [dreg:$0x19]  }
0x23c: {  	[hbm4b:s0+s30] =	stream.linear.scatter [tilespmem:s31], [sflag:$0x5], $0x4000, $0x38;
	[tilespmem:$0x18400] =	vst v63  }
0x23d: {  	s0 =	rddreg [dreg:$0x14]  }
.Ltmp6:
0x23e: {  	s0 =	sadd.s32 @!p0 s3, s0;
	(pc) =	sbr.rel @!p1 .LBB2_10-.Ltmp6, $4  }
0x23f: {  	s1 =	rddreg [dreg:$0x1];
	s0 =	sshll.u32 @!p0 s0, $0xB  }
0x240: {  	s2 =	simm.s32 @!p0 $0x4400;
	s0 =	sadd.s32 @!p0 s1, s0;
	s1 =	simm.s32 @!p0 $0x0  }
0x241: {  	[tilespmem:s2], [sflag:$0x2] =	stream.linear.gather @!p0 [hbm4b:s0+s1], $0x4000, $0x38;
	[tilespmem:$0x18400] =	vst v63  }
0x242: {  	s1 =	sadd.s32 @!p0 $0x2, s3  }
.Ltmp7:
0x243: {  	(pc) =	sbr.rel .LBB2_12-.Ltmp7, $4  }
0x244: {  	s0 =	simm.s32 $0x6  }
0x245: {  	_ =	swait.ge [sflag:s0], $0x4000  }
0x246: {  	s1 =	simm.s32 @p0 $0x9B;
	[sflag:s0] =	ssyncset.done $0x0  }
0x247: {  	s17 =	simm.s32 $0x8400;
	[dreg:$0x1b] =	wrdreg s1;
	[sflag:s0] =	ssyncadd.s32 $0xFFFFC000  }
.LBB2_10:
0x248: {  	[dreg:$0x1b] =	wrdreg s1;
	s17 =	simm.s32 $0x8400  }
.LBB2_12:
0x249: {  	s3 =	simm.s32 $0x0;
	s1 =	simm.s32 $0x3  }
0x24a: {  	_ =	swait.ge [sflag:s1], $0x4000;
	s19 =	sand.u32 $0x40, s3  }
0x24b: {  	s0 =	sand.u32 $0x380, s3;
	[sflag:s1] =	ssyncset.done $0x0;
	s24 =	sor.u32 $0x30, s19  }
0x24c: {  	[sflag:s1] =	ssyncadd.s32 $0xFFFFC000;
	s21 =	sor.u32 s24, s0  }
0x24d: {  	v0 =	vld [tilespmem:s21+$0x0]  }
0x24e: {  	v1 =	vld [tilespmem:s3+$0x0];
	s21 =	sor.u32 $0x10, s19  }
0x24f: {  	s28 =	sor.u32 $0x20, s19;
	s22 =	sor.u32 s21, s0  }
0x250: {  	s0 =	sor.u32 s28, s0;
	v2 =	vld [tilespmem:s22+$0x0]  }
0x251: {  	v3 =	vld [tilespmem:s0+$0x0]  }
0x252: {  	v4 =	vshll.u32 v0, $0x3  }
0x253: {  	v5 =	vshll.u32 v1, $0x3;
	v0 =	vand.u32 $0x7F, v0;
	v4 =	vand.u32 $0xFFFFFC00, v4  }
0x254: {  	v1 =	vand.u32 $0x7F, v1;
	v6 =	vand.u32 $0xFFFFFC00, v5;
	v5 =	vor.u32 v0, v4  }
0x255: {  	v0 =	vor.u32 v1, v6;
	v1 =	vshll.u32 v2, $0x3  }
0x256: {  	v4 =	vshll.u32 v3, $0x3;
	v2 =	vand.u32 $0x7F, v2;
	v1 =	vand.u32 $0xFFFFFC00, v1  }
0x257: {  	v3 =	vand.u32 $0x7F, v3;
	v6 =	vand.u32 $0xFFFFFC00, v4;
	v4 =	vor.u32 v2, v1  }
0x258: {  	v3 =	vor.u32 v3, v6  }
0x259: {  	v1 =	vld.idx.msk [tilespmem:v5+s17+$0x0], $0xffff  }
0x25a: {  	v2 =	vor.u32 $0x80, v5  }
0x25b: {  	s12 =	sand.u32 $0x1C00, s3;
	v6 =	vld.idx.msk [tilespmem:v0+s17+$0x0], $0xffff  }
0x25c: {  	s23 =	sadd.s32 $0x14400, s12;
	v7 =	vor.u32 $0x80, v0;
	v8 =	vld.idx.msk [tilespmem:v4+s17+$0x0], $0xffff  }
0x25d: {  	s25 =	sor.u32 s24, s23;
	v9 =	vor.u32 $0x80, v4;
	v10 =	vld.idx.msk [tilespmem:v3+s17+$0x0], $0xffff  }
0x25e: {  	v11 =	vor.u32 $0x80, v3;
	[tilespmem:s25+$0x0] =	vst v1  }
0x25f: {  	s2 =	sor.u32 s19, s23;
	v1 =	vld.idx.msk [tilespmem:v2+s17+$0x0], $0xffff  }
0x260: {  	s4 =	sor.u32 s21, s23;
	[tilespmem:s2+$0x0] =	vst v6;
	v2 =	vor.u32 $0x100, v5  }
0x261: {  	s0 =	sor.u32 s28, s23;
	v6 =	vld.idx.msk [tilespmem:v7+s17+$0x0], $0xffff;
	[tilespmem:s4+$0x0] =	vst v8  }
0x262: {  	v7 =	vor.u32 $0x100, v0;
	[tilespmem:s0+$0x0] =	vst v10;
	v8 =	vld.idx.msk [tilespmem:v9+s17+$0x0], $0xffff  }
0x263: {  	v9 =	vor.u32 $0x100, v4;
	v10 =	vld.idx.msk [tilespmem:v11+s17+$0x0], $0xffff  }
0x264: {  	v11 =	vor.u32 $0x100, v3;
	[tilespmem:s25+$0x80] =	vst v1  }
0x265: {  	v1 =	vld.idx.msk [tilespmem:v2+s17+$0x0], $0xffff  }
0x266: {  	[tilespmem:s2+$0x80] =	vst v6;
	v2 =	vor.u32 $0x180, v5  }
0x267: {  	v6 =	vld.idx.msk [tilespmem:v7+s17+$0x0], $0xffff;
	[tilespmem:s4+$0x80] =	vst v8  }
0x268: {  	v7 =	vor.u32 $0x180, v0;
	[tilespmem:s0+$0x80] =	vst v10;
	v8 =	vld.idx.msk [tilespmem:v9+s17+$0x0], $0xffff  }
0x269: {  	v9 =	vor.u32 $0x180, v4;
	v10 =	vld.idx.msk [tilespmem:v11+s17+$0x0], $0xffff  }
0x26a: {  	v11 =	vor.u32 $0x180, v3;
	[tilespmem:s25+$0x100] =	vst v1  }
0x26b: {  	v1 =	vld.idx.msk [tilespmem:v2+s17+$0x0], $0xffff  }
0x26c: {  	[tilespmem:s2+$0x100] =	vst v6;
	v2 =	vor.u32 $0x200, v5  }
0x26d: {  	v6 =	vld.idx.msk [tilespmem:v7+s17+$0x0], $0xffff;
	[tilespmem:s4+$0x100] =	vst v8  }
0x26e: {  	v7 =	vor.u32 $0x200, v0;
	[tilespmem:s0+$0x100] =	vst v10;
	v8 =	vld.idx.msk [tilespmem:v9+s17+$0x0], $0xffff  }
0x26f: {  	v9 =	vor.u32 $0x200, v4;
	v10 =	vld.idx.msk [tilespmem:v11+s17+$0x0], $0xffff  }
0x270: {  	p1 =	por $0x0, $0x0;
	s1 =	simm.s32 $0x1;
	v11 =	vor.u32 $0x200, v3;
	[tilespmem:s25+$0x180] =	vst v1  }
0x271: {  	s1 =	simm.s32 @!p1 $0x0;
	v1 =	vld.idx.msk [tilespmem:v2+s17+$0x0], $0xffff  }
0x272: {  	s1 =	sshll.u32 s1, $0x6;
	[tilespmem:s2+$0x180] =	vst v6;
	v2 =	vor.u32 $0x280, v5  }
0x273: {  	s1 =	sadd.s32 $0x0, s1;
	v6 =	vld.idx.msk [tilespmem:v7+s17+$0x0], $0xffff;
	[tilespmem:s4+$0x180] =	vst v8  }
0x274: {  	s26 =	sadd.s32 $0x30, s1;
	v7 =	vor.u32 $0x280, v0;
	[tilespmem:s0+$0x180] =	vst v10;
	v8 =	vld.idx.msk [tilespmem:v9+s17+$0x0], $0xffff  }
0x275: {  	s6 =	sor.u32 $0x200, s26;
	v9 =	vor.u32 $0x280, v4;
	v10 =	vld.idx.msk [tilespmem:v11+s17+$0x0], $0xffff  }
0x276: {  	v11 =	vor.u32 $0x280, v3;
	[tilespmem:s6+$0x14400] =	vst v1  }
0x277: {  	s7 =	sadd.s32 $0x10, s1;
	s8 =	sor.u32 $0x200, s1;
	v1 =	vld.idx.msk [tilespmem:v2+s17+$0x0], $0xffff  }
0x278: {  	s5 =	sadd.s32 $0x20, s1;
	s6 =	sor.u32 $0x200, s7;
	[tilespmem:s8+$0x14400] =	vst v6;
	v2 =	vor.u32 $0x300, v5  }
0x279: {  	s9 =	sor.u32 $0x200, s5;
	v6 =	vld.idx.msk [tilespmem:v7+s17+$0x0], $0xffff;
	[tilespmem:s6+$0x14400] =	vst v8  }
0x27a: {  	v7 =	vor.u32 $0x300, v0;
	[tilespmem:s9+$0x14400] =	vst v10;
	v8 =	vld.idx.msk [tilespmem:v9+s17+$0x0], $0xffff  }
0x27b: {  	s10 =	sor.u32 $0x280, s26;
	v9 =	vor.u32 $0x300, v4;
	v10 =	vld.idx.msk [tilespmem:v11+s17+$0x0], $0xffff  }
0x27c: {  	v11 =	vor.u32 $0x300, v3;
	[tilespmem:s10+$0x14400] =	vst v1  }
0x27d: {  	s11 =	sor.u32 $0x280, s1;
	v1 =	vld.idx.msk [tilespmem:v2+s17+$0x0], $0xffff  }
0x27e: {  	s13 =	sor.u32 $0x280, s7;
	[tilespmem:s11+$0x14400] =	vst v6;
	v2 =	vor.u32 $0x380, v5  }
0x27f: {  	s14 =	sor.u32 $0x280, s5;
	v6 =	vld.idx.msk [tilespmem:v7+s17+$0x0], $0xffff;
	[tilespmem:s13+$0x14400] =	vst v8  }
0x280: {  	v7 =	vor.u32 $0x380, v0;
	[tilespmem:s14+$0x14400] =	vst v10;
	v8 =	vld.idx.msk [tilespmem:v9+s17+$0x0], $0xffff  }
0x281: {  	s15 =	sor.u32 $0x300, s26;
	v9 =	vor.u32 $0x380, v4;
	v10 =	vld.idx.msk [tilespmem:v11+s17+$0x0], $0xffff  }
0x282: {  	v11 =	vor.u32 $0x380, v3;
	[tilespmem:s15+$0x14400] =	vst v1  }
0x283: {  	s1 =	sor.u32 $0x300, s1;
	s13 =	simm.s32 $0x40;
	v1 =	vld.idx.msk [tilespmem:v2+s17+$0x0], $0xffff  }
0x284: {  	s16 =	sor.u32 $0x300, s7;
	[tilespmem:s1+$0x14400] =	vst v6;
	v2 =	vld [tilespmem:s13+$0x0]  }
0x285: {  	s18 =	sor.u32 $0x300, s5;
	v6 =	vadd.s32 $0x2000, v5;
	s1 =	sand.u32 $0x40, s13;
	v7 =	vld.idx.msk [tilespmem:v7+s17+$0x0], $0xffff;
	[tilespmem:s16+$0x14400] =	vst v8  }
0x286: {  	s20 =	sand.u32 $0x380, s13;
	s23 =	sor.u32 $0x30, s1;
	[tilespmem:s18+$0x14400] =	vst v10;
	v8 =	vld.idx.msk [tilespmem:v9+s17+$0x0], $0xffff  }
0x287: {  	s10 =	sor.u32 $0x10, s1;
	s22 =	sor.u32 s23, s20;
	v9 =	vadd.s32 $0x2000, v4;
	v10 =	vld.idx.msk [tilespmem:v11+s17+$0x0], $0xffff  }
0x288: {  	s0 =	sor.u32 $0x380, s26;
	s25 =	sor.u32 s10, s20;
	v11 =	vadd.s32 $0x2000, v3;
	v12 =	vld [tilespmem:s22+$0x0]  }
0x289: {  	v13 =	vadd.s32 $0x2000, v0;
	s11 =	sor.u32 $0x20, s1;
	v14 =	vld [tilespmem:s25+$0x0];
	[tilespmem:s0+$0x14400] =	vst v1  }
0x28a: {  	s2 =	sor.u32 $0x380, s7;
	s4 =	sor.u32 s11, s20;
	v1 =	vshll.u32 v2, $0x3;
	v6 =	vld.idx.msk [tilespmem:v6+s17+$0x0], $0xffff  }
0x28b: {  	s26 =	sor.u32 $0x380, s5;
	s5 =	sor.u32 s3, s3;
	v15 =	vld [tilespmem:s4+$0x0];
	v2 =	vand.u32 $0x7F, v2;
	v1 =	vand.u32 $0xFFFFFC00, v1;
	[tilespmem:s2+$0x14400] =	vst v8;
	v8 =	vadd.s32 $0x2080, v5  }
0x28c: {  	s6 =	sor.u32 $0x380, s5;
	[tilespmem:s26+$0x14400] =	vst v10;
	v1 =	vor.u32 v2, v1;
	v9 =	vld.idx.msk [tilespmem:v9+s17+$0x0], $0xffff  }
0x28d: {  	v16 =	vadd.s32 $0x2080, v3;
	s7 =	sadd.s32 $0x16400, s12;
	[tilespmem:s6+$0x14400] =	vst v7;
	v10 =	vadd.s32 $0x2080, v4;
	v2 =	vshll.u32 v12, $0x3;
	v11 =	vld.idx.msk [tilespmem:v11+s17+$0x0], $0xffff  }
0x28e: {  	s8 =	sor.u32 s24, s7;
	v7 =	vand.u32 $0x7F, v12;
	v12 =	vld.idx.msk [tilespmem:v13+s17+$0x0], $0xffff;
	v13 =	vshll.u32 v14, $0x3;
	v2 =	vand.u32 $0xFFFFFC00, v2  }
0x28f: {  	v14 =	vand.u32 $0x7F, v14;
	v2 =	vor.u32 v7, v2;
	v7 =	vand.u32 $0xFFFFFC00, v13;
	[tilespmem:s8+$0x0] =	vst v6  }
0x290: {  	s9 =	sor.u32 s21, s7;
	v18 =	vand.u32 $0x7F, v15;
	v13 =	vshll.u32 v15, $0x3;
	v15 =	vor.u32 v14, v7;
	v8 =	vld.idx.msk [tilespmem:v8+s17+$0x0], $0xffff  }
0x291: {  	s14 =	sor.u32 s28, s7;
	v6 =	vadd.s32 $0x2080, v0;
	v17 =	vld.idx.msk [tilespmem:v1+s17+$0x0], $0xffff;
	[tilespmem:s9+$0x0] =	vst v9  }
0x292: {  	v13 =	vand.u32 $0xFFFFFC00, v13;
	v9 =	vadd.s32 $0x2100, v5;
	[tilespmem:s14+$0x0] =	vst v11;
	v7 =	vld.idx.msk [tilespmem:v10+s17+$0x0], $0xffff  }
0x293: {  	s15 =	sor.u32 s19, s7;
	s7 =	simm.s32 $0x200;
	v27 =	vor.u32 v18, v13;
	v10 =	vld.idx.msk [tilespmem:v16+s17+$0x0], $0xffff  }
0x294: {  	s16 =	sadd.s32 $0x16480, s12;
	[tilespmem:s15+$0x0] =	vst v12;
	v11 =	vadd.s32 $0x2100, v4;
	s9 =	sand.u32 $0x1C00, s7;
	v12 =	vld.idx.msk [tilespmem:v2+s17+$0x0], $0xffff  }
0x295: {  	s18 =	sor.u32 s24, s16;
	v13 =	vadd.s32 $0x2100, v3;
	s25 =	sadd.s32 $0x14400, s9;
	v16 =	vld.idx.msk [tilespmem:v15+s17+$0x0], $0xffff  }
0x296: {  	s4 =	sor.u32 s1, s25;
	v6 =	vld.idx.msk [tilespmem:v6+s17+$0x0], $0xffff;
	[tilespmem:s18+$0x0] =	vst v8;
	v8 =	vor.u32 $0x80, v2  }
0x297: {  	s20 =	sor.u32 s21, s16;
	[tilespmem:s4+$0x0] =	vst v17;
	v9 =	vld.idx.msk [tilespmem:v9+s17+$0x0], $0xffff  }
0x298: {  	s22 =	sor.u32 s28, s16;
	v14 =	vor.u32 $0x80, v1;
	v18 =	vld.idx.msk [tilespmem:v27+s17+$0x0], $0xffff;
	[tilespmem:s20+$0x0] =	vst v7  }
0x299: {  	s3 =	sor.u32 s23, s25;
	[tilespmem:s22+$0x0] =	vst v10;
	v11 =	vld.idx.msk [tilespmem:v11+s17+$0x0], $0xffff  }
0x29a: {  	s8 =	sadd.s32 $0x16500, s12;
	v7 =	vadd.s32 $0x2180, v5;
	[tilespmem:s3+$0x0] =	vst v12;
	v12 =	vld.idx.msk [tilespmem:v13+s17+$0x0], $0xffff  }
0x29b: {  	v19 =	vor.u32 $0x80, v15;
	s26 =	sor.u32 s24, s8;
	v8 =	vld.idx.msk [tilespmem:v8+s17+$0x0], $0xffff;
	[dreg:$0x4] =	wrdreg s10  }
0x29c: {  	v10 =	vor.u32 $0x80, v27;
	[tilespmem:s26+$0x0] =	vst v9  }
0x29d: {  	s2 =	sor.u32 s10, s25;
	v13 =	vadd.s32 $0x2100, v0;
	v14 =	vld.idx.msk [tilespmem:v14+s17+$0x0], $0xffff;
	[dreg:$0x7] =	wrdreg s11  }
0x29e: {  	v17 =	vadd.s32 $0x2180, v4;
	s11 =	sor.u32 s11, s25;
	[tilespmem:s2+$0x0] =	vst v16  }
0x29f: {  	s5 =	sor.u32 s19, s16;
	v9 =	vor.u32 $0x100, v2;
	v7 =	vld.idx.msk [tilespmem:v7+s17+$0x0], $0xffff;
	[tilespmem:s11+$0x0] =	vst v18  }
0x2a0: {  	s14 =	sor.u32 s21, s8;
	v16 =	vor.u32 $0x100, v1;
	[tilespmem:s5+$0x0] =	vst v6;
	v19 =	vld.idx.msk [tilespmem:v19+s17+$0x0], $0xffff  }
0x2a1: {  	s18 =	sor.u32 s28, s8;
	v6 =	vadd.s32 $0x2200, v5;
	[tilespmem:s14+$0x0] =	vst v11;
	v10 =	vld.idx.msk [tilespmem:v10+s17+$0x0], $0xffff  }
0x2a2: {  	v18 =	vor.u32 $0x100, v15;
	[tilespmem:s18+$0x0] =	vst v12;
	v13 =	vld.idx.msk [tilespmem:v13+s17+$0x0], $0xffff  }
0x2a3: {  	s15 =	sadd.s32 $0x16580, s12;
	v11 =	vor.u32 $0x100, v27;
	[tilespmem:s3+$0x80] =	vst v8;
	v8 =	vld.idx.msk [tilespmem:v17+s17+$0x0], $0xffff  }
0x2a4: {  	s16 =	sor.u32 s24, s15;
	v17 =	vadd.s32 $0x2180, v3;
	[tilespmem:s4+$0x80] =	vst v14;
	v9 =	vld.idx.msk [tilespmem:v9+s17+$0x0], $0xffff  }
0x2a5: {  	v14 =	vld.idx.msk [tilespmem:v16+s17+$0x0], $0xffff;
	v16 =	vadd.s32 $0x2180, v0;
	[tilespmem:s16+$0x0] =	vst v7  }
0x2a6: {  	v7 =	vor.u32 $0x180, v2;
	[tilespmem:s2+$0x80] =	vst v19;
	v6 =	vld.idx.msk [tilespmem:v6+s17+$0x0], $0xffff  }
0x2a7: {  	s8 =	sor.u32 s19, s8;
	v19 =	vor.u32 $0x180, v1;
	[tilespmem:s11+$0x80] =	vst v10;
	v18 =	vld.idx.msk [tilespmem:v18+s17+$0x0], $0xffff  }
0x2a8: {  	s22 =	sor.u32 s21, s15;
	[tilespmem:s8+$0x0] =	vst v13;
	v10 =	vld.idx.msk [tilespmem:v11+s17+$0x0], $0xffff;
	v11 =	vadd.s32 $0x2280, v5  }
0x2a9: {  	v12 =	vor.u32 $0x180, v15;
	v13 =	vld.idx.msk [tilespmem:v17+s17+$0x0], $0xffff;
	[tilespmem:s22+$0x0] =	vst v8  }
0x2aa: {  	s5 =	sadd.s32 $0x16600, s12;
	v17 =	vor.u32 $0x180, v27;
	[tilespmem:s3+$0x100] =	vst v9;
	v9 =	vld.idx.msk [tilespmem:v16+s17+$0x0], $0xffff  }
0x2ab: {  	s20 =	sor.u32 s24, s5;
	v16 =	vadd.s32 $0x2200, v4;
	[tilespmem:s4+$0x100] =	vst v14;
	v7 =	vld.idx.msk [tilespmem:v7+s17+$0x0], $0xffff  }
0x2ac: {  	v14 =	vadd.s32 $0x2200, v3;
	v19 =	vld.idx.msk [tilespmem:v19+s17+$0x0], $0xffff;
	[tilespmem:s20+$0x0] =	vst v6  }
0x2ad: {  	v6 =	vor.u32 $0x200, v2;
	[tilespmem:s2+$0x100] =	vst v18;
	v11 =	vld.idx.msk [tilespmem:v11+s17+$0x0], $0xffff  }
0x2ae: {  	s25 =	sor.u32 s28, s15;
	v18 =	vor.u32 $0x200, v1;
	[tilespmem:s11+$0x100] =	vst v10;
	v12 =	vld.idx.msk [tilespmem:v12+s17+$0x0], $0xffff  }
0x2af: {  	v8 =	vadd.s32 $0x2300, v5;
	[tilespmem:s25+$0x0] =	vst v13;
	v10 =	vld.idx.msk [tilespmem:v17+s17+$0x0], $0xffff  }
0x2b0: {  	v17 =	vor.u32 $0x200, v15;
	v16 =	vld.idx.msk [tilespmem:v16+s17+$0x0], $0xffff;
	[tilespmem:s3+$0x180] =	vst v7;
	s3 =	sadd.s32 $0x16680, s12  }
0x2b1: {  	v13 =	vor.u32 $0x200, v27;
	v7 =	vld.idx.msk [tilespmem:v14+s17+$0x0], $0xffff;
	[tilespmem:s4+$0x180] =	vst v19;
	s26 =	sor.u32 s24, s3  }
0x2b2: {  	p1 =	por !p1, !p1;
	s8 =	simm.s32 $0x1;
	v6 =	vld.idx.msk [tilespmem:v6+s17+$0x0], $0xffff;
	[tilespmem:s26+$0x0] =	vst v11  }
0x2b3: {  	s8 =	simm.s32 @!p1 $0x0;
	v14 =	vadd.s32 $0x2200, v0;
	v18 =	vld.idx.msk [tilespmem:v18+s17+$0x0], $0xffff;
	[tilespmem:s2+$0x180] =	vst v12  }
0x2b4: {  	s10 =	sor.u32 s19, s15;
	s8 =	sshll.u32 s8, $0x6;
	v19 =	vadd.s32 $0x2280, v4;
	v8 =	vld.idx.msk [tilespmem:v8+s17+$0x0], $0xffff;
	[tilespmem:s11+$0x180] =	vst v10;
	s11 =	sor.u32 s7, s13  }
0x2b5: {  	[tilespmem:s10+$0x0] =	vst v9;
	s4 =	sadd.s32 $0x200, s8;
	v11 =	vor.u32 $0x280, v2;
	v17 =	vld.idx.msk [tilespmem:v17+s17+$0x0], $0xffff;
	s0 =	sor.u32 $0x380, s11  }
0x2b6: {  	v22 =	vadd.s32 $0x2280, v3;
	s15 =	sor.u32 s21, s5;
	s20 =	sadd.s32 $0x30, s4;
	v10 =	vld.idx.msk [tilespmem:v13+s17+$0x0], $0xffff;
	[dreg:$0xa] =	wrdreg s0  }
0x2b7: {  	v12 =	vor.u32 $0x280, v1;
	s16 =	sor.u32 $0x200, s20;
	[tilespmem:s15+$0x0] =	vst v16  }
0x2b8: {  	v9 =	vadd.s32 $0x2380, v5;
	s2 =	sor.u32 s19, s5;
	s5 =	sor.u32 s28, s5;
	v14 =	vld.idx.msk [tilespmem:v14+s17+$0x0], $0xffff;
	[tilespmem:s16+$0x14400] =	vst v6  }
0x2b9: {  	v29 =	vadd.s32 $0x2280, v0;
	s22 =	sadd.s32 $0x16700, s12;
	s18 =	sor.u32 $0x200, s4;
	v13 =	vor.u32 $0x280, v15;
	[tilespmem:s5+$0x0] =	vst v7;
	v28 =	vld.idx.msk [tilespmem:v19+s17+$0x0], $0xffff  }
0x2ba: {  	v36 =	vor.u32 $0x300, v1;
	v34 =	vor.u32 $0x300, v2;
	v21 =	vor.u32 $0x280, v27;
	s14 =	simm.s32 $0x4;
	s25 =	sor.u32 s24, s22;
	s12 =	sadd.s32 $0x16780, s12;
	[tilespmem:s18+$0x14400] =	vst v18;
	v18 =	vld.idx.msk [tilespmem:v11+s17+$0x0], $0xffff  }
0x2bb: {  	v25 =	vor.u32 $0x300, v15;
	v23 =	vor.u32 $0x380, v15;
	v20 =	vadd.s32 $0x2000, v15;
	s10 =	sor.u32 s19, s3;
	s24 =	sor.u32 s24, s12;
	s6 =	sadd.s32 $0x10, s4;
	v30 =	vld.idx.msk [tilespmem:v22+s17+$0x0], $0xffff  }
0x2bc: {  	v26 =	vor.u32 $0x300, v27;
	v24 =	vor.u32 $0x380, v27;
	v5 =	vadd.s32 $0x2300, v4;
	s30 =	sor.u32 $0x300, s4;
	s26 =	sor.u32 $0x200, s6;
	s15 =	sadd.s32 $0x20, s4;
	v32 =	vld.idx.msk [tilespmem:v12+s17+$0x0], $0xffff;
	[tilespmem:s25+$0x0] =	vst v8  }
0x2bd: {  	v4 =	vadd.s32 $0x2380, v4;
	s31 =	sor.u32 $0x280, s6;
	s29 =	sor.u32 $0x380, s6;
	v6 =	vadd.s32 $0x2300, v3;
	v3 =	vadd.s32 $0x2380, v3;
	s16 =	sor.u32 $0x200, s15;
	[tilespmem:s26+$0x14400] =	vst v17;
	v35 =	vld.idx.msk [tilespmem:v9+s17+$0x0], $0xffff  }
0x2be: {  	s11 =	sor.u32 s19, s22;
	v16 =	vadd.s32 $0x2080, v15;
	s5 =	sor.u32 s21, s22;
	s22 =	sor.u32 s28, s22;
	v7 =	vadd.s32 $0x2280, v15;
	v19 =	vadd.s32 $0x2000, v27;
	[tilespmem:s16+$0x14400] =	vst v10;
	v31 =	vld.idx.msk [tilespmem:v13+s17+$0x0], $0xffff  }
0x2bf: {  	s18 =	sor.u32 s21, s3;
	v11 =	vadd.s32 $0x2180, v15;
	v22 =	vadd.s32 $0x2300, v27;
	s25 =	sor.u32 s19, s12;
	s19 =	sor.u32 $0x280, s20;
	v12 =	vadd.s32 $0x2180, v27;
	v33 =	vld.idx.msk [tilespmem:v21+s17+$0x0], $0xffff;
	[tilespmem:s2+$0x0] =	vst v14  }
0x2c0: {  	s3 =	sor.u32 s28, s3;
	s8 =	sor.u32 $0x280, s15;
	v8 =	vadd.s32 $0x2280, v27;
	s16 =	sor.u32 $0x280, s4;
	v17 =	vadd.s32 $0x2080, v27;
	v9 =	vadd.s32 $0x2200, v15;
	[tilespmem:s19+$0x14400] =	vst v18;
	v29 =	vld.idx.msk [tilespmem:v29+s17+$0x0], $0xffff  }
0x2c1: {  	s0 =	sor.u32 $0x300, s15;
	s4 =	sor.u32 s21, s12;
	v10 =	vadd.s32 $0x2200, v27;
	s26 =	sor.u32 s28, s12;
	v13 =	vadd.s32 $0x2100, v15;
	v21 =	vadd.s32 $0x2300, v15;
	[tilespmem:s16+$0x14400] =	vst v32;
	v32 =	vld.idx.msk [tilespmem:v34+s17+$0x0], $0xffff  }
0x2c2: {  	v14 =	vadd.s32 $0x2100, v27;
	s2 =	sor.u32 $0x300, s6;
	s6 =	sor.u32 $0x380, s15;
	v18 =	vadd.s32 $0x2380, v15;
	v15 =	vadd.s32 $0x2380, v27;
	s19 =	simm.s32 $0x80;
	[tilespmem:s24+$0x0] =	vst v35;
	v27 =	vld.idx.msk [tilespmem:v36+s17+$0x0], $0xffff  }
.LBB2_13:
0x2c3: {  	v35 =	vor.u32 $0x380, v1  }
0x2c4: {  	[tilespmem:s8+$0x14400] =	vst v33  }
0x2c5: {  	v34 =	vld [tilespmem:s19+$0x0];
	[tilespmem:s31+$0x14400] =	vst v31  }
0x2c6: {  	v56 =	vadd.s32 $0x2300, v0;
	v26 =	vld.idx.msk [tilespmem:v26+s17+$0x0], $0xffff;
	[tilespmem:s3+$0x0] =	vst v30  }
0x2c7: {  	v31 =	vor.u32 $0x380, v2;
	[tilespmem:s30+$0x14400] =	vst v27;
	v25 =	vld.idx.msk [tilespmem:v25+s17+$0x0], $0xffff  }
0x2c8: {  	[tilespmem:s18+$0x0] =	vst v28;
	v27 =	vld.idx.msk [tilespmem:v35+s17+$0x0], $0xffff  }
0x2c9: {  	s18 =	sor.u32 $0x300, s20;
	[tilespmem:s10+$0x0] =	vst v29;
	v28 =	vld.idx.msk [tilespmem:v5+s17+$0x0], $0xffff  }
0x2ca: {  	v5 =	vmov v21;
	[tilespmem:s18+$0x14400] =	vst v32;
	v21 =	vld.idx.msk [tilespmem:v6+s17+$0x0], $0xffff  }
0x2cb: {  	s12 =	rddreg [dreg:$0x4];
	v29 =	vld.idx.msk [tilespmem:v56+s17+$0x0], $0xffff;
	[tilespmem:s0+$0x14400] =	vst v26  }
0x2cc: {  	s13 =	sadd.s32 $0x40, s13;
	v6 =	vmov v22;
	s18 =	rddreg [dreg:$0xa];
	v22 =	vld.idx.msk [tilespmem:v31+s17+$0x0], $0xffff;
	[tilespmem:s2+$0x14400] =	vst v25  }
0x2cd: {  	s28 =	smov.u32 s12;
	s12 =	sand.u32 $0x40, s13;
	v24 =	vld.idx.msk [tilespmem:v24+s17+$0x0], $0xffff;
	v25 =	vadd.s32 $0x2000, v2;
	[tilespmem:s18+$0x14400] =	vst v27  }
0x2ce: {  	s24 =	smov.u32 s23;
	s23 =	sand.u32 $0x380, s13;
	s10 =	sor.u32 $0x30, s12;
	v23 =	vld.idx.msk [tilespmem:v23+s17+$0x0], $0xffff;
	[tilespmem:s5+$0x0] =	vst v28  }
0x2cf: {  	s15 =	sor.u32 $0x20, s12;
	s3 =	sor.u32 s10, s23;
	[tilespmem:s22+$0x0] =	vst v21;
	v26 =	vld.idx.msk [tilespmem:v4+s17+$0x0], $0xffff  }
0x2d0: {  	s0 =	sor.u32 s15, s23;
	s5 =	sor.u32 $0x380, s20;
	v21 =	vadd.s32 $0x2000, v1;
	[tilespmem:s11+$0x0] =	vst v29;
	v4 =	vmov v18;
	v18 =	vld [tilespmem:s3+$0x0]  }
0x2d1: {  	s16 =	rddreg [dreg:$0x7];
	s8 =	sor.u32 $0x10, s12;
	v27 =	vshll.u32 v34, $0x3;
	v29 =	vld [tilespmem:s0+$0x0];
	[tilespmem:s5+$0x14400] =	vst v22  }
0x2d2: {  	s21 =	smov.u32 s16;
	s16 =	sor.u32 s8, s23;
	v28 =	vand.u32 $0x7F, v34;
	v27 =	vand.u32 $0xFFFFFC00, v27;
	[tilespmem:s6+$0x14400] =	vst v24;
	v24 =	vadd.s32 $0x2380, v0;
	v22 =	vld.idx.msk [tilespmem:v25+s17+$0x0], $0xffff  }
0x2d3: {  	v0 =	vmov v1;
	v1 =	vor.u32 v28, v27;
	v25 =	vld [tilespmem:s16+$0x0]  }
0x2d4: {  	v19 =	vld.idx.msk [tilespmem:v19+s17+$0x0], $0xffff  }
0x2d5: {  	[tilespmem:s29+$0x14400] =	vst v23;
	v23 =	vadd.s32 $0x2080, v2;
	v21 =	vld.idx.msk [tilespmem:v21+s17+$0x0], $0xffff  }
0x2d6: {  	s20 =	sadd.s32 $0x16400, s9;
	v20 =	vld.idx.msk [tilespmem:v20+s17+$0x0], $0xffff  }
0x2d7: {  	s5 =	sor.u32 s24, s20;
	v57 =	vadd.s32 $0x2080, v0;
	[tilespmem:s4+$0x0] =	vst v26;
	v26 =	vshll.u32 v18, $0x3;
	v58 =	vld.idx.msk [tilespmem:v24+s17+$0x0], $0xffff  }
0x2d8: {  	s0 =	sor.u32 s21, s20;
	v18 =	vand.u32 $0x7F, v18;
	v26 =	vand.u32 $0xFFFFFC00, v26;
	v38 =	vld.idx.msk [tilespmem:v1+s17+$0x0], $0xffff;
	[tilespmem:s5+$0x0] =	vst v22  }
0x2d9: {  	s22 =	sor.u32 s1, s20;
	v28 =	vor.u32 v18, v26;
	v27 =	vshll.u32 v25, $0x3;
	v22 =	vld.idx.msk [tilespmem:v3+s17+$0x0], $0xffff;
	[tilespmem:s0+$0x0] =	vst v19  }
0x2da: {  	s7 =	sadd.s32 $0x200, s7;
	s23 =	sor.u32 s28, s20;
	v37 =	vor.u32 $0x80, v1;
	v3 =	vmov v15;
	v15 =	vand.u32 $0xFFFFFC00, v27;
	v18 =	vld.idx.msk [tilespmem:v23+s17+$0x0], $0xffff;
	[tilespmem:s22+$0x0] =	vst v21  }
0x2db: {  	s4 =	sand.u32 $0x1C00, s7;
	v27 =	vshll.u32 v29, $0x3;
	v23 =	vand.u32 $0x7F, v25;
	v21 =	vld.idx.msk [tilespmem:v17+s17+$0x0], $0xffff;
	[tilespmem:s23+$0x0] =	vst v20;
	v20 =	vadd.s32 $0x2100, v2  }
0x2dc: {  	v25 =	vand.u32 $0x7F, v29;
	s22 =	sadd.s32 $0x14400, s4;
	v26 =	vand.u32 $0xFFFFFC00, v27;
	v15 =	vor.u32 v23, v15;
	v46 =	vld.idx.msk [tilespmem:v57+s17+$0x0], $0xffff  }
0x2dd: {  	s6 =	sadd.s32 $0x16480, s9;
	s3 =	sor.u32 s12, s22;
	v39 =	vor.u32 v25, v26;
	v43 =	vld.idx.msk [tilespmem:v16+s17+$0x0], $0xffff;
	[tilespmem:s25+$0x0] =	vst v58  }
0x2de: {  	v36 =	vadd.s32 $0x2100, v0;
	s18 =	sor.u32 s24, s6;
	v45 =	vld.idx.msk [tilespmem:v28+s17+$0x0], $0xffff;
	[tilespmem:s3+$0x0] =	vst v38  }
0x2df: {  	[tilespmem:s18+$0x0] =	vst v18;
	v37 =	vld.idx.msk [tilespmem:v37+s17+$0x0], $0xffff  }
0x2e0: {  	v18 =	vor.u32 $0x80, v28;
	v47 =	vld.idx.msk [tilespmem:v20+s17+$0x0], $0xffff  }
0x2e1: {  	s11 =	sor.u32 s1, s6;
	[tilespmem:s26+$0x0] =	vst v22;
	v48 =	vld.idx.msk [tilespmem:v15+s17+$0x0], $0xffff  }
0x2e2: {  	v59 =	vadd.s32 $0x2180, v2;
	s16 =	sor.u32 s28, s6;
	[tilespmem:s11+$0x0] =	vst v46;
	v49 =	vld.idx.msk [tilespmem:v39+s17+$0x0], $0xffff  }
0x2e3: {  	[dreg:$0xc] =	wrdreg s10;
	s10 =	sor.u32 s10, s22;
	v40 =	vor.u32 $0x80, v15;
	[tilespmem:s16+$0x0] =	vst v43;
	v36 =	vld.idx.msk [tilespmem:v36+s17+$0x0], $0xffff  }
0x2e4: {  	s20 =	sor.u32 s7, s13;
	s2 =	sor.u32 s21, s6;
	s23 =	sadd.s32 $0x16500, s9;
	v42 =	vor.u32 $0x80, v39;
	v52 =	vld.idx.msk [tilespmem:v13+s17+$0x0], $0xffff;
	[tilespmem:s10+$0x0] =	vst v45  }
0x2e5: {  	s5 =	sor.u32 $0x380, s20;
	[tilespmem:s2+$0x0] =	vst v21;
	s16 =	sor.u32 s24, s23;
	v62 =	vld.idx.msk [tilespmem:v18+s17+$0x0], $0xffff  }
0x2e6: {  	v63 =	vor.u32 $0x100, v28;
	[dreg:$0xa] =	wrdreg s5;
	s5 =	sor.u32 s8, s22;
	v61 =	vld.idx.msk [tilespmem:v14+s17+$0x0], $0xffff;
	[tilespmem:s16+$0x0] =	vst v47  }
0x2e7: {  	s6 =	sor.u32 s15, s22;
	[tilespmem:s5+$0x0] =	vst v48;
	v48 =	vor.u32 $0x100, v1;
	v43 =	vld.idx.msk [tilespmem:v59+s17+$0x0], $0xffff  }
0x2e8: {  	v57 =	vadd.s32 $0x2180, v0;
	s26 =	sor.u32 s28, s23;
	v40 =	vld.idx.msk [tilespmem:v40+s17+$0x0], $0xffff;
	[tilespmem:s6+$0x0] =	vst v49  }
0x2e9: {  	v49 =	vadd.s32 $0x2200, v2;
	v42 =	vld.idx.msk [tilespmem:v42+s17+$0x0], $0xffff;
	[tilespmem:s26+$0x0] =	vst v52  }
0x2ea: {  	v41 =	vor.u32 $0x100, v15;
	v52 =	vld.idx.msk [tilespmem:v11+s17+$0x0], $0xffff;
	[tilespmem:s10+$0x80] =	vst v62  }
0x2eb: {  	v44 =	vor.u32 $0x100, v39;
	s25 =	sor.u32 s1, s23;
	s18 =	sadd.s32 $0x16580, s9;
	[tilespmem:s3+$0x80] =	vst v37;
	v55 =	vld.idx.msk [tilespmem:v63+s17+$0x0], $0xffff  }
0x2ec: {  	s16 =	sor.u32 s24, s18;
	v56 =	vld.idx.msk [tilespmem:v48+s17+$0x0], $0xffff;
	[tilespmem:s25+$0x0] =	vst v36  }
0x2ed: {  	v58 =	vor.u32 $0x180, v28;
	[tilespmem:s16+$0x0] =	vst v43;
	v62 =	vld.idx.msk [tilespmem:v57+s17+$0x0], $0xffff  }
0x2ee: {  	v60 =	vadd.s32 $0x2100, v39;
	v59 =	vor.u32 $0x180, v1;
	[tilespmem:s5+$0x80] =	vst v40;
	v43 =	vld.idx.msk [tilespmem:v49+s17+$0x0], $0xffff  }
0x2ef: {  	s2 =	sor.u32 s21, s23;
	v14 =	vmov v60;
	v60 =	vadd.s32 $0x2280, v2;
	v41 =	vld.idx.msk [tilespmem:v41+s17+$0x0], $0xffff;
	[tilespmem:s6+$0x80] =	vst v42  }
0x2f0: {  	v35 =	vor.u32 $0x180, v15;
	v31 =	vor.u32 $0x200, v15;
	v42 =	vld.idx.msk [tilespmem:v44+s17+$0x0], $0xffff;
	[tilespmem:s2+$0x0] =	vst v61  }
0x2f1: {  	s22 =	sadd.s32 $0x16600, s9;
	v27 =	vor.u32 $0x280, v15;
	v25 =	vor.u32 $0x300, v15;
	v34 =	vor.u32 $0x180, v39;
	v61 =	vld.idx.msk [tilespmem:v12+s17+$0x0], $0xffff;
	[tilespmem:s10+$0x100] =	vst v55  }
0x2f2: {  	v23 =	vor.u32 $0x380, v15;
	v16 =	vadd.s32 $0x2080, v15;
	v50 =	vadd.s32 $0x2180, v15;
	s23 =	sor.u32 s24, s22;
	[tilespmem:s3+$0x100] =	vst v56;
	v63 =	vld.idx.msk [tilespmem:v58+s17+$0x0], $0xffff  }
0x2f3: {  	v53 =	vadd.s32 $0x2200, v15;
	v33 =	vadd.s32 $0x2280, v15;
	v30 =	vor.u32 $0x200, v39;
	v48 =	vld.idx.msk [tilespmem:v59+s17+$0x0], $0xffff;
	[tilespmem:s23+$0x0] =	vst v43  }
0x2f4: {  	v29 =	vor.u32 $0x280, v39;
	v26 =	vor.u32 $0x300, v39;
	v49 =	vor.u32 $0x200, v28;
	[tilespmem:s5+$0x100] =	vst v41;
	v43 =	vld.idx.msk [tilespmem:v60+s17+$0x0], $0xffff  }
0x2f5: {  	v24 =	vor.u32 $0x380, v39;
	v19 =	vadd.s32 $0x2000, v39;
	s20 =	sor.u32 s28, s18;
	v11 =	vmovc v50;
	v50 =	vor.u32 $0x200, v1;
	v35 =	vld.idx.msk [tilespmem:v35+s17+$0x0], $0xffff;
	[tilespmem:s6+$0x100] =	vst v42  }
0x2f6: {  	v17 =	vadd.s32 $0x2080, v39;
	v51 =	vadd.s32 $0x2180, v39;
	s11 =	sor.u32 s21, s18;
	v55 =	vadd.s32 $0x2200, v0;
	[tilespmem:s20+$0x0] =	vst v52;
	v34 =	vld.idx.msk [tilespmem:v34+s17+$0x0], $0xffff  }
0x2f7: {  	v54 =	vadd.s32 $0x2200, v39;
	v32 =	vadd.s32 $0x2280, v39;
	v12 =	vmovc v51;
	v51 =	vadd.s32 $0x2300, v2;
	v52 =	vld.idx.msk [tilespmem:v9+s17+$0x0], $0xffff;
	[tilespmem:s11+$0x0] =	vst v61  }
0x2f8: {  	p1 =	por !p1, !p1;
	[dreg:$0x7] =	wrdreg s15;
	v22 =	vadd.s32 $0x2100, v15;
	v20 =	vadd.s32 $0x2000, v15;
	v21 =	vadd.s32 $0x2300, v15;
	v36 =	vld.idx.msk [tilespmem:v10+s17+$0x0], $0xffff;
	[tilespmem:s10+$0x180] =	vst v63  }
0x2f9: {  	s15 =	simm.s32 $0x1;
	s0 =	sor.u32 s1, s18;
	v13 =	vmovc v22;
	v22 =	vadd.s32 $0x2300, v39;
	v18 =	vadd.s32 $0x2380, v15;
	v15 =	vadd.s32 $0x2380, v39;
	s16 =	sadd.s32 $0x16680, s9;
	[tilespmem:s3+$0x180] =	vst v48;
	v39 =	vld.idx.msk [tilespmem:v49+s17+$0x0], $0xffff  }
0x2fa: {  	s15 =	simm.s32 @!p1 $0x0;
	s26 =	sor.u32 s21, s22;
	s20 =	sor.u32 s24, s16;
	v56 =	vld.idx.msk [tilespmem:v50+s17+$0x0], $0xffff;
	[tilespmem:s0+$0x0] =	vst v62  }
0x2fb: {  	s25 =	sor.u32 s1, s22;
	v57 =	vor.u32 $0x280, v28;
	s2 =	sor.u32 s28, s22;
	s22 =	sshll.u32 s15, $0x6;
	[tilespmem:s20+$0x0] =	vst v43;
	v37 =	vld.idx.msk [tilespmem:v55+s17+$0x0], $0xffff  }
0x2fc: {  	s14 =	sadd.s32 $0x4, s14;
	v58 =	vor.u32 $0x280, v1;
	[tilespmem:s5+$0x180] =	vst v35;
	s5 =	sadd.s32 s22, s7;
	v38 =	vld.idx.msk [tilespmem:v51+s17+$0x0], $0xffff  }
0x2fd: {  	s19 =	sadd.s32 $0x40, s19;
	p2 =	slt.u32 s14, $0x3C;
	v59 =	vadd.s32 $0x2380, v2;
	v31 =	vld.idx.msk [tilespmem:v31+s17+$0x0], $0xffff;
	[tilespmem:s6+$0x180] =	vst v34;
	s20 =	sadd.s32 $0x30, s5  }
0x2fe: {  	[dreg:$0x4] =	wrdreg s8;
	s18 =	sor.u32 s28, s16;
	[tilespmem:s2+$0x0] =	vst v52;
	v30 =	vld.idx.msk [tilespmem:v30+s17+$0x0], $0xffff;
	s23 =	sor.u32 $0x200, s20  }
0x2ff: {  	v2 =	vmov v28;
	s10 =	sor.u32 s1, s16;
	s22 =	sadd.s32 $0x16700, s9;
	s8 =	sor.u32 $0x200, s5;
	v28 =	vld.idx.msk [tilespmem:v7+s17+$0x0], $0xffff;
	[tilespmem:s23+$0x14400] =	vst v39  }
0x300: {  	v61 =	vadd.s32 $0x2280, v0;
	s3 =	sor.u32 s21, s16;
	s6 =	sadd.s32 $0x10, s5;
	s29 =	sor.u32 s24, s22;
	[tilespmem:s8+$0x14400] =	vst v56;
	v35 =	vld.idx.msk [tilespmem:v57+s17+$0x0], $0xffff  }
0x301: {  	s11 =	sadd.s32 $0x20, s5;
	s30 =	sor.u32 $0x300, s5;
	s15 =	sor.u32 $0x200, s6;
	v60 =	vld.idx.msk [tilespmem:v58+s17+$0x0], $0xffff;
	[tilespmem:s29+$0x0] =	vst v38  }
0x302: {  	v62 =	vor.u32 $0x300, v2;
	s16 =	sor.u32 $0x200, s11;
	s31 =	sor.u32 $0x280, s6;
	s2 =	sor.u32 $0x300, s6;
	[tilespmem:s15+$0x14400] =	vst v31;
	v34 =	vld.idx.msk [tilespmem:v59+s17+$0x0], $0xffff  }
0x303: {  	v63 =	vor.u32 $0x300, v1;
	s0 =	sor.u32 $0x300, s11;
	s23 =	sor.u32 $0x280, s5;
	s8 =	sor.u32 $0x280, s11;
	v31 =	vld.idx.msk [tilespmem:v27+s17+$0x0], $0xffff;
	[tilespmem:s16+$0x14400] =	vst v30  }
.Ltmp8:
0x304: {  	v7 =	vmov v33;
	s5 =	sor.u32 s28, s22;
	[tilespmem:s25+$0x0] =	vst v37;
	s29 =	sor.u32 $0x380, s6;
	v33 =	vld.idx.msk [tilespmem:v29+s17+$0x0], $0xffff;
	(pc) =	sbr.rel @p2 .LBB2_13-.Ltmp8, $4  }
0x305: {  	s6 =	sor.u32 $0x380, s11;
	s11 =	sor.u32 s1, s22;
	s16 =	sor.u32 $0x280, s20;
	[tilespmem:s26+$0x0] =	vst v36;
	v29 =	vld.idx.msk [tilespmem:v61+s17+$0x0], $0xffff  }
0x306: {  	s22 =	sor.u32 s21, s22;
	s26 =	sadd.s32 $0x16780, s9;
	s9 =	smov.u32 s4;
	v30 =	vld.idx.msk [tilespmem:v8+s17+$0x0], $0xffff;
	[tilespmem:s16+$0x14400] =	vst v35  }
0x307: {  	v8 =	vmov v32;
	s25 =	sor.u32 s1, s26;
	s4 =	sor.u32 s28, s26;
	s28 =	sor.u32 s24, s26;
	[tilespmem:s23+$0x14400] =	vst v60;
	v32 =	vld.idx.msk [tilespmem:v62+s17+$0x0], $0xffff  }
0x308: {  	v9 =	vmov v53;
	v10 =	vmov v54;
	s26 =	sor.u32 s21, s26;
	s1 =	smov.u32 s12;
	s23 =	rddreg [dreg:$0xc];
	v27 =	vld.idx.msk [tilespmem:v63+s17+$0x0], $0xffff;
	[tilespmem:s28+$0x0] =	vst v34  }
0x309: {  	_ =	sdelay $0x2  }
0x30a: {  	[tilespmem:s31+$0x14400] =	vst v31;
	v58 =	vor.u32 $0x380, v2  }
0x30b: {  	[tilespmem:s8+$0x14400] =	vst v33;
	v25 =	vld.idx.msk [tilespmem:v25+s17+$0x0], $0xffff  }
0x30c: {  	v26 =	vld.idx.msk [tilespmem:v26+s17+$0x0], $0xffff  }
0x30d: {  	s7 =	sor.u32 $0x300, s20  }
0x30e: {  	[tilespmem:s7+$0x14400] =	vst v32  }
0x30f: {  	v59 =	vor.u32 $0x380, v1;
	v60 =	vld.idx.msk [tilespmem:v58+s17+$0x0], $0xffff  }
0x310: {  	v61 =	vadd.s32 $0x2000, v2;
	[tilespmem:s2+$0x14400] =	vst v25  }
0x311: {  	[tilespmem:s0+$0x14400] =	vst v26;
	v23 =	vld.idx.msk [tilespmem:v23+s17+$0x0], $0xffff  }
0x312: {  	v24 =	vld.idx.msk [tilespmem:v24+s17+$0x0], $0xffff  }
0x313: {  	[tilespmem:s30+$0x14400] =	vst v27;
	s30 =	sor.u32 $0x380, s20  }
0x314: {  	v27 =	vld.idx.msk [tilespmem:v59+s17+$0x0], $0xffff;
	[tilespmem:s30+$0x14400] =	vst v60  }
0x315: {  	v63 =	vld.idx.msk [tilespmem:v61+s17+$0x0], $0xffff  }
0x316: {  	v62 =	vadd.s32 $0x2000, v1;
	[tilespmem:s29+$0x14400] =	vst v23  }
0x317: {  	[tilespmem:s6+$0x14400] =	vst v24  }
0x318: {  	s31 =	sadd.s32 $0x16400, s9;
	v32 =	vadd.s32 $0x2080, v2;
	v20 =	vld.idx.msk [tilespmem:v20+s17+$0x0], $0xffff;
	s0 =	rddreg [dreg:$0xa]  }
0x319: {  	s7 =	sor.u32 s23, s31;
	[tilespmem:s0+$0x14400] =	vst v27  }
0x31a: {  	[tilespmem:s7+$0x0] =	vst v63  }
0x31b: {  	v33 =	vld.idx.msk [tilespmem:v62+s17+$0x0], $0xffff;
	s6 =	rddreg [dreg:$0x4]  }
0x31c: {  	v34 =	vadd.s32 $0x2080, v1;
	v19 =	vld.idx.msk [tilespmem:v19+s17+$0x0], $0xffff;
	s8 =	sor.u32 s6, s31  }
0x31d: {  	v35 =	vld.idx.msk [tilespmem:v32+s17+$0x0], $0xffff;
	[tilespmem:s8+$0x0] =	vst v20  }
0x31e: {  	v36 =	vadd.s32 $0x2100, v2;
	v16 =	vld.idx.msk [tilespmem:v16+s17+$0x0], $0xffff  }
0x31f: {  	s0 =	sor.u32 s1, s31;
	s7 =	rddreg [dreg:$0x7]  }
0x320: {  	s13 =	sadd.s32 $0x16480, s9;
	[tilespmem:s0+$0x0] =	vst v33;
	s12 =	sor.u32 s7, s31  }
0x321: {  	s14 =	sor.u32 s23, s13;
	v37 =	vld.idx.msk [tilespmem:v34+s17+$0x0], $0xffff;
	[tilespmem:s12+$0x0] =	vst v19  }
0x322: {  	v38 =	vadd.s32 $0x2100, v1;
	s15 =	sor.u32 s6, s13;
	[tilespmem:s14+$0x0] =	vst v35;
	v17 =	vld.idx.msk [tilespmem:v17+s17+$0x0], $0xffff  }
0x323: {  	v39 =	vld.idx.msk [tilespmem:v36+s17+$0x0], $0xffff;
	[tilespmem:s15+$0x0] =	vst v16  }
0x324: {  	v40 =	vadd.s32 $0x2180, v2;
	v13 =	vld.idx.msk [tilespmem:v13+s17+$0x0], $0xffff  }
0x325: {  	s0 =	sor.u32 s1, s13  }
0x326: {  	s19 =	sadd.s32 $0x16500, s9;
	s16 =	sor.u32 s7, s13;
	[tilespmem:s0+$0x0] =	vst v37  }
0x327: {  	s20 =	sor.u32 s23, s19;
	v41 =	vld.idx.msk [tilespmem:v38+s17+$0x0], $0xffff;
	[tilespmem:s16+$0x0] =	vst v17  }
0x328: {  	v42 =	vadd.s32 $0x2180, v1;
	s21 =	sor.u32 s6, s19;
	[tilespmem:s20+$0x0] =	vst v39;
	v14 =	vld.idx.msk [tilespmem:v14+s17+$0x0], $0xffff  }
0x329: {  	v43 =	vld.idx.msk [tilespmem:v40+s17+$0x0], $0xffff;
	[tilespmem:s21+$0x0] =	vst v13  }
0x32a: {  	v44 =	vadd.s32 $0x2200, v2;
	v11 =	vld.idx.msk [tilespmem:v11+s17+$0x0], $0xffff  }
0x32b: {  	[tilespmem:s18+$0x0] =	vst v28;
	s0 =	sor.u32 s1, s19  }
0x32c: {  	s28 =	sadd.s32 $0x16580, s9;
	s24 =	sor.u32 s7, s19;
	[tilespmem:s0+$0x0] =	vst v41  }
0x32d: {  	s29 =	sor.u32 s23, s28;
	v45 =	vld.idx.msk [tilespmem:v42+s17+$0x0], $0xffff;
	[tilespmem:s24+$0x0] =	vst v14  }
0x32e: {  	v46 =	vadd.s32 $0x2200, v1;
	s30 =	sor.u32 s6, s28;
	[tilespmem:s29+$0x0] =	vst v43;
	v12 =	vld.idx.msk [tilespmem:v12+s17+$0x0], $0xffff  }
0x32f: {  	v47 =	vld.idx.msk [tilespmem:v44+s17+$0x0], $0xffff;
	[tilespmem:s30+$0x0] =	vst v11  }
0x330: {  	v48 =	vadd.s32 $0x2280, v2;
	[tilespmem:s3+$0x0] =	vst v30;
	v9 =	vld.idx.msk [tilespmem:v9+s17+$0x0], $0xffff  }
0x331: {  	[tilespmem:s10+$0x0] =	vst v29;
	v5 =	vld.idx.msk [tilespmem:v5+s17+$0x0], $0xffff;
	s0 =	sor.u32 s1, s28  }
0x332: {  	v51 =	vadd.s32 $0x2300, v0;
	s8 =	sadd.s32 $0x16600, s9;
	s31 =	sor.u32 s7, s28;
	v6 =	vld.idx.msk [tilespmem:v6+s17+$0x0], $0xffff;
	[tilespmem:s0+$0x0] =	vst v45  }
0x333: {  	s10 =	sor.u32 s23, s8;
	v49 =	vld.idx.msk [tilespmem:v46+s17+$0x0], $0xffff;
	[tilespmem:s31+$0x0] =	vst v12  }
0x334: {  	v50 =	vadd.s32 $0x2280, v1;
	s12 =	sor.u32 s6, s8;
	[tilespmem:s10+$0x0] =	vst v47;
	v10 =	vld.idx.msk [tilespmem:v10+s17+$0x0], $0xffff  }
0x335: {  	v52 =	vld.idx.msk [tilespmem:v48+s17+$0x0], $0xffff;
	[tilespmem:s12+$0x0] =	vst v9  }
0x336: {  	v53 =	vadd.s32 $0x2300, v2;
	[tilespmem:s5+$0x0] =	vst v5;
	v7 =	vld.idx.msk [tilespmem:v7+s17+$0x0], $0xffff  }
0x337: {  	v55 =	vld.idx.msk [tilespmem:v51+s17+$0x0], $0xffff;
	[tilespmem:s22+$0x0] =	vst v6;
	s0 =	sor.u32 s1, s8  }
0x338: {  	s13 =	sor.u32 s7, s8;
	s14 =	sadd.s32 $0x16680, s9;
	v4 =	vld.idx.msk [tilespmem:v4+s17+$0x0], $0xffff;
	[tilespmem:s0+$0x0] =	vst v49  }
0x339: {  	v57 =	vadd.s32 $0x2380, v0;
	s15 =	sor.u32 s23, s14;
	v54 =	vld.idx.msk [tilespmem:v50+s17+$0x0], $0xffff;
	[tilespmem:s13+$0x0] =	vst v10  }
0x33a: {  	v56 =	vadd.s32 $0x2300, v1;
	s16 =	sor.u32 s6, s14;
	[tilespmem:s15+$0x0] =	vst v52;
	v8 =	vld.idx.msk [tilespmem:v8+s17+$0x0], $0xffff  }
0x33b: {  	v58 =	vld.idx.msk [tilespmem:v53+s17+$0x0], $0xffff;
	[tilespmem:s16+$0x0] =	vst v7  }
0x33c: {  	v59 =	vadd.s32 $0x2380, v2;
	[tilespmem:s11+$0x0] =	vst v55;
	v60 =	vld.idx.msk [tilespmem:v21+s17+$0x0], $0xffff  }
0x33d: {  	v3 =	vld.idx.msk [tilespmem:v3+s17+$0x0], $0xffff;
	[tilespmem:s4+$0x0] =	vst v4;
	s0 =	sor.u32 s1, s14  }
0x33e: {  	s18 =	sor.u32 s7, s14;
	s19 =	sadd.s32 $0x16700, s9;
	v0 =	vld.idx.msk [tilespmem:v57+s17+$0x0], $0xffff;
	[tilespmem:s0+$0x0] =	vst v54  }
0x33f: {  	s20 =	sor.u32 s23, s19;
	v6 =	vld.idx.msk [tilespmem:v56+s17+$0x0], $0xffff;
	[tilespmem:s18+$0x0] =	vst v8  }
0x340: {  	s21 =	sor.u32 s6, s19;
	[tilespmem:s20+$0x0] =	vst v58;
	v61 =	vld.idx.msk [tilespmem:v22+s17+$0x0], $0xffff  }
0x341: {  	v62 =	vadd.s32 $0x2380, v1;
	v2 =	vld.idx.msk [tilespmem:v59+s17+$0x0], $0xffff;
	[tilespmem:s21+$0x0] =	vst v60  }
0x342: {  	[tilespmem:s26+$0x0] =	vst v3;
	v63 =	vld.idx.msk [tilespmem:v18+s17+$0x0], $0xffff  }
0x343: {  	[tilespmem:s25+$0x0] =	vst v0;
	s0 =	sor.u32 s1, s19  }
0x344: {  	s22 =	sor.u32 s7, s19;
	s24 =	sadd.s32 $0x16780, s9;
	[tilespmem:s0+$0x0] =	vst v6  }
0x345: {  	s25 =	sor.u32 s23, s24;
	[tilespmem:s22+$0x0] =	vst v61  }
0x346: {  	s26 =	sor.u32 s6, s24;
	v1 =	vld.idx.msk [tilespmem:v62+s17+$0x0], $0xffff;
	[tilespmem:s25+$0x0] =	vst v2  }
0x347: {  	v5 =	vld.idx.msk [tilespmem:v15+s17+$0x0], $0xffff;
	[tilespmem:s26+$0x0] =	vst v63  }
0x348: {  	s3 =	rddreg [dreg:$0xf]  }
.Ltmp9:
0x349: {  	s4 =	rddreg [dreg:$0x1b];
	(pc) =	sbr.rel @p0 .LBB2_16-.Ltmp9, $4  }
0x34a: {  	s0 =	sor.u32 s1, s24;
	s3 =	sadd.s32 s3, s4  }
0x34b: {  	s28 =	sor.u32 s7, s24;
	s30 =	rddreg [dreg:$0x2];
	[tilespmem:s0+$0x0] =	vst v1;
	s29 =	sshll.u32 s3, $0xB  }
0x34c: {  	s5 =	simm.s32 $0x0;
	s31 =	simm.s32 $0x14400;
	[tilespmem:s28+$0x0] =	vst v5;
	s0 =	sadd.s32 s30, s29  }
0x34d: {  	[hbm4b:s0+s5] =	stream.linear.scatter [tilespmem:s31], [sflag:$0x6], $0x4000, $0x38;
	[tilespmem:$0x18400] =	vst v63  }
0x34e: {  	s0 =	rddreg [dreg:$0x15]  }
.Ltmp10:
0x34f: {  	s1 =	rddreg [dreg:$0x19];
	(pc) =	sbr.rel .LBB2_2-.Ltmp10, $4  }
0x350: {  	s31 =	rddreg [dreg:$0x1];
	s0 =	sadd.s32 s1, s0  }
0x351: {  	s11 =	rddreg [dreg:$0x18];
	s0 =	sshll.u32 s0, $0xB  }
0x352: {  	s15 =	simm.s32 $0x400;
	s11 =	sadd.s32 $0x1, s11;
	s0 =	sadd.s32 s31, s0  }
0x353: {  	[tilespmem:s17], [sflag:$0x3] =	stream.linear.gather [hbm4b:s0+s5], $0x4000, $0x38;
	[tilespmem:$0x18400] =	vst v63  }
.LBB2_17:
0x354: {  	_ =	sfence.sel $0x180000  }
0x355: {  	[bflag:$0x0] =	sbarrier.arrive $0xFFFF  }
0x356: {  	_ =	strace $0x90000047  }
0x357: {  	s0 =	stileid.u32;
	[bflag:$0x2] =	sbarrier.arrive $0xFFFF  }
0x358: {  	p0 =	sne.s32 s0, $0x0;
	s0 =	rddreg [dreg:$0x3]  }
0x359: {  	s0 =	sadd.s32 @!p0 $0x100000, s0  }
0x35a: {  	[sflag:s0] =	ssyncadd.tile.s32 @!p0 $0x1;
	_ =	shalt  }
.Lfunc_end2:
_tile_overlayer_lowered:
.L_overlay_start_2:
0x35b: {  	(tag) =	ssettag $0x2  }
0x35c: {  	s0 =	rddreg [dreg:$0x0];
	s2 =	stileid.u32  }
0x35d: {  	s1 =	rddreg [dreg:$0x1];
	p0 =	sne.s32 s2, $0x0  }
0x35e: {  	s3 =	rddreg [dreg:$0x2];
	[bflag:$0x3] =	sbarrier.arrive $0xFFFF;
	s2 =	simm.s32 @!p0 $0x1C07  }
0x35f: {  	[timem:s3], [sflag:s2] =	dma.local @!p0 [hbm:s0], s1  }
0x360: {  	s0 =	simm.s32 @!p0 $0x7  }
0x361: {  	_ =	swait.ge @!p0 [sflag:s0], s1  }
0x362: {  	s1 =	ssub.s32 @!p0 $0x0, s1;
	[sflag:s0] =	ssyncset.done @!p0 $0x0  }
0x363: {  	[sflag:s0] =	ssyncadd.s32 @!p0 s1  }
0x364: {  	[bflag:$0x3] =	sbarrier.arrive $0xFFFF  }
0x365: {  	_ =	shalt  }

</sc_bundles>
